<compile_context>
chip_gen: v7x
topology: tpu7x:2x2x1
jax: 0.10.2.dev20260603
libtpu: 0.0.44.dev20260713+nightly
codegen_flags: <defaults>
</compile_context>

<pallas_src>
import functools

import jax
import jax.numpy as jnp
from jax import lax
from jax.experimental import pallas as pl
from jax.experimental.pallas import tpu as pltpu
from jax.experimental.pallas import tpu_sc as plsc

B, S, F = 4, 8192, 2048
NC, NS, L = 2, 16, 16
NW = NC * NS
WPB = NW // B
FPW = F // WPB
NLANES = FPW // L
R = 64
NCH = S // R
NBUF = 4
PD = NBUF - 1
NT = NCH // NBUF
assert NCH % NBUF == 0


def _sc_cumsum(x):
    mesh = plsc.VectorSubcoreMesh(core_axis_name="c", subcore_axis_name="s")

    @functools.partial(
        pl.kernel,
        mesh=mesh,
        out_type=jax.ShapeDtypeStruct((B, S, F), jnp.float32),
        scratch_types=[
            pltpu.VMEM((R, FPW), jnp.float32),
            pltpu.VMEM((R, FPW), jnp.float32),
            pltpu.VMEM((R, FPW), jnp.float32),
            pltpu.VMEM((R, FPW), jnp.float32),
            pltpu.SemaphoreType.DMA,
            pltpu.SemaphoreType.DMA,
        ],
    )
    def k(x_hbm, out_hbm, buf0, buf1, buf2, buf3, sem_in, sem_out):
        bufs = (buf0, buf1, buf2, buf3)
        wid = lax.axis_index("s") * NC + lax.axis_index("c")
        b = wid // WPB
        f0 = (wid % WPB) * FPW

        def src(kk):
            return x_hbm.at[b, pl.ds(kk * R, R), pl.ds(f0, FPW)]

        def dst(kk):
            return out_hbm.at[b, pl.ds(kk * R, R), pl.ds(f0, FPW)]

        def start_in(kk, buf):
            pltpu.make_async_copy(src(kk), buf, sem_in).start()

        def wait_in(buf):
            pltpu.make_async_copy(src(0), buf, sem_in).wait()

        def start_out(kk, buf):
            pltpu.make_async_copy(buf, dst(kk), sem_out).start()

        def wait_out(buf):
            pltpu.make_async_copy(buf, dst(0), sem_out).wait()

        def compute(buf, runs):
            def row_body(r, rs):
                new = []
                for c in range(NLANES):
                    sl = pl.ds(c * L, L)
                    v = rs[c] + buf[r, sl]
                    buf[r, sl] = v
                    new.append(v)
                return tuple(new)

            return lax.fori_loop(0, R, row_body, runs, unroll=2)

        runs0 = tuple(jnp.zeros((L,), jnp.float32) for _ in range(NLANES))
        for j in range(PD):
            start_in(j, bufs[j])

        def ring(t, runs):
            k0 = NBUF * t
            for j in range(NBUF):
                kk = k0 + j
                buf = bufs[j]
                wait_in(buf)
                runs = compute(buf, runs)
                start_out(kk, buf)
                nxt = bufs[(j + PD) % NBUF]

                @pl.when(kk + PD < NCH)
                def _():
                    @pl.when(kk >= 1)
                    def _():
                        wait_out(nxt)

                    start_in(kk + PD, nxt)

            return runs

        lax.fori_loop(0, NT, ring, runs0)
        for j in range(NBUF):
            wait_out(bufs[(j + 1) % NBUF])

    return k(x)


def kernel(x, dim, dtype):
    return _sc_cumsum(x)

# --- scband reference (transcript-rebuilt; emitter-appended) ---
"""Pipeline reference for scband-torch-ops-aten-cumsum-dimname-module-66236985639504 (READ-ONLY COPY).

The authoritative reference and input builder live on the scoring server;
editing this copy changes nothing except your own understanding.
"""

import jax, jax.numpy as jnp
import numpy as np

def setup_inputs(seed: int = 0) -> dict:
    key = jax.random.key(seed)
    x = jax.random.normal(key, (4, 8192, 2048), dtype=jnp.float32)
    # dim is the axis for cumsum (dimname resolved to positional axis 1 = seq dim)
    # dtype arg of aten.cumsum is None in the original module -> keep input dtype; we pass 0 as a sentinel and ignore it
    return {"x": x, "dim": 1, "dtype": 0}

def reference(x, dim, dtype):
    # torch.ops.aten.cumsum.dimname(x, dim, dtype=None) -> cumulative sum along `dim`,
    # output dtype equals input dtype when dtype is None.
    # The axis must be static under tracing; setup_inputs always passes dim=1,
    # so axis=1 is used statically while the traced dim (and dtype sentinel)
    # remain consumed via a zero-valued term.
    zero_dep = (jnp.asarray(dim) * 0 + jnp.asarray(dtype) * 0).astype(x.dtype)
    return jnp.cumsum(x, axis=1) + zero_dep

if __name__ == "__main__":
    import jax
    _d = setup_inputs()
    print(jax.jit(kernel)(*tuple(_d.values())))

</pallas_src>

<mosaic_0001>
#map = affine_map<(d0, d1) -> (0, 0, 0)>
module attributes {stable_mosaic.version = 14 : i64} {
  func.func @k(%arg0: i32, %arg1: i32, %arg2: memref<4x8192x2048xf32, #tpu.memory_space<hbm>>, %arg3: memref<4x8192x2048xf32, #tpu.memory_space<hbm>>, %arg4: memref<64x256xf32, #tpu.memory_space<vmem>>, %arg5: memref<64x256xf32, #tpu.memory_space<vmem>>, %arg6: memref<64x256xf32, #tpu.memory_space<vmem>>, %arg7: memref<64x256xf32, #tpu.memory_space<vmem>>, %arg8: memref<!tpu.dma_semaphore, #tpu.memory_space<semaphore_mem>>, %arg9: memref<!tpu.dma_semaphore, #tpu.memory_space<semaphore_mem>>) attributes {dimension_semantics = [#tpu.dimension_semantics<core_parallel>, #tpu.dimension_semantics<subcore_parallel>], iteration_bounds = array<i64: 2, 16>, scalar_prefetch = 0 : i64, scratch_operands = 6 : i64, tpu.core_type = #tpu.core_type<sc_vector_subcore>, window_params = [{transform_indices = #map}, {transform_indices = #map}]} {
    %mul3A = arith.constant 2 : i32
    %mul3A_0 = arith.muli %arg1, %mul3A : i32
    %add3A = arith.addi %mul3A_0, %arg0 : i32
    %jit3A = arith.constant 8 : i32
    %div3A = arith.divsi %add3A, %jit3A : i32
    %sign3A = arith.constant 0 : i32
    %sign3A_1 = arith.cmpi sgt, %add3A, %sign3A : i32
    %sign3A_2 = arith.extui %sign3A_1 : i1 to i32
    %sign3A_3 = arith.constant 0 : i32
    %sign3A_4 = arith.cmpi slt, %add3A, %sign3A_3 : i32
    %sign3A_5 = arith.extui %sign3A_4 : i1 to i32
    %sign3A_6 = arith.subi %sign3A_2, %sign3A_5 : i32
    %sign3A_7 = arith.constant 0 : i32
    %sign3A_8 = arith.cmpi sgt, %jit3A, %sign3A_7 : i32
    %sign3A_9 = arith.extui %sign3A_8 : i1 to i32
    %sign3A_10 = arith.constant 0 : i32
    %sign3A_11 = arith.cmpi slt, %jit3A, %sign3A_10 : i32
    %sign3A_12 = arith.extui %sign3A_11 : i1 to i32
    %sign3A_13 = arith.subi %sign3A_9, %sign3A_12 : i32
    %ne3A = arith.cmpi ne, %sign3A_6, %sign3A_13 : i32
    %rem3A = arith.remsi %add3A, %jit3A : i32
    %ne3A_14 = arith.constant 0 : i32
    %ne3A_15 = arith.cmpi ne, %rem3A, %ne3A_14 : i32
    %and3A = arith.andi %ne3A, %ne3A_15 : i1
    %sub3A = arith.constant 1 : i32
    %sub3A_16 = arith.subi %div3A, %sub3A : i32
    %select_n3A = arith.select %and3A, %sub3A_16, %div3A : i32
    %jit3A_17 = arith.constant 8 : i32
    %eq3A = arith.constant 0 : i32
    %eq3A_18 = arith.cmpi eq, %jit3A_17, %eq3A : i32
    %jit3A_19 = arith.constant 1 : i32
    %select_n3A_20 = arith.select %eq3A_18, %jit3A_19, %jit3A_17 : i32
    %rem3A_21 = arith.remsi %add3A, %select_n3A_20 : i32
    %ne3A_22 = arith.constant 0 : i32
    %ne3A_23 = arith.cmpi ne, %rem3A_21, %ne3A_22 : i32
    %lt3A = arith.constant 0 : i32
    %lt3A_24 = arith.cmpi slt, %rem3A_21, %lt3A : i32
    %lt3A_25 = arith.constant 0 : i32
    %lt3A_26 = arith.cmpi slt, %select_n3A_20, %lt3A_25 : i32
    %ne3A_27 = arith.xori %lt3A_24, %lt3A_26 : i1
    %and3A_28 = arith.andi %ne3A_27, %ne3A_23 : i1
    %add3A_29 = arith.addi %rem3A_21, %select_n3A_20 : i32
    %select_n3A_30 = arith.select %and3A_28, %add3A_29, %rem3A_21 : i32
    %mul3A_31 = arith.constant 256 : i32
    %mul3A_32 = arith.muli %select_n3A_30, %mul3A_31 : i32
    %broadcast_in_dim3A = arith.constant 0.000000e+00 : f32
    %broadcast_in_dim3A_33 = vector.broadcast %broadcast_in_dim3A : f32 to vector<16xf32>
    %broadcast_in_dim3A_34 = arith.constant 0.000000e+00 : f32
    %broadcast_in_dim3A_35 = vector.broadcast %broadcast_in_dim3A_34 : f32 to vector<16xf32>
    %broadcast_in_dim3A_36 = arith.constant 0.000000e+00 : f32
    %broadcast_in_dim3A_37 = vector.broadcast %broadcast_in_dim3A_36 : f32 to vector<16xf32>
    %broadcast_in_dim3A_38 = arith.constant 0.000000e+00 : f32
    %broadcast_in_dim3A_39 = vector.broadcast %broadcast_in_dim3A_38 : f32 to vector<16xf32>
    %broadcast_in_dim3A_40 = arith.constant 0.000000e+00 : f32
    %broadcast_in_dim3A_41 = vector.broadcast %broadcast_in_dim3A_40 : f32 to vector<16xf32>
    %broadcast_in_dim3A_42 = arith.constant 0.000000e+00 : f32
    %broadcast_in_dim3A_43 = vector.broadcast %broadcast_in_dim3A_42 : f32 to vector<16xf32>
    %broadcast_in_dim3A_44 = arith.constant 0.000000e+00 : f32
    %broadcast_in_dim3A_45 = vector.broadcast %broadcast_in_dim3A_44 : f32 to vector<16xf32>
    %broadcast_in_dim3A_46 = arith.constant 0.000000e+00 : f32
    %broadcast_in_dim3A_47 = vector.broadcast %broadcast_in_dim3A_46 : f32 to vector<16xf32>
    %broadcast_in_dim3A_48 = arith.constant 0.000000e+00 : f32
    %broadcast_in_dim3A_49 = vector.broadcast %broadcast_in_dim3A_48 : f32 to vector<16xf32>
    %broadcast_in_dim3A_50 = arith.constant 0.000000e+00 : f32
    %broadcast_in_dim3A_51 = vector.broadcast %broadcast_in_dim3A_50 : f32 to vector<16xf32>
    %broadcast_in_dim3A_52 = arith.constant 0.000000e+00 : f32
    %broadcast_in_dim3A_53 = vector.broadcast %broadcast_in_dim3A_52 : f32 to vector<16xf32>
    %broadcast_in_dim3A_54 = arith.constant 0.000000e+00 : f32
    %broadcast_in_dim3A_55 = vector.broadcast %broadcast_in_dim3A_54 : f32 to vector<16xf32>
    %broadcast_in_dim3A_56 = arith.constant 0.000000e+00 : f32
    %broadcast_in_dim3A_57 = vector.broadcast %broadcast_in_dim3A_56 : f32 to vector<16xf32>
    %broadcast_in_dim3A_58 = arith.constant 0.000000e+00 : f32
    %broadcast_in_dim3A_59 = vector.broadcast %broadcast_in_dim3A_58 : f32 to vector<16xf32>
    %broadcast_in_dim3A_60 = arith.constant 0.000000e+00 : f32
    %broadcast_in_dim3A_61 = vector.broadcast %broadcast_in_dim3A_60 : f32 to vector<16xf32>
    %broadcast_in_dim3A_62 = arith.constant 0.000000e+00 : f32
    %broadcast_in_dim3A_63 = vector.broadcast %broadcast_in_dim3A_62 : f32 to vector<16xf32>
    %dma_start3A = arith.constant 0 : i32
    %dma_start3A_64 = tpu.memref_slice %arg2[%select_n3A, %dma_start3A, %mul3A_32] : memref<4x8192x2048xf32, #tpu.memory_space<hbm>> -> memref<1x64x256xf32, #tpu.memory_space<hbm>>
    %dma_start3A_65 = tpu.memref_squeeze %dma_start3A_64 : memref<1x64x256xf32, #tpu.memory_space<hbm>> -> memref<64x256xf32, #tpu.memory_space<hbm>>
    %dma_start3A_66 = arith.constant 0 : i32
    %dma_start3A_67 = tpu.memref_slice %arg2[%select_n3A, %dma_start3A_66, %mul3A_32] : memref<4x8192x2048xf32, #tpu.memory_space<hbm>> -> memref<1x64x256xf32, #tpu.memory_space<hbm>>
    %dma_start3A_68 = tpu.memref_squeeze %dma_start3A_67 : memref<1x64x256xf32, #tpu.memory_space<hbm>> -> memref<64x256xf32, #tpu.memory_space<hbm>>
    tpu.enqueue_dma source(%dma_start3A_68 : memref<64x256xf32, #tpu.memory_space<hbm>>) target(%arg4 : memref<64x256xf32, #tpu.memory_space<vmem>>) target_semaphore(%arg8 : memref<!tpu.dma_semaphore, #tpu.memory_space<semaphore_mem>>)
    %dma_start3A_69 = arith.constant 64 : i32
    %dma_start3A_70 = tpu.memref_slice %arg2[%select_n3A, %dma_start3A_69, %mul3A_32] : memref<4x8192x2048xf32, #tpu.memory_space<hbm>> -> memref<1x64x256xf32, #tpu.memory_space<hbm>>
    %dma_start3A_71 = tpu.memref_squeeze %dma_start3A_70 : memref<1x64x256xf32, #tpu.memory_space<hbm>> -> memref<64x256xf32, #tpu.memory_space<hbm>>
    %dma_start3A_72 = arith.constant 64 : i32
    %dma_start3A_73 = tpu.memref_slice %arg2[%select_n3A, %dma_start3A_72, %mul3A_32] : memref<4x8192x2048xf32, #tpu.memory_space<hbm>> -> memref<1x64x256xf32, #tpu.memory_space<hbm>>
    %dma_start3A_74 = tpu.memref_squeeze %dma_start3A_73 : memref<1x64x256xf32, #tpu.memory_space<hbm>> -> memref<64x256xf32, #tpu.memory_space<hbm>>
    tpu.enqueue_dma source(%dma_start3A_74 : memref<64x256xf32, #tpu.memory_space<hbm>>) target(%arg5 : memref<64x256xf32, #tpu.memory_space<vmem>>) target_semaphore(%arg8 : memref<!tpu.dma_semaphore, #tpu.memory_space<semaphore_mem>>)
    %dma_start3A_75 = arith.constant 128 : i32
    %dma_start3A_76 = tpu.memref_slice %arg2[%select_n3A, %dma_start3A_75, %mul3A_32] : memref<4x8192x2048xf32, #tpu.memory_space<hbm>> -> memref<1x64x256xf32, #tpu.memory_space<hbm>>
    %dma_start3A_77 = tpu.memref_squeeze %dma_start3A_76 : memref<1x64x256xf32, #tpu.memory_space<hbm>> -> memref<64x256xf32, #tpu.memory_space<hbm>>
    %dma_start3A_78 = arith.constant 128 : i32
    %dma_start3A_79 = tpu.memref_slice %arg2[%select_n3A, %dma_start3A_78, %mul3A_32] : memref<4x8192x2048xf32, #tpu.memory_space<hbm>> -> memref<1x64x256xf32, #tpu.memory_space<hbm>>
    %dma_start3A_80 = tpu.memref_squeeze %dma_start3A_79 : memref<1x64x256xf32, #tpu.memory_space<hbm>> -> memref<64x256xf32, #tpu.memory_space<hbm>>
    tpu.enqueue_dma source(%dma_start3A_80 : memref<64x256xf32, #tpu.memory_space<hbm>>) target(%arg6 : memref<64x256xf32, #tpu.memory_space<vmem>>) target_semaphore(%arg8 : memref<!tpu.dma_semaphore, #tpu.memory_space<semaphore_mem>>)
    %scan3A = arith.constant 0 : i32
    %scan3A_81 = arith.constant 32 : i32
    %scan3A_82 = arith.addi %scan3A, %scan3A_81 : i32
    %scan3A_83 = arith.constant 1 : i32
    %scan3A_84:16 = scf.for %scan3A_109 = %scan3A to %scan3A_82 step %scan3A_83 iter_args(%scan3A_110 = %broadcast_in_dim3A_33, %scan3A_111 = %broadcast_in_dim3A_35, %scan3A_112 = %broadcast_in_dim3A_37, %scan3A_113 = %broadcast_in_dim3A_39, %scan3A_114 = %broadcast_in_dim3A_41, %scan3A_115 = %broadcast_in_dim3A_43, %scan3A_116 = %broadcast_in_dim3A_45, %scan3A_117 = %broadcast_in_dim3A_47, %scan3A_118 = %broadcast_in_dim3A_49, %scan3A_119 = %broadcast_in_dim3A_51, %scan3A_120 = %broadcast_in_dim3A_53, %scan3A_121 = %broadcast_in_dim3A_55, %scan3A_122 = %broadcast_in_dim3A_57, %scan3A_123 = %broadcast_in_dim3A_59, %scan3A_124 = %broadcast_in_dim3A_61, %scan3A_125 = %broadcast_in_dim3A_63) -> (vector<16xf32>, vector<16xf32>, vector<16xf32>, vector<16xf32>, vector<16xf32>, vector<16xf32>, vector<16xf32>, vector<16xf32>, vector<16xf32>, vector<16xf32>, vector<16xf32>, vector<16xf32>, vector<16xf32>, vector<16xf32>, vector<16xf32>, vector<16xf32>)  : i32 {
      %mul3A_126 = arith.constant 4 : i32
      %mul3A_127 = arith.muli %mul3A_126, %scan3A_109 : i32
      %add3A_128 = arith.constant 0 : i32
      %add3A_129 = arith.addi %mul3A_127, %add3A_128 : i32
      %dma_wait3A_130 = arith.constant 0 : i32
      %dma_wait3A_131 = tpu.memref_slice %arg2[%select_n3A, %dma_wait3A_130, %mul3A_32] : memref<4x8192x2048xf32, #tpu.memory_space<hbm>> -> memref<1x64x256xf32, #tpu.memory_space<hbm>>
      %dma_wait3A_132 = tpu.memref_squeeze %dma_wait3A_131 : memref<1x64x256xf32, #tpu.memory_space<hbm>> -> memref<64x256xf32, #tpu.memory_space<hbm>>
      %dma_wait3A_133 = arith.constant 0 : i32
      %dma_wait3A_134 = tpu.memref_slice %arg2[%select_n3A, %dma_wait3A_133, %mul3A_32] : memref<4x8192x2048xf32, #tpu.memory_space<hbm>> -> memref<1x64x256xf32, #tpu.memory_space<hbm>>
      %dma_wait3A_135 = tpu.memref_squeeze %dma_wait3A_134 : memref<1x64x256xf32, #tpu.memory_space<hbm>> -> memref<64x256xf32, #tpu.memory_space<hbm>>
      tpu.wait_dma2 semaphore(%arg8 : memref<!tpu.dma_semaphore, #tpu.memory_space<semaphore_mem>>) src(%dma_wait3A_135 : memref<64x256xf32, #tpu.memory_space<hbm>>) dst(%arg4 : memref<64x256xf32, #tpu.memory_space<vmem>>)
      %scan3A_136 = arith.constant 0 : i32
      %scan3A_137 = arith.constant 64 : i32
      %scan3A_138 = arith.addi %scan3A_136, %scan3A_137 : i32
      %scan3A_139 = arith.constant 2 : i32
      %scan3A_140:16 = scf.for %scan3A_234 = %scan3A_136 to %scan3A_138 step %scan3A_139 iter_args(%scan3A_235 = %scan3A_110, %scan3A_236 = %scan3A_111, %scan3A_237 = %scan3A_112, %scan3A_238 = %scan3A_113, %scan3A_239 = %scan3A_114, %scan3A_240 = %scan3A_115, %scan3A_241 = %scan3A_116, %scan3A_242 = %scan3A_117, %scan3A_243 = %scan3A_118, %scan3A_244 = %scan3A_119, %scan3A_245 = %scan3A_120, %scan3A_246 = %scan3A_121, %scan3A_247 = %scan3A_122, %scan3A_248 = %scan3A_123, %scan3A_249 = %scan3A_124, %scan3A_250 = %scan3A_125) -> (vector<16xf32>, vector<16xf32>, vector<16xf32>, vector<16xf32>, vector<16xf32>, vector<16xf32>, vector<16xf32>, vector<16xf32>, vector<16xf32>, vector<16xf32>, vector<16xf32>, vector<16xf32>, vector<16xf32>, vector<16xf32>, vector<16xf32>, vector<16xf32>)  : i32 {
        %get3A = arith.index_cast %scan3A_234 : i32 to index
        %get3A_251 = arith.constant 0 : index
        %get3A_252 = tpu.vector_load %arg4[%get3A, %get3A_251] {strides = array<i32>} : memref<64x256xf32, #tpu.memory_space<vmem>>, vector<1x16xf32>,
        %get3A_253 = vector.shape_cast %get3A_252 : vector<1x16xf32> to vector<16xf32>
        %add3A_254 = arith.addf %scan3A_235, %get3A_253 : vector<16xf32>
        %swap3A = arith.index_cast %scan3A_234 : i32 to index
        %swap3A_255 = arith.constant 0 : index
        %swap3A_256 = tpu.vector_load %arg4[%swap3A, %swap3A_255] {strides = array<i32>} : memref<64x256xf32, #tpu.memory_space<vmem>>, vector<1x16xf32>,
        %swap3A_257 = vector.shape_cast %swap3A_256 : vector<1x16xf32> to vector<16xf32>
        %swap3A_258 = vector.shape_cast %add3A_254 : vector<16xf32> to vector<1x16xf32>
        tpu.vector_store %arg4[%swap3A, %swap3A_255], %swap3A_258 {strides = array<i32>} : memref<64x256xf32, #tpu.memory_space<vmem>>, vector<1x16xf32>,
        %get3A_259 = arith.index_cast %scan3A_234 : i32 to index
        %get3A_260 = arith.constant 16 : index
        %get3A_261 = tpu.vector_load %arg4[%get3A_259, %get3A_260] {strides = array<i32>} : memref<64x256xf32, #tpu.memory_space<vmem>>, vector<1x16xf32>,
        %get3A_262 = vector.shape_cast %get3A_261 : vector<1x16xf32> to vector<16xf32>
        %add3A_263 = arith.addf %scan3A_236, %get3A_262 : vector<16xf32>
        %swap3A_264 = arith.index_cast %scan3A_234 : i32 to index
        %swap3A_265 = arith.constant 16 : index
        %swap3A_266 = tpu.vector_load %arg4[%swap3A_264, %swap3A_265] {strides = array<i32>} : memref<64x256xf32, #tpu.memory_space<vmem>>, vector<1x16xf32>,
        %swap3A_267 = vector.shape_cast %swap3A_266 : vector<1x16xf32> to vector<16xf32>
        %swap3A_268 = vector.shape_cast %add3A_263 : vector<16xf32> to vector<1x16xf32>
        tpu.vector_store %arg4[%swap3A_264, %swap3A_265], %swap3A_268 {strides = array<i32>} : memref<64x256xf32, #tpu.memory_space<vmem>>, vector<1x16xf32>,
        %get3A_269 = arith.index_cast %scan3A_234 : i32 to index
        %get3A_270 = arith.constant 32 : index
        %get3A_271 = tpu.vector_load %arg4[%get3A_269, %get3A_270] {strides = array<i32>} : memref<64x256xf32, #tpu.memory_space<vmem>>, vector<1x16xf32>,
        %get3A_272 = vector.shape_cast %get3A_271 : vector<1x16xf32> to vector<16xf32>
        %add3A_273 = arith.addf %scan3A_237, %get3A_272 : vector<16xf32>
        %swap3A_274 = arith.index_cast %scan3A_234 : i32 to index
        %swap3A_275 = arith.constant 32 : index
        %swap3A_276 = tpu.vector_load %arg4[%swap3A_274, %swap3A_275] {strides = array<i32>} : memref<64x256xf32, #tpu.memory_space<vmem>>, vector<1x16xf32>,
        %swap3A_277 = vector.shape_cast %swap3A_276 : vector<1x16xf32> to vector<16xf32>
        %swap3A_278 = vector.shape_cast %add3A_273 : vector<16xf32> to vector<1x16xf32>
        tpu.vector_store %arg4[%swap3A_274, %swap3A_275], %swap3A_278 {strides = array<i32>} : memref<64x256xf32, #tpu.memory_space<vmem>>, vector<1x16xf32>,
        %get3A_279 = arith.index_cast %scan3A_234 : i32 to index
        %get3A_280 = arith.constant 48 : index
        %get3A_281 = tpu.vector_load %arg4[%get3A_279, %get3A_280] {strides = array<i32>} : memref<64x256xf32, #tpu.memory_space<vmem>>, vector<1x16xf32>,
        %get3A_282 = vector.shape_cast %get3A_281 : vector<1x16xf32> to vector<16xf32>
        %add3A_283 = arith.addf %scan3A_238, %get3A_282 : vector<16xf32>
        %swap3A_284 = arith.index_cast %scan3A_234 : i32 to index
        %swap3A_285 = arith.constant 48 : index
        %swap3A_286 = tpu.vector_load %arg4[%swap3A_284, %swap3A_285] {strides = array<i32>} : memref<64x256xf32, #tpu.memory_space<vmem>>, vector<1x16xf32>,
        %swap3A_287 = vector.shape_cast %swap3A_286 : vector<1x16xf32> to vector<16xf32>
        %swap3A_288 = vector.shape_cast %add3A_283 : vector<16xf32> to vector<1x16xf32>
        tpu.vector_store %arg4[%swap3A_284, %swap3A_285], %swap3A_288 {strides = array<i32>} : memref<64x256xf32, #tpu.memory_space<vmem>>, vector<1x16xf32>,
        %get3A_289 = arith.index_cast %scan3A_234 : i32 to index
        %get3A_290 = arith.constant 64 : index
        %get3A_291 = tpu.vector_load %arg4[%get3A_289, %get3A_290] {strides = array<i32>} : memref<64x256xf32, #tpu.memory_space<vmem>>, vector<1x16xf32>,
        %get3A_292 = vector.shape_cast %get3A_291 : vector<1x16xf32> to vector<16xf32>
        %add3A_293 = arith.addf %scan3A_239, %get3A_292 : vector<16xf32>
        %swap3A_294 = arith.index_cast %scan3A_234 : i32 to index
        %swap3A_295 = arith.constant 64 : index
        %swap3A_296 = tpu.vector_load %arg4[%swap3A_294, %swap3A_295] {strides = array<i32>} : memref<64x256xf32, #tpu.memory_space<vmem>>, vector<1x16xf32>,
        %swap3A_297 = vector.shape_cast %swap3A_296 : vector<1x16xf32> to vector<16xf32>
        %swap3A_298 = vector.shape_cast %add3A_293 : vector<16xf32> to vector<1x16xf32>
        tpu.vector_store %arg4[%swap3A_294, %swap3A_295], %swap3A_298 {strides = array<i32>} : memref<64x256xf32, #tpu.memory_space<vmem>>, vector<1x16xf32>,
        %get3A_299 = arith.index_cast %scan3A_234 : i32 to index
        %get3A_300 = arith.constant 80 : index
        %get3A_301 = tpu.vector_load %arg4[%get3A_299, %get3A_300] {strides = array<i32>} : memref<64x256xf32, #tpu.memory_space<vmem>>, vector<1x16xf32>,
        %get3A_302 = vector.shape_cast %get3A_301 : vector<1x16xf32> to vector<16xf32>
        %add3A_303 = arith.addf %scan3A_240, %get3A_302 : vector<16xf32>
        %swap3A_304 = arith.index_cast %scan3A_234 : i32 to index
        %swap3A_305 = arith.constant 80 : index
        %swap3A_306 = tpu.vector_load %arg4[%swap3A_304, %swap3A_305] {strides = array<i32>} : memref<64x256xf32, #tpu.memory_space<vmem>>, vector<1x16xf32>,
        %swap3A_307 = vector.shape_cast %swap3A_306 : vector<1x16xf32> to vector<16xf32>
        %swap3A_308 = vector.shape_cast %add3A_303 : vector<16xf32> to vector<1x16xf32>
        tpu.vector_store %arg4[%swap3A_304, %swap3A_305], %swap3A_308 {strides = array<i32>} : memref<64x256xf32, #tpu.memory_space<vmem>>, vector<1x16xf32>,
        %get3A_309 = arith.index_cast %scan3A_234 : i32 to index
        %get3A_310 = arith.constant 96 : index
        %get3A_311 = tpu.vector_load %arg4[%get3A_309, %get3A_310] {strides = array<i32>} : memref<64x256xf32, #tpu.memory_space<vmem>>, vector<1x16xf32>,
        %get3A_312 = vector.shape_cast %get3A_311 : vector<1x16xf32> to vector<16xf32>
        %add3A_313 = arith.addf %scan3A_241, %get3A_312 : vector<16xf32>
        %swap3A_314 = arith.index_cast %scan3A_234 : i32 to index
        %swap3A_315 = arith.constant 96 : index
        %swap3A_316 = tpu.vector_load %arg4[%swap3A_314, %swap3A_315] {strides = array<i32>} : memref<64x256xf32, #tpu.memory_space<vmem>>, vector<1x16xf32>,
        %swap3A_317 = vector.shape_cast %swap3A_316 : vector<1x16xf32> to vector<16xf32>
        %swap3A_318 = vector.shape_cast %add3A_313 : vector<16xf32> to vector<1x16xf32>
        tpu.vector_store %arg4[%swap3A_314, %swap3A_315], %swap3A_318 {strides = array<i32>} : memref<64x256xf32, #tpu.memory_space<vmem>>, vector<1x16xf32>,
        %get3A_319 = arith.index_cast %scan3A_234 : i32 to index
        %get3A_320 = arith.constant 112 : index
        %get3A_321 = tpu.vector_load %arg4[%get3A_319, %get3A_320] {strides = array<i32>} : memref<64x256xf32, #tpu.memory_space<vmem>>, vector<1x16xf32>,
        %get3A_322 = vector.shape_cast %get3A_321 : vector<1x16xf32> to vector<16xf32>
        %add3A_323 = arith.addf %scan3A_242, %get3A_322 : vector<16xf32>
        %swap3A_324 = arith.index_cast %scan3A_234 : i32 to index
        %swap3A_325 = arith.constant 112 : index
        %swap3A_326 = tpu.vector_load %arg4[%swap3A_324, %swap3A_325] {strides = array<i32>} : memref<64x256xf32, #tpu.memory_space<vmem>>, vector<1x16xf32>,
        %swap3A_327 = vector.shape_cast %swap3A_326 : vector<1x16xf32> to vector<16xf32>
        %swap3A_328 = vector.shape_cast %add3A_323 : vector<16xf32> to vector<1x16xf32>
        tpu.vector_store %arg4[%swap3A_324, %swap3A_325], %swap3A_328 {strides = array<i32>} : memref<64x256xf32, #tpu.memory_space<vmem>>, vector<1x16xf32>,
        %get3A_329 = arith.index_cast %scan3A_234 : i32 to index
        %get3A_330 = arith.constant 128 : index
        %get3A_331 = tpu.vector_load %arg4[%get3A_329, %get3A_330] {strides = array<i32>} : memref<64x256xf32, #tpu.memory_space<vmem>>, vector<1x16xf32>,
        %get3A_332 = vector.shape_cast %get3A_331 : vector<1x16xf32> to vector<16xf32>
        %add3A_333 = arith.addf %scan3A_243, %get3A_332 : vector<16xf32>
        %swap3A_334 = arith.index_cast %scan3A_234 : i32 to index
        %swap3A_335 = arith.constant 128 : index
        %swap3A_336 = tpu.vector_load %arg4[%swap3A_334, %swap3A_335] {strides = array<i32>} : memref<64x256xf32, #tpu.memory_space<vmem>>, vector<1x16xf32>,
        %swap3A_337 = vector.shape_cast %swap3A_336 : vector<1x16xf32> to vector<16xf32>
        %swap3A_338 = vector.shape_cast %add3A_333 : vector<16xf32> to vector<1x16xf32>
        tpu.vector_store %arg4[%swap3A_334, %swap3A_335], %swap3A_338 {strides = array<i32>} : memref<64x256xf32, #tpu.memory_space<vmem>>, vector<1x16xf32>,
        %get3A_339 = arith.index_cast %scan3A_234 : i32 to index
        %get3A_340 = arith.constant 144 : index
        %get3A_341 = tpu.vector_load %arg4[%get3A_339, %get3A_340] {strides = array<i32>} : memref<64x256xf32, #tpu.memory_space<vmem>>, vector<1x16xf32>,
        %get3A_342 = vector.shape_cast %get3A_341 : vector<1x16xf32> to vector<16xf32>
        %add3A_343 = arith.addf %scan3A_244, %get3A_342 : vector<16xf32>
        %swap3A_344 = arith.index_cast %scan3A_234 : i32 to index
        %swap3A_345 = arith.constant 144 : index
        %swap3A_346 = tpu.vector_load %arg4[%swap3A_344, %swap3A_345] {strides = array<i32>} : memref<64x256xf32, #tpu.memory_space<vmem>>, vector<1x16xf32>,
        %swap3A_347 = vector.shape_cast %swap3A_346 : vector<1x16xf32> to vector<16xf32>
        %swap3A_348 = vector.shape_cast %add3A_343 : vector<16xf32> to vector<1x16xf32>
        tpu.vector_store %arg4[%swap3A_344, %swap3A_345], %swap3A_348 {strides = array<i32>} : memref<64x256xf32, #tpu.memory_space<vmem>>, vector<1x16xf32>,
        %get3A_349 = arith.index_cast %scan3A_234 : i32 to index
        %get3A_350 = arith.constant 160 : index
        %get3A_351 = tpu.vector_load %arg4[%get3A_349, %get3A_350] {strides = array<i32>} : memref<64x256xf32, #tpu.memory_space<vmem>>, vector<1x16xf32>,
        %get3A_352 = vector.shape_cast %get3A_351 : vector<1x16xf32> to vector<16xf32>
        %add3A_353 = arith.addf %scan3A_245, %get3A_352 : vector<16xf32>
        %swap3A_354 = arith.index_cast %scan3A_234 : i32 to index
        %swap3A_355 = arith.constant 160 : index
        %swap3A_356 = tpu.vector_load %arg4[%swap3A_354, %swap3A_355] {strides = array<i32>} : memref<64x256xf32, #tpu.memory_space<vmem>>, vector<1x16xf32>,
        %swap3A_357 = vector.shape_cast %swap3A_356 : vector<1x16xf32> to vector<16xf32>
        %swap3A_358 = vector.shape_cast %add3A_353 : vector<16xf32> to vector<1x16xf32>
        tpu.vector_store %arg4[%swap3A_354, %swap3A_355], %swap3A_358 {strides = array<i32>} : memref<64x256xf32, #tpu.memory_space<vmem>>, vector<1x16xf32>,
        %get3A_359 = arith.index_cast %scan3A_234 : i32 to index
        %get3A_360 = arith.constant 176 : index
        %get3A_361 = tpu.vector_load %arg4[%get3A_359, %get3A_360] {strides = array<i32>} : memref<64x256xf32, #tpu.memory_space<vmem>>, vector<1x16xf32>,
        %get3A_362 = vector.shape_cast %get3A_361 : vector<1x16xf32> to vector<16xf32>
        %add3A_363 = arith.addf %scan3A_246, %get3A_362 : vector<16xf32>
        %swap3A_364 = arith.index_cast %scan3A_234 : i32 to index
        %swap3A_365 = arith.constant 176 : index
        %swap3A_366 = tpu.vector_load %arg4[%swap3A_364, %swap3A_365] {strides = array<i32>} : memref<64x256xf32, #tpu.memory_space<vmem>>, vector<1x16xf32>,
        %swap3A_367 = vector.shape_cast %swap3A_366 : vector<1x16xf32> to vector<16xf32>
        %swap3A_368 = vector.shape_cast %add3A_363 : vector<16xf32> to vector<1x16xf32>
        tpu.vector_store %arg4[%swap3A_364, %swap3A_365], %swap3A_368 {strides = array<i32>} : memref<64x256xf32, #tpu.memory_space<vmem>>, vector<1x16xf32>,
        %get3A_369 = arith.index_cast %scan3A_234 : i32 to index
        %get3A_370 = arith.constant 192 : index
        %get3A_371 = tpu.vector_load %arg4[%get3A_369, %get3A_370] {strides = array<i32>} : memref<64x256xf32, #tpu.memory_space<vmem>>, vector<1x16xf32>,
        %get3A_372 = vector.shape_cast %get3A_371 : vector<1x16xf32> to vector<16xf32>
        %add3A_373 = arith.addf %scan3A_247, %get3A_372 : vector<16xf32>
        %swap3A_374 = arith.index_cast %scan3A_234 : i32 to index
        %swap3A_375 = arith.constant 192 : index
        %swap3A_376 = tpu.vector_load %arg4[%swap3A_374, %swap3A_375] {strides = array<i32>} : memref<64x256xf32, #tpu.memory_space<vmem>>, vector<1x16xf32>,
        %swap3A_377 = vector.shape_cast %swap3A_376 : vector<1x16xf32> to vector<16xf32>
        %swap3A_378 = vector.shape_cast %add3A_373 : vector<16xf32> to vector<1x16xf32>
        tpu.vector_store %arg4[%swap3A_374, %swap3A_375], %swap3A_378 {strides = array<i32>} : memref<64x256xf32, #tpu.memory_space<vmem>>, vector<1x16xf32>,
        %get3A_379 = arith.index_cast %scan3A_234 : i32 to index
        %get3A_380 = arith.constant 208 : index
        %get3A_381 = tpu.vector_load %arg4[%get3A_379, %get3A_380] {strides = array<i32>} : memref<64x256xf32, #tpu.memory_space<vmem>>, vector<1x16xf32>,
        %get3A_382 = vector.shape_cast %get3A_381 : vector<1x16xf32> to vector<16xf32>
        %add3A_383 = arith.addf %scan3A_248, %get3A_382 : vector<16xf32>
        %swap3A_384 = arith.index_cast %scan3A_234 : i32 to index
        %swap3A_385 = arith.constant 208 : index
        %swap3A_386 = tpu.vector_load %arg4[%swap3A_384, %swap3A_385] {strides = array<i32>} : memref<64x256xf32, #tpu.memory_space<vmem>>, vector<1x16xf32>,
        %swap3A_387 = vector.shape_cast %swap3A_386 : vector<1x16xf32> to vector<16xf32>
        %swap3A_388 = vector.shape_cast %add3A_383 : vector<16xf32> to vector<1x16xf32>
        tpu.vector_store %arg4[%swap3A_384, %swap3A_385], %swap3A_388 {strides = array<i32>} : memref<64x256xf32, #tpu.memory_space<vmem>>, vector<1x16xf32>,
        %get3A_389 = arith.index_cast %scan3A_234 : i32 to index
        %get3A_390 = arith.constant 224 : index
        %get3A_391 = tpu.vector_load %arg4[%get3A_389, %get3A_390] {strides = array<i32>} : memref<64x256xf32, #tpu.memory_space<vmem>>, vector<1x16xf32>,
        %get3A_392 = vector.shape_cast %get3A_391 : vector<1x16xf32> to vector<16xf32>
        %add3A_393 = arith.addf %scan3A_249, %get3A_392 : vector<16xf32>
        %swap3A_394 = arith.index_cast %scan3A_234 : i32 to index
        %swap3A_395 = arith.constant 224 : index
        %swap3A_396 = tpu.vector_load %arg4[%swap3A_394, %swap3A_395] {strides = array<i32>} : memref<64x256xf32, #tpu.memory_space<vmem>>, vector<1x16xf32>,
        %swap3A_397 = vector.shape_cast %swap3A_396 : vector<1x16xf32> to vector<16xf32>
        %swap3A_398 = vector.shape_cast %add3A_393 : vector<16xf32> to vector<1x16xf32>
        tpu.vector_store %arg4[%swap3A_394, %swap3A_395], %swap3A_398 {strides = array<i32>} : memref<64x256xf32, #tpu.memory_space<vmem>>, vector<1x16xf32>,
        %get3A_399 = arith.index_cast %scan3A_234 : i32 to index
        %get3A_400 = arith.constant 240 : index
        %get3A_401 = tpu.vector_load %arg4[%get3A_399, %get3A_400] {strides = array<i32>} : memref<64x256xf32, #tpu.memory_space<vmem>>, vector<1x16xf32>,
        %get3A_402 = vector.shape_cast %get3A_401 : vector<1x16xf32> to vector<16xf32>
        %add3A_403 = arith.addf %scan3A_250, %get3A_402 : vector<16xf32>
        %swap3A_404 = arith.index_cast %scan3A_234 : i32 to index
        %swap3A_405 = arith.constant 240 : index
        %swap3A_406 = tpu.vector_load %arg4[%swap3A_404, %swap3A_405] {strides = array<i32>} : memref<64x256xf32, #tpu.memory_space<vmem>>, vector<1x16xf32>,
        %swap3A_407 = vector.shape_cast %swap3A_406 : vector<1x16xf32> to vector<16xf32>
        %swap3A_408 = vector.shape_cast %add3A_403 : vector<16xf32> to vector<1x16xf32>
        tpu.vector_store %arg4[%swap3A_404, %swap3A_405], %swap3A_408 {strides = array<i32>} : memref<64x256xf32, #tpu.memory_space<vmem>>, vector<1x16xf32>,
        %scan3A_409 = arith.constant 1 : i32
        %scan3A_410 = arith.addi %scan3A_234, %scan3A_409 : i32
        %get3A_411 = arith.index_cast %scan3A_410 : i32 to index
        %get3A_412 = arith.constant 0 : index
        %get3A_413 = tpu.vector_load %arg4[%get3A_411, %get3A_412] {strides = array<i32>} : memref<64x256xf32, #tpu.memory_space<vmem>>, vector<1x16xf32>,
        %get3A_414 = vector.shape_cast %get3A_413 : vector<1x16xf32> to vector<16xf32>
        %add3A_415 = arith.addf %add3A_254, %get3A_414 : vector<16xf32>
        %swap3A_416 = arith.index_cast %scan3A_410 : i32 to index
        %swap3A_417 = arith.constant 0 : index
        %swap3A_418 = tpu.vector_load %arg4[%swap3A_416, %swap3A_417] {strides = array<i32>} : memref<64x256xf32, #tpu.memory_space<vmem>>, vector<1x16xf32>,
        %swap3A_419 = vector.shape_cast %swap3A_418 : vector<1x16xf32> to vector<16xf32>
        %swap3A_420 = vector.shape_cast %add3A_415 : vector<16xf32> to vector<1x16xf32>
        tpu.vector_store %arg4[%swap3A_416, %swap3A_417], %swap3A_420 {strides = array<i32>} : memref<64x256xf32, #tpu.memory_space<vmem>>, vector<1x16xf32>,
        %get3A_421 = arith.index_cast %scan3A_410 : i32 to index
        %get3A_422 = arith.constant 16 : index
        %get3A_423 = tpu.vector_load %arg4[%get3A_421, %get3A_422] {strides = array<i32>} : memref<64x256xf32, #tpu.memory_space<vmem>>, vector<1x16xf32>,
        %get3A_424 = vector.shape_cast %get3A_423 : vector<1x16xf32> to vector<16xf32>
        %add3A_425 = arith.addf %add3A_263, %get3A_424 : vector<16xf32>
        %swap3A_426 = arith.index_cast %scan3A_410 : i32 to index
        %swap3A_427 = arith.constant 16 : index
        %swap3A_428 = tpu.vector_load %arg4[%swap3A_426, %swap3A_427] {strides = array<i32>} : memref<64x256xf32, #tpu.memory_space<vmem>>, vector<1x16xf32>,
        %swap3A_429 = vector.shape_cast %swap3A_428 : vector<1x16xf32> to vector<16xf32>
        %swap3A_430 = vector.shape_cast %add3A_425 : vector<16xf32> to vector<1x16xf32>
        tpu.vector_store %arg4[%swap3A_426, %swap3A_427], %swap3A_430 {strides = array<i32>} : memref<64x256xf32, #tpu.memory_space<vmem>>, vector<1x16xf32>,
        %get3A_431 = arith.index_cast %scan3A_410 : i32 to index
        %get3A_432 = arith.constant 32 : index
        %get3A_433 = tpu.vector_load %arg4[%get3A_431, %get3A_432] {strides = array<i32>} : memref<64x256xf32, #tpu.memory_space<vmem>>, vector<1x16xf32>,
        %get3A_434 = vector.shape_cast %get3A_433 : vector<1x16xf32> to vector<16xf32>
        %add3A_435 = arith.addf %add3A_273, %get3A_434 : vector<16xf32>
        %swap3A_436 = arith.index_cast %scan3A_410 : i32 to index
        %swap3A_437 = arith.constant 32 : index
        %swap3A_438 = tpu.vector_load %arg4[%swap3A_436, %swap3A_437] {strides = array<i32>} : memref<64x256xf32, #tpu.memory_space<vmem>>, vector<1x16xf32>,
        %swap3A_439 = vector.shape_cast %swap3A_438 : vector<1x16xf32> to vector<16xf32>
        %swap3A_440 = vector.shape_cast %add3A_435 : vector<16xf32> to vector<1x16xf32>
        tpu.vector_store %arg4[%swap3A_436, %swap3A_437], %swap3A_440 {strides = array<i32>} : memref<64x256xf32, #tpu.memory_space<vmem>>, vector<1x16xf32>,
        %get3A_441 = arith.index_cast %scan3A_410 : i32 to index
        %get3A_442 = arith.constant 48 : index
        %get3A_443 = tpu.vector_load %arg4[%get3A_441, %get3A_442] {strides = array<i32>} : memref<64x256xf32, #tpu.memory_space<vmem>>, vector<1x16xf32>,
        %get3A_444 = vector.shape_cast %get3A_443 : vector<1x16xf32> to vector<16xf32>
        %add3A_445 = arith.addf %add3A_283, %get3A_444 : vector<16xf32>
        %swap3A_446 = arith.index_cast %scan3A_410 : i32 to index
        %swap3A_447 = arith.constant 48 : index
        %swap3A_448 = tpu.vector_load %arg4[%swap3A_446, %swap3A_447] {strides = array<i32>} : memref<64x256xf32, #tpu.memory_space<vmem>>, vector<1x16xf32>,
        %swap3A_449 = vector.shape_cast %swap3A_448 : vector<1x16xf32> to vector<16xf32>
        %swap3A_450 = vector.shape_cast %add3A_445 : vector<16xf32> to vector<1x16xf32>
        tpu.vector_store %arg4[%swap3A_446, %swap3A_447], %swap3A_450 {strides = array<i32>} : memref<64x256xf32, #tpu.memory_space<vmem>>, vector<1x16xf32>,
        %get3A_451 = arith.index_cast %scan3A_410 : i32 to index
        %get3A_452 = arith.constant 64 : index
        %get3A_453 = tpu.vector_load %arg4[%get3A_451, %get3A_452] {strides = array<i32>} : memref<64x256xf32, #tpu.memory_space<vmem>>, vector<1x16xf32>,
        %get3A_454 = vector.shape_cast %get3A_453 : vector<1x16xf32> to vector<16xf32>
        %add3A_455 = arith.addf %add3A_293, %get3A_454 : vector<16xf32>
        %swap3A_456 = arith.index_cast %scan3A_410 : i32 to index
        %swap3A_457 = arith.constant 64 : index
        %swap3A_458 = tpu.vector_load %arg4[%swap3A_456, %swap3A_457] {strides = array<i32>} : memref<64x256xf32, #tpu.memory_space<vmem>>, vector<1x16xf32>,
        %swap3A_459 = vector.shape_cast %swap3A_458 : vector<1x16xf32> to vector<16xf32>
        %swap3A_460 = vector.shape_cast %add3A_455 : vector<16xf32> to vector<1x16xf32>
        tpu.vector_store %arg4[%swap3A_456, %swap3A_457], %swap3A_460 {strides = array<i32>} : memref<64x256xf32, #tpu.memory_space<vmem>>, vector<1x16xf32>,
        %get3A_461 = arith.index_cast %scan3A_410 : i32 to index
        %get3A_462 = arith.constant 80 : index
        %get3A_463 = tpu.vector_load %arg4[%get3A_461, %get3A_462] {strides = array<i32>} : memref<64x256xf32, #tpu.memory_space<vmem>>, vector<1x16xf32>,
        %get3A_464 = vector.shape_cast %get3A_463 : vector<1x16xf32> to vector<16xf32>
        %add3A_465 = arith.addf %add3A_303, %get3A_464 : vector<16xf32>
        %swap3A_466 = arith.index_cast %scan3A_410 : i32 to index
        %swap3A_467 = arith.constant 80 : index
        %swap3A_468 = tpu.vector_load %arg4[%swap3A_466, %swap3A_467] {strides = array<i32>} : memref<64x256xf32, #tpu.memory_space<vmem>>, vector<1x16xf32>,
        %swap3A_469 = vector.shape_cast %swap3A_468 : vector<1x16xf32> to vector<16xf32>
        %swap3A_470 = vector.shape_cast %add3A_465 : vector<16xf32> to vector<1x16xf32>
        tpu.vector_store %arg4[%swap3A_466, %swap3A_467], %swap3A_470 {strides = array<i32>} : memref<64x256xf32, #tpu.memory_space<vmem>>, vector<1x16xf32>,
        %get3A_471 = arith.index_cast %scan3A_410 : i32 to index
        %get3A_472 = arith.constant 96 : index
        %get3A_473 = tpu.vector_load %arg4[%get3A_471, %get3A_472] {strides = array<i32>} : memref<64x256xf32, #tpu.memory_space<vmem>>, vector<1x16xf32>,
        %get3A_474 = vector.shape_cast %get3A_473 : vector<1x16xf32> to vector<16xf32>
        %add3A_475 = arith.addf %add3A_313, %get3A_474 : vector<16xf32>
        %swap3A_476 = arith.index_cast %scan3A_410 : i32 to index
        %swap3A_477 = arith.constant 96 : index
        %swap3A_478 = tpu.vector_load %arg4[%swap3A_476, %swap3A_477] {strides = array<i32>} : memref<64x256xf32, #tpu.memory_space<vmem>>, vector<1x16xf32>,
        %swap3A_479 = vector.shape_cast %swap3A_478 : vector<1x16xf32> to vector<16xf32>
        %swap3A_480 = vector.shape_cast %add3A_475 : vector<16xf32> to vector<1x16xf32>
        tpu.vector_store %arg4[%swap3A_476, %swap3A_477], %swap3A_480 {strides = array<i32>} : memref<64x256xf32, #tpu.memory_space<vmem>>, vector<1x16xf32>,
        %get3A_481 = arith.index_cast %scan3A_410 : i32 to index
        %get3A_482 = arith.constant 112 : index
        %get3A_483 = tpu.vector_load %arg4[%get3A_481, %get3A_482] {strides = array<i32>} : memref<64x256xf32, #tpu.memory_space<vmem>>, vector<1x16xf32>,
        %get3A_484 = vector.shape_cast %get3A_483 : vector<1x16xf32> to vector<16xf32>
        %add3A_485 = arith.addf %add3A_323, %get3A_484 : vector<16xf32>
        %swap3A_486 = arith.index_cast %scan3A_410 : i32 to index
        %swap3A_487 = arith.constant 112 : index
        %swap3A_488 = tpu.vector_load %arg4[%swap3A_486, %swap3A_487] {strides = array<i32>} : memref<64x256xf32, #tpu.memory_space<vmem>>, vector<1x16xf32>,
        %swap3A_489 = vector.shape_cast %swap3A_488 : vector<1x16xf32> to vector<16xf32>
        %swap3A_490 = vector.shape_cast %add3A_485 : vector<16xf32> to vector<1x16xf32>
        tpu.vector_store %arg4[%swap3A_486, %swap3A_487], %swap3A_490 {strides = array<i32>} : memref<64x256xf32, #tpu.memory_space<vmem>>, vector<1x16xf32>,
        %get3A_491 = arith.index_cast %scan3A_410 : i32 to index
        %get3A_492 = arith.constant 128 : index
        %get3A_493 = tpu.vector_load %arg4[%get3A_491, %get3A_492] {strides = array<i32>} : memref<64x256xf32, #tpu.memory_space<vmem>>, vector<1x16xf32>,
        %get3A_494 = vector.shape_cast %get3A_493 : vector<1x16xf32> to vector<16xf32>
        %add3A_495 = arith.addf %add3A_333, %get3A_494 : vector<16xf32>
        %swap3A_496 = arith.index_cast %scan3A_410 : i32 to index
        %swap3A_497 = arith.constant 128 : index
        %swap3A_498 = tpu.vector_load %arg4[%swap3A_496, %swap3A_497] {strides = array<i32>} : memref<64x256xf32, #tpu.memory_space<vmem>>, vector<1x16xf32>,
        %swap3A_499 = vector.shape_cast %swap3A_498 : vector<1x16xf32> to vector<16xf32>
        %swap3A_500 = vector.shape_cast %add3A_495 : vector<16xf32> to vector<1x16xf32>
        tpu.vector_store %arg4[%swap3A_496, %swap3A_497], %swap3A_500 {strides = array<i32>} : memref<64x256xf32, #tpu.memory_space<vmem>>, vector<1x16xf32>,
        %get3A_501 = arith.index_cast %scan3A_410 : i32 to index
        %get3A_502 = arith.constant 144 : index
        %get3A_503 = tpu.vector_load %arg4[%get3A_501, %get3A_502] {strides = array<i32>} : memref<64x256xf32, #tpu.memory_space<vmem>>, vector<1x16xf32>,
        %get3A_504 = vector.shape_cast %get3A_503 : vector<1x16xf32> to vector<16xf32>
        %add3A_505 = arith.addf %add3A_343, %get3A_504 : vector<16xf32>
        %swap3A_506 = arith.index_cast %scan3A_410 : i32 to index
        %swap3A_507 = arith.constant 144 : index
        %swap3A_508 = tpu.vector_load %arg4[%swap3A_506, %swap3A_507] {strides = array<i32>} : memref<64x256xf32, #tpu.memory_space<vmem>>, vector<1x16xf32>,
        %swap3A_509 = vector.shape_cast %swap3A_508 : vector<1x16xf32> to vector<16xf32>
        %swap3A_510 = vector.shape_cast %add3A_505 : vector<16xf32> to vector<1x16xf32>
        tpu.vector_store %arg4[%swap3A_506, %swap3A_507], %swap3A_510 {strides = array<i32>} : memref<64x256xf32, #tpu.memory_space<vmem>>, vector<1x16xf32>,
        %get3A_511 = arith.index_cast %scan3A_410 : i32 to index
        %get3A_512 = arith.constant 160 : index
        %get3A_513 = tpu.vector_load %arg4[%get3A_511, %get3A_512] {strides = array<i32>} : memref<64x256xf32, #tpu.memory_space<vmem>>, vector<1x16xf32>,
        %get3A_514 = vector.shape_cast %get3A_513 : vector<1x16xf32> to vector<16xf32>
        %add3A_515 = arith.addf %add3A_353, %get3A_514 : vector<16xf32>
        %swap3A_516 = arith.index_cast %scan3A_410 : i32 to index
        %swap3A_517 = arith.constant 160 : index
        %swap3A_518 = tpu.vector_load %arg4[%swap3A_516, %swap3A_517] {strides = array<i32>} : memref<64x256xf32, #tpu.memory_space<vmem>>, vector<1x16xf32>,
        %swap3A_519 = vector.shape_cast %swap3A_518 : vector<1x16xf32> to vector<16xf32>
        %swap3A_520 = vector.shape_cast %add3A_515 : vector<16xf32> to vector<1x16xf32>
        tpu.vector_store %arg4[%swap3A_516, %swap3A_517], %swap3A_520 {strides = array<i32>} : memref<64x256xf32, #tpu.memory_space<vmem>>, vector<1x16xf32>,
        %get3A_521 = arith.index_cast %scan3A_410 : i32 to index
        %get3A_522 = arith.constant 176 : index
        %get3A_523 = tpu.vector_load %arg4[%get3A_521, %get3A_522] {strides = array<i32>} : memref<64x256xf32, #tpu.memory_space<vmem>>, vector<1x16xf32>,
        %get3A_524 = vector.shape_cast %get3A_523 : vector<1x16xf32> to vector<16xf32>
        %add3A_525 = arith.addf %add3A_363, %get3A_524 : vector<16xf32>
        %swap3A_526 = arith.index_cast %scan3A_410 : i32 to index
        %swap3A_527 = arith.constant 176 : index
        %swap3A_528 = tpu.vector_load %arg4[%swap3A_526, %swap3A_527] {strides = array<i32>} : memref<64x256xf32, #tpu.memory_space<vmem>>, vector<1x16xf32>,
        %swap3A_529 = vector.shape_cast %swap3A_528 : vector<1x16xf32> to vector<16xf32>
        %swap3A_530 = vector.shape_cast %add3A_525 : vector<16xf32> to vector<1x16xf32>
        tpu.vector_store %arg4[%swap3A_526, %swap3A_527], %swap3A_530 {strides = array<i32>} : memref<64x256xf32, #tpu.memory_space<vmem>>, vector<1x16xf32>,
        %get3A_531 = arith.index_cast %scan3A_410 : i32 to index
        %get3A_532 = arith.constant 192 : index
        %get3A_533 = tpu.vector_load %arg4[%get3A_531, %get3A_532] {strides = array<i32>} : memref<64x256xf32, #tpu.memory_space<vmem>>, vector<1x16xf32>,
        %get3A_534 = vector.shape_cast %get3A_533 : vector<1x16xf32> to vector<16xf32>
        %add3A_535 = arith.addf %add3A_373, %get3A_534 : vector<16xf32>
        %swap3A_536 = arith.index_cast %scan3A_410 : i32 to index
        %swap3A_537 = arith.constant 192 : index
        %swap3A_538 = tpu.vector_load %arg4[%swap3A_536, %swap3A_537] {strides = array<i32>} : memref<64x256xf32, #tpu.memory_space<vmem>>, vector<1x16xf32>,
        %swap3A_539 = vector.shape_cast %swap3A_538 : vector<1x16xf32> to vector<16xf32>
        %swap3A_540 = vector.shape_cast %add3A_535 : vector<16xf32> to vector<1x16xf32>
        tpu.vector_store %arg4[%swap3A_536, %swap3A_537], %swap3A_540 {strides = array<i32>} : memref<64x256xf32, #tpu.memory_space<vmem>>, vector<1x16xf32>,
        %get3A_541 = arith.index_cast %scan3A_410 : i32 to index
        %get3A_542 = arith.constant 208 : index
        %get3A_543 = tpu.vector_load %arg4[%get3A_541, %get3A_542] {strides = array<i32>} : memref<64x256xf32, #tpu.memory_space<vmem>>, vector<1x16xf32>,
        %get3A_544 = vector.shape_cast %get3A_543 : vector<1x16xf32> to vector<16xf32>
        %add3A_545 = arith.addf %add3A_383, %get3A_544 : vector<16xf32>
        %swap3A_546 = arith.index_cast %scan3A_410 : i32 to index
        %swap3A_547 = arith.constant 208 : index
        %swap3A_548 = tpu.vector_load %arg4[%swap3A_546, %swap3A_547] {strides = array<i32>} : memref<64x256xf32, #tpu.memory_space<vmem>>, vector<1x16xf32>,
        %swap3A_549 = vector.shape_cast %swap3A_548 : vector<1x16xf32> to vector<16xf32>
        %swap3A_550 = vector.shape_cast %add3A_545 : vector<16xf32> to vector<1x16xf32>
        tpu.vector_store %arg4[%swap3A_546, %swap3A_547], %swap3A_550 {strides = array<i32>} : memref<64x256xf32, #tpu.memory_space<vmem>>, vector<1x16xf32>,
        %get3A_551 = arith.index_cast %scan3A_410 : i32 to index
        %get3A_552 = arith.constant 224 : index
        %get3A_553 = tpu.vector_load %arg4[%get3A_551, %get3A_552] {strides = array<i32>} : memref<64x256xf32, #tpu.memory_space<vmem>>, vector<1x16xf32>,
        %get3A_554 = vector.shape_cast %get3A_553 : vector<1x16xf32> to vector<16xf32>
        %add3A_555 = arith.addf %add3A_393, %get3A_554 : vector<16xf32>
        %swap3A_556 = arith.index_cast %scan3A_410 : i32 to index
        %swap3A_557 = arith.constant 224 : index
        %swap3A_558 = tpu.vector_load %arg4[%swap3A_556, %swap3A_557] {strides = array<i32>} : memref<64x256xf32, #tpu.memory_space<vmem>>, vector<1x16xf32>,
        %swap3A_559 = vector.shape_cast %swap3A_558 : vector<1x16xf32> to vector<16xf32>
        %swap3A_560 = vector.shape_cast %add3A_555 : vector<16xf32> to vector<1x16xf32>
        tpu.vector_store %arg4[%swap3A_556, %swap3A_557], %swap3A_560 {strides = array<i32>} : memref<64x256xf32, #tpu.memory_space<vmem>>, vector<1x16xf32>,
        %get3A_561 = arith.index_cast %scan3A_410 : i32 to index
        %get3A_562 = arith.constant 240 : index
        %get3A_563 = tpu.vector_load %arg4[%get3A_561, %get3A_562] {strides = array<i32>} : memref<64x256xf32, #tpu.memory_space<vmem>>, vector<1x16xf32>,
        %get3A_564 = vector.shape_cast %get3A_563 : vector<1x16xf32> to vector<16xf32>
        %add3A_565 = arith.addf %add3A_403, %get3A_564 : vector<16xf32>
        %swap3A_566 = arith.index_cast %scan3A_410 : i32 to index
        %swap3A_567 = arith.constant 240 : index
        %swap3A_568 = tpu.vector_load %arg4[%swap3A_566, %swap3A_567] {strides = array<i32>} : memref<64x256xf32, #tpu.memory_space<vmem>>, vector<1x16xf32>,
        %swap3A_569 = vector.shape_cast %swap3A_568 : vector<1x16xf32> to vector<16xf32>
        %swap3A_570 = vector.shape_cast %add3A_565 : vector<16xf32> to vector<1x16xf32>
        tpu.vector_store %arg4[%swap3A_566, %swap3A_567], %swap3A_570 {strides = array<i32>} : memref<64x256xf32, #tpu.memory_space<vmem>>, vector<1x16xf32>,
        scf.yield %add3A_415, %add3A_425, %add3A_435, %add3A_445, %add3A_455, %add3A_465, %add3A_475, %add3A_485, %add3A_495, %add3A_505, %add3A_515, %add3A_525, %add3A_535, %add3A_545, %add3A_555, %add3A_565 : vector<16xf32>, vector<16xf32>, vector<16xf32>, vector<16xf32>, vector<16xf32>, vector<16xf32>, vector<16xf32>, vector<16xf32>, vector<16xf32>, vector<16xf32>, vector<16xf32>, vector<16xf32>, vector<16xf32>, vector<16xf32>, vector<16xf32>, vector<16xf32>
      }
      %scan3A_141 = arith.constant 64 : i32
      %mul3A_142 = arith.constant 64 : i32
      %mul3A_143 = arith.muli %add3A_129, %mul3A_142 : i32
      %dma_start3A_144 = tpu.memref_slice %arg3[%select_n3A, %mul3A_143, %mul3A_32] : memref<4x8192x2048xf32, #tpu.memory_space<hbm>> -> memref<1x64x256xf32, #tpu.memory_space<hbm>>
      %dma_start3A_145 = tpu.memref_squeeze %dma_start3A_144 : memref<1x64x256xf32, #tpu.memory_space<hbm>> -> memref<64x256xf32, #tpu.memory_space<hbm>>
      %dma_start3A_146 = tpu.memref_slice %arg3[%select_n3A, %mul3A_143, %mul3A_32] : memref<4x8192x2048xf32, #tpu.memory_space<hbm>> -> memref<1x64x256xf32, #tpu.memory_space<hbm>>
      %dma_start3A_147 = tpu.memref_squeeze %dma_start3A_146 : memref<1x64x256xf32, #tpu.memory_space<hbm>> -> memref<64x256xf32, #tpu.memory_space<hbm>>
      tpu.enqueue_dma source(%arg4 : memref<64x256xf32, #tpu.memory_space<vmem>>) target(%dma_start3A_147 : memref<64x256xf32, #tpu.memory_space<hbm>>) target_semaphore(%arg9 : memref<!tpu.dma_semaphore, #tpu.memory_space<semaphore_mem>>)
      %add3A_148 = arith.constant 3 : i32
      %add3A_149 = arith.addi %add3A_129, %add3A_148 : i32
      %lt3A_150 = arith.constant 128 : i32
      %lt3A_151 = arith.cmpi slt, %add3A_149, %lt3A_150 : i32
      %convert_element_type3A = arith.extui %lt3A_151 : i1 to i32
      %cond3A = arith.constant 0 : i32
      %cond3A_152 = arith.cmpi ne, %convert_element_type3A, %cond3A : i32
      scf.if %cond3A_152 {
        %ge3A = arith.constant 1 : i32
        %ge3A_234 = arith.cmpi sge, %add3A_129, %ge3A : i32
        %convert_element_type3A_235 = arith.extui %ge3A_234 : i1 to i32
        %cond3A_236 = arith.constant 0 : i32
        %cond3A_237 = arith.cmpi ne, %convert_element_type3A_235, %cond3A_236 : i32
        scf.if %cond3A_237 {
          %dma_wait3A_246 = arith.constant 0 : i32
          %dma_wait3A_247 = tpu.memref_slice %arg3[%select_n3A, %dma_wait3A_246, %mul3A_32] : memref<4x8192x2048xf32, #tpu.memory_space<hbm>> -> memref<1x64x256xf32, #tpu.memory_space<hbm>>
          %dma_wait3A_248 = tpu.memref_squeeze %dma_wait3A_247 : memref<1x64x256xf32, #tpu.memory_space<hbm>> -> memref<64x256xf32, #tpu.memory_space<hbm>>
          %dma_wait3A_249 = arith.constant 0 : i32
          %dma_wait3A_250 = tpu.memref_slice %arg3[%select_n3A, %dma_wait3A_249, %mul3A_32] : memref<4x8192x2048xf32, #tpu.memory_space<hbm>> -> memref<1x64x256xf32, #tpu.memory_space<hbm>>
          %dma_wait3A_251 = tpu.memref_squeeze %dma_wait3A_250 : memref<1x64x256xf32, #tpu.memory_space<hbm>> -> memref<64x256xf32, #tpu.memory_space<hbm>>
          tpu.wait_dma2 semaphore(%arg9 : memref<!tpu.dma_semaphore, #tpu.memory_space<semaphore_mem>>) src(%arg7 : memref<64x256xf32, #tpu.memory_space<vmem>>) dst(%dma_wait3A_251 : memref<64x256xf32, #tpu.memory_space<hbm>>)
        } else {
        }
        %add3A_238 = arith.constant 3 : i32
        %add3A_239 = arith.addi %add3A_129, %add3A_238 : i32
        %mul3A_240 = arith.constant 64 : i32
        %mul3A_241 = arith.muli %add3A_239, %mul3A_240 : i32
        %dma_start3A_242 = tpu.memref_slice %arg2[%select_n3A, %mul3A_241, %mul3A_32] : memref<4x8192x2048xf32, #tpu.memory_space<hbm>> -> memref<1x64x256xf32, #tpu.memory_space<hbm>>
        %dma_start3A_243 = tpu.memref_squeeze %dma_start3A_242 : memref<1x64x256xf32, #tpu.memory_space<hbm>> -> memref<64x256xf32, #tpu.memory_space<hbm>>
        %dma_start3A_244 = tpu.memref_slice %arg2[%select_n3A, %mul3A_241, %mul3A_32] : memref<4x8192x2048xf32, #tpu.memory_space<hbm>> -> memref<1x64x256xf32, #tpu.memory_space<hbm>>
        %dma_start3A_245 = tpu.memref_squeeze %dma_start3A_244 : memref<1x64x256xf32, #tpu.memory_space<hbm>> -> memref<64x256xf32, #tpu.memory_space<hbm>>
        tpu.enqueue_dma source(%dma_start3A_245 : memref<64x256xf32, #tpu.memory_space<hbm>>) target(%arg7 : memref<64x256xf32, #tpu.memory_space<vmem>>) target_semaphore(%arg8 : memref<!tpu.dma_semaphore, #tpu.memory_space<semaphore_mem>>)
      } else {
      }
      %add3A_153 = arith.constant 1 : i32
      %add3A_154 = arith.addi %mul3A_127, %add3A_153 : i32
      %dma_wait3A_155 = arith.constant 0 : i32
      %dma_wait3A_156 = tpu.memref_slice %arg2[%select_n3A, %dma_wait3A_155, %mul3A_32] : memref<4x8192x2048xf32, #tpu.memory_space<hbm>> -> memref<1x64x256xf32, #tpu.memory_space<hbm>>
      %dma_wait3A_157 = tpu.memref_squeeze %dma_wait3A_156 : memref<1x64x256xf32, #tpu.memory_space<hbm>> -> memref<64x256xf32, #tpu.memory_space<hbm>>
      %dma_wait3A_158 = arith.constant 0 : i32
      %dma_wait3A_159 = tpu.memref_slice %arg2[%select_n3A, %dma_wait3A_158, %mul3A_32] : memref<4x8192x2048xf32, #tpu.memory_space<hbm>> -> memref<1x64x256xf32, #tpu.memory_space<hbm>>
      %dma_wait3A_160 = tpu.memref_squeeze %dma_wait3A_159 : memref<1x64x256xf32, #tpu.memory_space<hbm>> -> memref<64x256xf32, #tpu.memory_space<hbm>>
      tpu.wait_dma2 semaphore(%arg8 : memref<!tpu.dma_semaphore, #tpu.memory_space<semaphore_mem>>) src(%dma_wait3A_160 : memref<64x256xf32, #tpu.memory_space<hbm>>) dst(%arg5 : memref<64x256xf32, #tpu.memory_space<vmem>>)
      %scan3A_161 = arith.constant 0 : i32
      %scan3A_162 = arith.constant 64 : i32
      %scan3A_163 = arith.addi %scan3A_161, %scan3A_162 : i32
      %scan3A_164 = arith.constant 2 : i32
      %scan3A_165:16 = scf.for %scan3A_234 = %scan3A_161 to %scan3A_163 step %scan3A_164 iter_args(%scan3A_235 = %scan3A_140#0, %scan3A_236 = %scan3A_140#1, %scan3A_237 = %scan3A_140#2, %scan3A_238 = %scan3A_140#3, %scan3A_239 = %scan3A_140#4, %scan3A_240 = %scan3A_140#5, %scan3A_241 = %scan3A_140#6, %scan3A_242 = %scan3A_140#7, %scan3A_243 = %scan3A_140#8, %scan3A_244 = %scan3A_140#9, %scan3A_245 = %scan3A_140#10, %scan3A_246 = %scan3A_140#11, %scan3A_247 = %scan3A_140#12, %scan3A_248 = %scan3A_140#13, %scan3A_249 = %scan3A_140#14, %scan3A_250 = %scan3A_140#15) -> (vector<16xf32>, vector<16xf32>, vector<16xf32>, vector<16xf32>, vector<16xf32>, vector<16xf32>, vector<16xf32>, vector<16xf32>, vector<16xf32>, vector<16xf32>, vector<16xf32>, vector<16xf32>, vector<16xf32>, vector<16xf32>, vector<16xf32>, vector<16xf32>)  : i32 {
        %get3A = arith.index_cast %scan3A_234 : i32 to index
        %get3A_251 = arith.constant 0 : index
        %get3A_252 = tpu.vector_load %arg5[%get3A, %get3A_251] {strides = array<i32>} : memref<64x256xf32, #tpu.memory_space<vmem>>, vector<1x16xf32>,
        %get3A_253 = vector.shape_cast %get3A_252 : vector<1x16xf32> to vector<16xf32>
        %add3A_254 = arith.addf %scan3A_235, %get3A_253 : vector<16xf32>
        %swap3A = arith.index_cast %scan3A_234 : i32 to index
        %swap3A_255 = arith.constant 0 : index
        %swap3A_256 = tpu.vector_load %arg5[%swap3A, %swap3A_255] {strides = array<i32>} : memref<64x256xf32, #tpu.memory_space<vmem>>, vector<1x16xf32>,
        %swap3A_257 = vector.shape_cast %swap3A_256 : vector<1x16xf32> to vector<16xf32>
        %swap3A_258 = vector.shape_cast %add3A_254 : vector<16xf32> to vector<1x16xf32>
        tpu.vector_store %arg5[%swap3A, %swap3A_255], %swap3A_258 {strides = array<i32>} : memref<64x256xf32, #tpu.memory_space<vmem>>, vector<1x16xf32>,
        %get3A_259 = arith.index_cast %scan3A_234 : i32 to index
        %get3A_260 = arith.constant 16 : index
        %get3A_261 = tpu.vector_load %arg5[%get3A_259, %get3A_260] {strides = array<i32>} : memref<64x256xf32, #tpu.memory_space<vmem>>, vector<1x16xf32>,
        %get3A_262 = vector.shape_cast %get3A_261 : vector<1x16xf32> to vector<16xf32>
        %add3A_263 = arith.addf %scan3A_236, %get3A_262 : vector<16xf32>
        %swap3A_264 = arith.index_cast %scan3A_234 : i32 to index
        %swap3A_265 = arith.constant 16 : index
        %swap3A_266 = tpu.vector_load %arg5[%swap3A_264, %swap3A_265] {strides = array<i32>} : memref<64x256xf32, #tpu.memory_space<vmem>>, vector<1x16xf32>,
        %swap3A_267 = vector.shape_cast %swap3A_266 : vector<1x16xf32> to vector<16xf32>
        %swap3A_268 = vector.shape_cast %add3A_263 : vector<16xf32> to vector<1x16xf32>
        tpu.vector_store %arg5[%swap3A_264, %swap3A_265], %swap3A_268 {strides = array<i32>} : memref<64x256xf32, #tpu.memory_space<vmem>>, vector<1x16xf32>,
        %get3A_269 = arith.index_cast %scan3A_234 : i32 to index
        %get3A_270 = arith.constant 32 : index
        %get3A_271 = tpu.vector_load %arg5[%get3A_269, %get3A_270] {strides = array<i32>} : memref<64x256xf32, #tpu.memory_space<vmem>>, vector<1x16xf32>,
        %get3A_272 = vector.shape_cast %get3A_271 : vector<1x16xf32> to vector<16xf32>
        %add3A_273 = arith.addf %scan3A_237, %get3A_272 : vector<16xf32>
        %swap3A_274 = arith.index_cast %scan3A_234 : i32 to index
        %swap3A_275 = arith.constant 32 : index
        %swap3A_276 = tpu.vector_load %arg5[%swap3A_274, %swap3A_275] {strides = array<i32>} : memref<64x256xf32, #tpu.memory_space<vmem>>, vector<1x16xf32>,
        %swap3A_277 = vector.shape_cast %swap3A_276 : vector<1x16xf32> to vector<16xf32>
        %swap3A_278 = vector.shape_cast %add3A_273 : vector<16xf32> to vector<1x16xf32>
        tpu.vector_store %arg5[%swap3A_274, %swap3A_275], %swap3A_278 {strides = array<i32>} : memref<64x256xf32, #tpu.memory_space<vmem>>, vector<1x16xf32>,
        %get3A_279 = arith.index_cast %scan3A_234 : i32 to index
        %get3A_280 = arith.constant 48 : index
        %get3A_281 = tpu.vector_load %arg5[%get3A_279, %get3A_280] {strides = array<i32>} : memref<64x256xf32, #tpu.memory_space<vmem>>, vector<1x16xf32>,
        %get3A_282 = vector.shape_cast %get3A_281 : vector<1x16xf32> to vector<16xf32>
        %add3A_283 = arith.addf %scan3A_238, %get3A_282 : vector<16xf32>
        %swap3A_284 = arith.index_cast %scan3A_234 : i32 to index
        %swap3A_285 = arith.constant 48 : index
        %swap3A_286 = tpu.vector_load %arg5[%swap3A_284, %swap3A_285] {strides = array<i32>} : memref<64x256xf32, #tpu.memory_space<vmem>>, vector<1x16xf32>,
        %swap3A_287 = vector.shape_cast %swap3A_286 : vector<1x16xf32> to vector<16xf32>
        %swap3A_288 = vector.shape_cast %add3A_283 : vector<16xf32> to vector<1x16xf32>
        tpu.vector_store %arg5[%swap3A_284, %swap3A_285], %swap3A_288 {strides = array<i32>} : memref<64x256xf32, #tpu.memory_space<vmem>>, vector<1x16xf32>,
        %get3A_289 = arith.index_cast %scan3A_234 : i32 to index
        %get3A_290 = arith.constant 64 : index
        %get3A_291 = tpu.vector_load %arg5[%get3A_289, %get3A_290] {strides = array<i32>} : memref<64x256xf32, #tpu.memory_space<vmem>>, vector<1x16xf32>,
        %get3A_292 = vector.shape_cast %get3A_291 : vector<1x16xf32> to vector<16xf32>
        %add3A_293 = arith.addf %scan3A_239, %get3A_292 : vector<16xf32>
        %swap3A_294 = arith.index_cast %scan3A_234 : i32 to index
        %swap3A_295 = arith.constant 64 : index
        %swap3A_296 = tpu.vector_load %arg5[%swap3A_294, %swap3A_295] {strides = array<i32>} : memref<64x256xf32, #tpu.memory_space<vmem>>, vector<1x16xf32>,
        %swap3A_297 = vector.shape_cast %swap3A_296 : vector<1x16xf32> to vector<16xf32>
        %swap3A_298 = vector.shape_cast %add3A_293 : vector<16xf32> to vector<1x16xf32>
        tpu.vector_store %arg5[%swap3A_294, %swap3A_295], %swap3A_298 {strides = array<i32>} : memref<64x256xf32, #tpu.memory_space<vmem>>, vector<1x16xf32>,
        %get3A_299 = arith.index_cast %scan3A_234 : i32 to index
        %get3A_300 = arith.constant 80 : index
        %get3A_301 = tpu.vector_load %arg5[%get3A_299, %get3A_300] {strides = array<i32>} : memref<64x256xf32, #tpu.memory_space<vmem>>, vector<1x16xf32>,
        %get3A_302 = vector.shape_cast %get3A_301 : vector<1x16xf32> to vector<16xf32>
        %add3A_303 = arith.addf %scan3A_240, %get3A_302 : vector<16xf32>
        %swap3A_304 = arith.index_cast %scan3A_234 : i32 to index
        %swap3A_305 = arith.constant 80 : index
        %swap3A_306 = tpu.vector_load %arg5[%swap3A_304, %swap3A_305] {strides = array<i32>} : memref<64x256xf32, #tpu.memory_space<vmem>>, vector<1x16xf32>,
        %swap3A_307 = vector.shape_cast %swap3A_306 : vector<1x16xf32> to vector<16xf32>
        %swap3A_308 = vector.shape_cast %add3A_303 : vector<16xf32> to vector<1x16xf32>
        tpu.vector_store %arg5[%swap3A_304, %swap3A_305], %swap3A_308 {strides = array<i32>} : memref<64x256xf32, #tpu.memory_space<vmem>>, vector<1x16xf32>,
        %get3A_309 = arith.index_cast %scan3A_234 : i32 to index
        %get3A_310 = arith.constant 96 : index
        %get3A_311 = tpu.vector_load %arg5[%get3A_309, %get3A_310] {strides = array<i32>} : memref<64x256xf32, #tpu.memory_space<vmem>>, vector<1x16xf32>,
        %get3A_312 = vector.shape_cast %get3A_311 : vector<1x16xf32> to vector<16xf32>
        %add3A_313 = arith.addf %scan3A_241, %get3A_312 : vector<16xf32>
        %swap3A_314 = arith.index_cast %scan3A_234 : i32 to index
        %swap3A_315 = arith.constant 96 : index
        %swap3A_316 = tpu.vector_load %arg5[%swap3A_314, %swap3A_315] {strides = array<i32>} : memref<64x256xf32, #tpu.memory_space<vmem>>, vector<1x16xf32>,
        %swap3A_317 = vector.shape_cast %swap3A_316 : vector<1x16xf32> to vector<16xf32>
        %swap3A_318 = vector.shape_cast %add3A_313 : vector<16xf32> to vector<1x16xf32>
        tpu.vector_store %arg5[%swap3A_314, %swap3A_315], %swap3A_318 {strides = array<i32>} : memref<64x256xf32, #tpu.memory_space<vmem>>, vector<1x16xf32>,
        %get3A_319 = arith.index_cast %scan3A_234 : i32 to index
        %get3A_320 = arith.constant 112 : index
        %get3A_321 = tpu.vector_load %arg5[%get3A_319, %get3A_320] {strides = array<i32>} : memref<64x256xf32, #tpu.memory_space<vmem>>, vector<1x16xf32>,
        %get3A_322 = vector.shape_cast %get3A_321 : vector<1x16xf32> to vector<16xf32>
        %add3A_323 = arith.addf %scan3A_242, %get3A_322 : vector<16xf32>
        %swap3A_324 = arith.index_cast %scan3A_234 : i32 to index
        %swap3A_325 = arith.constant 112 : index
        %swap3A_326 = tpu.vector_load %arg5[%swap3A_324, %swap3A_325] {strides = array<i32>} : memref<64x256xf32, #tpu.memory_space<vmem>>, vector<1x16xf32>,
        %swap3A_327 = vector.shape_cast %swap3A_326 : vector<1x16xf32> to vector<16xf32>
        %swap3A_328 = vector.shape_cast %add3A_323 : vector<16xf32> to vector<1x16xf32>
        tpu.vector_store %arg5[%swap3A_324, %swap3A_325], %swap3A_328 {strides = array<i32>} : memref<64x256xf32, #tpu.memory_space<vmem>>, vector<1x16xf32>,
        %get3A_329 = arith.index_cast %scan3A_234 : i32 to index
        %get3A_330 = arith.constant 128 : index
        %get3A_331 = tpu.vector_load %arg5[%get3A_329, %get3A_330] {strides = array<i32>} : memref<64x256xf32, #tpu.memory_space<vmem>>, vector<1x16xf32>,
        %get3A_332 = vector.shape_cast %get3A_331 : vector<1x16xf32> to vector<16xf32>
        %add3A_333 = arith.addf %scan3A_243, %get3A_332 : vector<16xf32>
        %swap3A_334 = arith.index_cast %scan3A_234 : i32 to index
        %swap3A_335 = arith.constant 128 : index
        %swap3A_336 = tpu.vector_load %arg5[%swap3A_334, %swap3A_335] {strides = array<i32>} : memref<64x256xf32, #tpu.memory_space<vmem>>, vector<1x16xf32>,
        %swap3A_337 = vector.shape_cast %swap3A_336 : vector<1x16xf32> to vector<16xf32>
        %swap3A_338 = vector.shape_cast %add3A_333 : vector<16xf32> to vector<1x16xf32>
        tpu.vector_store %arg5[%swap3A_334, %swap3A_335], %swap3A_338 {strides = array<i32>} : memref<64x256xf32, #tpu.memory_space<vmem>>, vector<1x16xf32>,
        %get3A_339 = arith.index_cast %scan3A_234 : i32 to index
        %get3A_340 = arith.constant 144 : index
        %get3A_341 = tpu.vector_load %arg5[%get3A_339, %get3A_340] {strides = array<i32>} : memref<64x256xf32, #tpu.memory_space<vmem>>, vector<1x16xf32>,
        %get3A_342 = vector.shape_cast %get3A_341 : vector<1x16xf32> to vector<16xf32>
        %add3A_343 = arith.addf %scan3A_244, %get3A_342 : vector<16xf32>
        %swap3A_344 = arith.index_cast %scan3A_234 : i32 to index
        %swap3A_345 = arith.constant 144 : index
        %swap3A_346 = tpu.vector_load %arg5[%swap3A_344, %swap3A_345] {strides = array<i32>} : memref<64x256xf32, #tpu.memory_space<vmem>>, vector<1x16xf32>,
        %swap3A_347 = vector.shape_cast %swap3A_346 : vector<1x16xf32> to vector<16xf32>
        %swap3A_348 = vector.shape_cast %add3A_343 : vector<16xf32> to vector<1x16xf32>
        tpu.vector_store %arg5[%swap3A_344, %swap3A_345], %swap3A_348 {strides = array<i32>} : memref<64x256xf32, #tpu.memory_space<vmem>>, vector<1x16xf32>,
        %get3A_349 = arith.index_cast %scan3A_234 : i32 to index
        %get3A_350 = arith.constant 160 : index
        %get3A_351 = tpu.vector_load %arg5[%get3A_349, %get3A_350] {strides = array<i32>} : memref<64x256xf32, #tpu.memory_space<vmem>>, vector<1x16xf32>,
        %get3A_352 = vector.shape_cast %get3A_351 : vector<1x16xf32> to vector<16xf32>
        %add3A_353 = arith.addf %scan3A_245, %get3A_352 : vector<16xf32>
        %swap3A_354 = arith.index_cast %scan3A_234 : i32 to index
        %swap3A_355 = arith.constant 160 : index
        %swap3A_356 = tpu.vector_load %arg5[%swap3A_354, %swap3A_355] {strides = array<i32>} : memref<64x256xf32, #tpu.memory_space<vmem>>, vector<1x16xf32>,
        %swap3A_357 = vector.shape_cast %swap3A_356 : vector<1x16xf32> to vector<16xf32>
        %swap3A_358 = vector.shape_cast %add3A_353 : vector<16xf32> to vector<1x16xf32>
        tpu.vector_store %arg5[%swap3A_354, %swap3A_355], %swap3A_358 {strides = array<i32>} : memref<64x256xf32, #tpu.memory_space<vmem>>, vector<1x16xf32>,
        %get3A_359 = arith.index_cast %scan3A_234 : i32 to index
        %get3A_360 = arith.constant 176 : index
        %get3A_361 = tpu.vector_load %arg5[%get3A_359, %get3A_360] {strides = array<i32>} : memref<64x256xf32, #tpu.memory_space<vmem>>, vector<1x16xf32>,
        %get3A_362 = vector.shape_cast %get3A_361 : vector<1x16xf32> to vector<16xf32>
        %add3A_363 = arith.addf %scan3A_246, %get3A_362 : vector<16xf32>
        %swap3A_364 = arith.index_cast %scan3A_234 : i32 to index
        %swap3A_365 = arith.constant 176 : index
        %swap3A_366 = tpu.vector_load %arg5[%swap3A_364, %swap3A_365] {strides = array<i32>} : memref<64x256xf32, #tpu.memory_space<vmem>>, vector<1x16xf32>,
        %swap3A_367 = vector.shape_cast %swap3A_366 : vector<1x16xf32> to vector<16xf32>
        %swap3A_368 = vector.shape_cast %add3A_363 : vector<16xf32> to vector<1x16xf32>
        tpu.vector_store %arg5[%swap3A_364, %swap3A_365], %swap3A_368 {strides = array<i32>} : memref<64x256xf32, #tpu.memory_space<vmem>>, vector<1x16xf32>,
        %get3A_369 = arith.index_cast %scan3A_234 : i32 to index
        %get3A_370 = arith.constant 192 : index
        %get3A_371 = tpu.vector_load %arg5[%get3A_369, %get3A_370] {strides = array<i32>} : memref<64x256xf32, #tpu.memory_space<vmem>>, vector<1x16xf32>,
        %get3A_372 = vector.shape_cast %get3A_371 : vector<1x16xf32> to vector<16xf32>
        %add3A_373 = arith.addf %scan3A_247, %get3A_372 : vector<16xf32>
        %swap3A_374 = arith.index_cast %scan3A_234 : i32 to index
        %swap3A_375 = arith.constant 192 : index
        %swap3A_376 = tpu.vector_load %arg5[%swap3A_374, %swap3A_375] {strides = array<i32>} : memref<64x256xf32, #tpu.memory_space<vmem>>, vector<1x16xf32>,
        %swap3A_377 = vector.shape_cast %swap3A_376 : vector<1x16xf32> to vector<16xf32>
        %swap3A_378 = vector.shape_cast %add3A_373 : vector<16xf32> to vector<1x16xf32>
        tpu.vector_store %arg5[%swap3A_374, %swap3A_375], %swap3A_378 {strides = array<i32>} : memref<64x256xf32, #tpu.memory_space<vmem>>, vector<1x16xf32>,
        %get3A_379 = arith.index_cast %scan3A_234 : i32 to index
        %get3A_380 = arith.constant 208 : index
        %get3A_381 = tpu.vector_load %arg5[%get3A_379, %get3A_380] {strides = array<i32>} : memref<64x256xf32, #tpu.memory_space<vmem>>, vector<1x16xf32>,
        %get3A_382 = vector.shape_cast %get3A_381 : vector<1x16xf32> to vector<16xf32>
        %add3A_383 = arith.addf %scan3A_248, %get3A_382 : vector<16xf32>
        %swap3A_384 = arith.index_cast %scan3A_234 : i32 to index
        %swap3A_385 = arith.constant 208 : index
        %swap3A_386 = tpu.vector_load %arg5[%swap3A_384, %swap3A_385] {strides = array<i32>} : memref<64x256xf32, #tpu.memory_space<vmem>>, vector<1x16xf32>,
        %swap3A_387 = vector.shape_cast %swap3A_386 : vector<1x16xf32> to vector<16xf32>
        %swap3A_388 = vector.shape_cast %add3A_383 : vector<16xf32> to vector<1x16xf32>
        tpu.vector_store %arg5[%swap3A_384, %swap3A_385], %swap3A_388 {strides = array<i32>} : memref<64x256xf32, #tpu.memory_space<vmem>>, vector<1x16xf32>,
        %get3A_389 = arith.index_cast %scan3A_234 : i32 to index
        %get3A_390 = arith.constant 224 : index
        %get3A_391 = tpu.vector_load %arg5[%get3A_389, %get3A_390] {strides = array<i32>} : memref<64x256xf32, #tpu.memory_space<vmem>>, vector<1x16xf32>,
        %get3A_392 = vector.shape_cast %get3A_391 : vector<1x16xf32> to vector<16xf32>
        %add3A_393 = arith.addf %scan3A_249, %get3A_392 : vector<16xf32>
        %swap3A_394 = arith.index_cast %scan3A_234 : i32 to index
        %swap3A_395 = arith.constant 224 : index
        %swap3A_396 = tpu.vector_load %arg5[%swap3A_394, %swap3A_395] {strides = array<i32>} : memref<64x256xf32, #tpu.memory_space<vmem>>, vector<1x16xf32>,
        %swap3A_397 = vector.shape_cast %swap3A_396 : vector<1x16xf32> to vector<16xf32>
        %swap3A_398 = vector.shape_cast %add3A_393 : vector<16xf32> to vector<1x16xf32>
        tpu.vector_store %arg5[%swap3A_394, %swap3A_395], %swap3A_398 {strides = array<i32>} : memref<64x256xf32, #tpu.memory_space<vmem>>, vector<1x16xf32>,
        %get3A_399 = arith.index_cast %scan3A_234 : i32 to index
        %get3A_400 = arith.constant 240 : index
        %get3A_401 = tpu.vector_load %arg5[%get3A_399, %get3A_400] {strides = array<i32>} : memref<64x256xf32, #tpu.memory_space<vmem>>, vector<1x16xf32>,
        %get3A_402 = vector.shape_cast %get3A_401 : vector<1x16xf32> to vector<16xf32>
        %add3A_403 = arith.addf %scan3A_250, %get3A_402 : vector<16xf32>
        %swap3A_404 = arith.index_cast %scan3A_234 : i32 to index
        %swap3A_405 = arith.constant 240 : index
        %swap3A_406 = tpu.vector_load %arg5[%swap3A_404, %swap3A_405] {strides = array<i32>} : memref<64x256xf32, #tpu.memory_space<vmem>>, vector<1x16xf32>,
        %swap3A_407 = vector.shape_cast %swap3A_406 : vector<1x16xf32> to vector<16xf32>
        %swap3A_408 = vector.shape_cast %add3A_403 : vector<16xf32> to vector<1x16xf32>
        tpu.vector_store %arg5[%swap3A_404, %swap3A_405], %swap3A_408 {strides = array<i32>} : memref<64x256xf32, #tpu.memory_space<vmem>>, vector<1x16xf32>,
        %scan3A_409 = arith.constant 1 : i32
        %scan3A_410 = arith.addi %scan3A_234, %scan3A_409 : i32
        %get3A_411 = arith.index_cast %scan3A_410 : i32 to index
        %get3A_412 = arith.constant 0 : index
        %get3A_413 = tpu.vector_load %arg5[%get3A_411, %get3A_412] {strides = array<i32>} : memref<64x256xf32, #tpu.memory_space<vmem>>, vector<1x16xf32>,
        %get3A_414 = vector.shape_cast %get3A_413 : vector<1x16xf32> to vector<16xf32>
        %add3A_415 = arith.addf %add3A_254, %get3A_414 : vector<16xf32>
        %swap3A_416 = arith.index_cast %scan3A_410 : i32 to index
        %swap3A_417 = arith.constant 0 : index
        %swap3A_418 = tpu.vector_load %arg5[%swap3A_416, %swap3A_417] {strides = array<i32>} : memref<64x256xf32, #tpu.memory_space<vmem>>, vector<1x16xf32>,
        %swap3A_419 = vector.shape_cast %swap3A_418 : vector<1x16xf32> to vector<16xf32>
        %swap3A_420 = vector.shape_cast %add3A_415 : vector<16xf32> to vector<1x16xf32>
        tpu.vector_store %arg5[%swap3A_416, %swap3A_417], %swap3A_420 {strides = array<i32>} : memref<64x256xf32, #tpu.memory_space<vmem>>, vector<1x16xf32>,
        %get3A_421 = arith.index_cast %scan3A_410 : i32 to index
        %get3A_422 = arith.constant 16 : index
        %get3A_423 = tpu.vector_load %arg5[%get3A_421, %get3A_422] {strides = array<i32>} : memref<64x256xf32, #tpu.memory_space<vmem>>, vector<1x16xf32>,
        %get3A_424 = vector.shape_cast %get3A_423 : vector<1x16xf32> to vector<16xf32>
        %add3A_425 = arith.addf %add3A_263, %get3A_424 : vector<16xf32>
        %swap3A_426 = arith.index_cast %scan3A_410 : i32 to index
        %swap3A_427 = arith.constant 16 : index
        %swap3A_428 = tpu.vector_load %arg5[%swap3A_426, %swap3A_427] {strides = array<i32>} : memref<64x256xf32, #tpu.memory_space<vmem>>, vector<1x16xf32>,
        %swap3A_429 = vector.shape_cast %swap3A_428 : vector<1x16xf32> to vector<16xf32>
        %swap3A_430 = vector.shape_cast %add3A_425 : vector<16xf32> to vector<1x16xf32>
        tpu.vector_store %arg5[%swap3A_426, %swap3A_427], %swap3A_430 {strides = array<i32>} : memref<64x256xf32, #tpu.memory_space<vmem>>, vector<1x16xf32>,
        %get3A_431 = arith.index_cast %scan3A_410 : i32 to index
        %get3A_432 = arith.constant 32 : index
        %get3A_433 = tpu.vector_load %arg5[%get3A_431, %get3A_432] {strides = array<i32>} : memref<64x256xf32, #tpu.memory_space<vmem>>, vector<1x16xf32>,
        %get3A_434 = vector.shape_cast %get3A_433 : vector<1x16xf32> to vector<16xf32>
        %add3A_435 = arith.addf %add3A_273, %get3A_434 : vector<16xf32>
        %swap3A_436 = arith.index_cast %scan3A_410 : i32 to index
        %swap3A_437 = arith.constant 32 : index
        %swap3A_438 = tpu.vector_load %arg5[%swap3A_436, %swap3A_437] {strides = array<i32>} : memref<64x256xf32, #tpu.memory_space<vmem>>, vector<1x16xf32>,
        %swap3A_439 = vector.shape_cast %swap3A_438 : vector<1x16xf32> to vector<16xf32>
        %swap3A_440 = vector.shape_cast %add3A_435 : vector<16xf32> to vector<1x16xf32>
        tpu.vector_store %arg5[%swap3A_436, %swap3A_437], %swap3A_440 {strides = array<i32>} : memref<64x256xf32, #tpu.memory_space<vmem>>, vector<1x16xf32>,
        %get3A_441 = arith.index_cast %scan3A_410 : i32 to index
        %get3A_442 = arith.constant 48 : index
        %get3A_443 = tpu.vector_load %arg5[%get3A_441, %get3A_442] {strides = array<i32>} : memref<64x256xf32, #tpu.memory_space<vmem>>, vector<1x16xf32>,
        %get3A_444 = vector.shape_cast %get3A_443 : vector<1x16xf32> to vector<16xf32>
        %add3A_445 = arith.addf %add3A_283, %get3A_444 : vector<16xf32>
        %swap3A_446 = arith.index_cast %scan3A_410 : i32 to index
        %swap3A_447 = arith.constant 48 : index
        %swap3A_448 = tpu.vector_load %arg5[%swap3A_446, %swap3A_447] {strides = array<i32>} : memref<64x256xf32, #tpu.memory_space<vmem>>, vector<1x16xf32>,
        %swap3A_449 = vector.shape_cast %swap3A_448 : vector<1x16xf32> to vector<16xf32>
        %swap3A_450 = vector.shape_cast %add3A_445 : vector<16xf32> to vector<1x16xf32>
        tpu.vector_store %arg5[%swap3A_446, %swap3A_447], %swap3A_450 {strides = array<i32>} : memref<64x256xf32, #tpu.memory_space<vmem>>, vector<1x16xf32>,
        %get3A_451 = arith.index_cast %scan3A_410 : i32 to index
        %get3A_452 = arith.constant 64 : index
        %get3A_453 = tpu.vector_load %arg5[%get3A_451, %get3A_452] {strides = array<i32>} : memref<64x256xf32, #tpu.memory_space<vmem>>, vector<1x16xf32>,
        %get3A_454 = vector.shape_cast %get3A_453 : vector<1x16xf32> to vector<16xf32>
        %add3A_455 = arith.addf %add3A_293, %get3A_454 : vector<16xf32>
        %swap3A_456 = arith.index_cast %scan3A_410 : i32 to index
        %swap3A_457 = arith.constant 64 : index
        %swap3A_458 = tpu.vector_load %arg5[%swap3A_456, %swap3A_457] {strides = array<i32>} : memref<64x256xf32, #tpu.memory_space<vmem>>, vector<1x16xf32>,
        %swap3A_459 = vector.shape_cast %swap3A_458 : vector<1x16xf32> to vector<16xf32>
        %swap3A_460 = vector.shape_cast %add3A_455 : vector<16xf32> to vector<1x16xf32>
        tpu.vector_store %arg5[%swap3A_456, %swap3A_457], %swap3A_460 {strides = array<i32>} : memref<64x256xf32, #tpu.memory_space<vmem>>, vector<1x16xf32>,
        %get3A_461 = arith.index_cast %scan3A_410 : i32 to index
        %get3A_462 = arith.constant 80 : index
        %get3A_463 = tpu.vector_load %arg5[%get3A_461, %get3A_462] {strides = array<i32>} : memref<64x256xf32, #tpu.memory_space<vmem>>, vector<1x16xf32>,
        %get3A_464 = vector.shape_cast %get3A_463 : vector<1x16xf32> to vector<16xf32>
        %add3A_465 = arith.addf %add3A_303, %get3A_464 : vector<16xf32>
        %swap3A_466 = arith.index_cast %scan3A_410 : i32 to index
        %swap3A_467 = arith.constant 80 : index
        %swap3A_468 = tpu.vector_load %arg5[%swap3A_466, %swap3A_467] {strides = array<i32>} : memref<64x256xf32, #tpu.memory_space<vmem>>, vector<1x16xf32>,
        %swap3A_469 = vector.shape_cast %swap3A_468 : vector<1x16xf32> to vector<16xf32>
        %swap3A_470 = vector.shape_cast %add3A_465 : vector<16xf32> to vector<1x16xf32>
        tpu.vector_store %arg5[%swap3A_466, %swap3A_467], %swap3A_470 {strides = array<i32>} : memref<64x256xf32, #tpu.memory_space<vmem>>, vector<1x16xf32>,
        %get3A_471 = arith.index_cast %scan3A_410 : i32 to index
        %get3A_472 = arith.constant 96 : index
        %get3A_473 = tpu.vector_load %arg5[%get3A_471, %get3A_472] {strides = array<i32>} : memref<64x256xf32, #tpu.memory_space<vmem>>, vector<1x16xf32>,
        %get3A_474 = vector.shape_cast %get3A_473 : vector<1x16xf32> to vector<16xf32>
        %add3A_475 = arith.addf %add3A_313, %get3A_474 : vector<16xf32>
        %swap3A_476 = arith.index_cast %scan3A_410 : i32 to index
        %swap3A_477 = arith.constant 96 : index
        %swap3A_478 = tpu.vector_load %arg5[%swap3A_476, %swap3A_477] {strides = array<i32>} : memref<64x256xf32, #tpu.memory_space<vmem>>, vector<1x16xf32>,
        %swap3A_479 = vector.shape_cast %swap3A_478 : vector<1x16xf32> to vector<16xf32>
        %swap3A_480 = vector.shape_cast %add3A_475 : vector<16xf32> to vector<1x16xf32>
        tpu.vector_store %arg5[%swap3A_476, %swap3A_477], %swap3A_480 {strides = array<i32>} : memref<64x256xf32, #tpu.memory_space<vmem>>, vector<1x16xf32>,
        %get3A_481 = arith.index_cast %scan3A_410 : i32 to index
        %get3A_482 = arith.constant 112 : index
        %get3A_483 = tpu.vector_load %arg5[%get3A_481, %get3A_482] {strides = array<i32>} : memref<64x256xf32, #tpu.memory_space<vmem>>, vector<1x16xf32>,
        %get3A_484 = vector.shape_cast %get3A_483 : vector<1x16xf32> to vector<16xf32>
        %add3A_485 = arith.addf %add3A_323, %get3A_484 : vector<16xf32>
        %swap3A_486 = arith.index_cast %scan3A_410 : i32 to index
        %swap3A_487 = arith.constant 112 : index
        %swap3A_488 = tpu.vector_load %arg5[%swap3A_486, %swap3A_487] {strides = array<i32>} : memref<64x256xf32, #tpu.memory_space<vmem>>, vector<1x16xf32>,
        %swap3A_489 = vector.shape_cast %swap3A_488 : vector<1x16xf32> to vector<16xf32>
        %swap3A_490 = vector.shape_cast %add3A_485 : vector<16xf32> to vector<1x16xf32>
        tpu.vector_store %arg5[%swap3A_486, %swap3A_487], %swap3A_490 {strides = array<i32>} : memref<64x256xf32, #tpu.memory_space<vmem>>, vector<1x16xf32>,
        %get3A_491 = arith.index_cast %scan3A_410 : i32 to index
        %get3A_492 = arith.constant 128 : index
        %get3A_493 = tpu.vector_load %arg5[%get3A_491, %get3A_492] {strides = array<i32>} : memref<64x256xf32, #tpu.memory_space<vmem>>, vector<1x16xf32>,
        %get3A_494 = vector.shape_cast %get3A_493 : vector<1x16xf32> to vector<16xf32>
        %add3A_495 = arith.addf %add3A_333, %get3A_494 : vector<16xf32>
        %swap3A_496 = arith.index_cast %scan3A_410 : i32 to index
        %swap3A_497 = arith.constant 128 : index
        %swap3A_498 = tpu.vector_load %arg5[%swap3A_496, %swap3A_497] {strides = array<i32>} : memref<64x256xf32, #tpu.memory_space<vmem>>, vector<1x16xf32>,
        %swap3A_499 = vector.shape_cast %swap3A_498 : vector<1x16xf32> to vector<16xf32>
        %swap3A_500 = vector.shape_cast %add3A_495 : vector<16xf32> to vector<1x16xf32>
        tpu.vector_store %arg5[%swap3A_496, %swap3A_497], %swap3A_500 {strides = array<i32>} : memref<64x256xf32, #tpu.memory_space<vmem>>, vector<1x16xf32>,
        %get3A_501 = arith.index_cast %scan3A_410 : i32 to index
        %get3A_502 = arith.constant 144 : index
        %get3A_503 = tpu.vector_load %arg5[%get3A_501, %get3A_502] {strides = array<i32>} : memref<64x256xf32, #tpu.memory_space<vmem>>, vector<1x16xf32>,
        %get3A_504 = vector.shape_cast %get3A_503 : vector<1x16xf32> to vector<16xf32>
        %add3A_505 = arith.addf %add3A_343, %get3A_504 : vector<16xf32>
        %swap3A_506 = arith.index_cast %scan3A_410 : i32 to index
        %swap3A_507 = arith.constant 144 : index
        %swap3A_508 = tpu.vector_load %arg5[%swap3A_506, %swap3A_507] {strides = array<i32>} : memref<64x256xf32, #tpu.memory_space<vmem>>, vector<1x16xf32>,
        %swap3A_509 = vector.shape_cast %swap3A_508 : vector<1x16xf32> to vector<16xf32>
        %swap3A_510 = vector.shape_cast %add3A_505 : vector<16xf32> to vector<1x16xf32>
        tpu.vector_store %arg5[%swap3A_506, %swap3A_507], %swap3A_510 {strides = array<i32>} : memref<64x256xf32, #tpu.memory_space<vmem>>, vector<1x16xf32>,
        %get3A_511 = arith.index_cast %scan3A_410 : i32 to index
        %get3A_512 = arith.constant 160 : index
        %get3A_513 = tpu.vector_load %arg5[%get3A_511, %get3A_512] {strides = array<i32>} : memref<64x256xf32, #tpu.memory_space<vmem>>, vector<1x16xf32>,
        %get3A_514 = vector.shape_cast %get3A_513 : vector<1x16xf32> to vector<16xf32>
        %add3A_515 = arith.addf %add3A_353, %get3A_514 : vector<16xf32>
        %swap3A_516 = arith.index_cast %scan3A_410 : i32 to index
        %swap3A_517 = arith.constant 160 : index
        %swap3A_518 = tpu.vector_load %arg5[%swap3A_516, %swap3A_517] {strides = array<i32>} : memref<64x256xf32, #tpu.memory_space<vmem>>, vector<1x16xf32>,
        %swap3A_519 = vector.shape_cast %swap3A_518 : vector<1x16xf32> to vector<16xf32>
        %swap3A_520 = vector.shape_cast %add3A_515 : vector<16xf32> to vector<1x16xf32>
        tpu.vector_store %arg5[%swap3A_516, %swap3A_517], %swap3A_520 {strides = array<i32>} : memref<64x256xf32, #tpu.memory_space<vmem>>, vector<1x16xf32>,
        %get3A_521 = arith.index_cast %scan3A_410 : i32 to index
        %get3A_522 = arith.constant 176 : index
        %get3A_523 = tpu.vector_load %arg5[%get3A_521, %get3A_522] {strides = array<i32>} : memref<64x256xf32, #tpu.memory_space<vmem>>, vector<1x16xf32>,
        %get3A_524 = vector.shape_cast %get3A_523 : vector<1x16xf32> to vector<16xf32>
        %add3A_525 = arith.addf %add3A_363, %get3A_524 : vector<16xf32>
        %swap3A_526 = arith.index_cast %scan3A_410 : i32 to index
        %swap3A_527 = arith.constant 176 : index
        %swap3A_528 = tpu.vector_load %arg5[%swap3A_526, %swap3A_527] {strides = array<i32>} : memref<64x256xf32, #tpu.memory_space<vmem>>, vector<1x16xf32>,
        %swap3A_529 = vector.shape_cast %swap3A_528 : vector<1x16xf32> to vector<16xf32>
        %swap3A_530 = vector.shape_cast %add3A_525 : vector<16xf32> to vector<1x16xf32>
        tpu.vector_store %arg5[%swap3A_526, %swap3A_527], %swap3A_530 {strides = array<i32>} : memref<64x256xf32, #tpu.memory_space<vmem>>, vector<1x16xf32>,
        %get3A_531 = arith.index_cast %scan3A_410 : i32 to index
        %get3A_532 = arith.constant 192 : index
        %get3A_533 = tpu.vector_load %arg5[%get3A_531, %get3A_532] {strides = array<i32>} : memref<64x256xf32, #tpu.memory_space<vmem>>, vector<1x16xf32>,
        %get3A_534 = vector.shape_cast %get3A_533 : vector<1x16xf32> to vector<16xf32>
        %add3A_535 = arith.addf %add3A_373, %get3A_534 : vector<16xf32>
        %swap3A_536 = arith.index_cast %scan3A_410 : i32 to index
        %swap3A_537 = arith.constant 192 : index
        %swap3A_538 = tpu.vector_load %arg5[%swap3A_536, %swap3A_537] {strides = array<i32>} : memref<64x256xf32, #tpu.memory_space<vmem>>, vector<1x16xf32>,
        %swap3A_539 = vector.shape_cast %swap3A_538 : vector<1x16xf32> to vector<16xf32>
        %swap3A_540 = vector.shape_cast %add3A_535 : vector<16xf32> to vector<1x16xf32>
        tpu.vector_store %arg5[%swap3A_536, %swap3A_537], %swap3A_540 {strides = array<i32>} : memref<64x256xf32, #tpu.memory_space<vmem>>, vector<1x16xf32>,
        %get3A_541 = arith.index_cast %scan3A_410 : i32 to index
        %get3A_542 = arith.constant 208 : index
        %get3A_543 = tpu.vector_load %arg5[%get3A_541, %get3A_542] {strides = array<i32>} : memref<64x256xf32, #tpu.memory_space<vmem>>, vector<1x16xf32>,
        %get3A_544 = vector.shape_cast %get3A_543 : vector<1x16xf32> to vector<16xf32>
        %add3A_545 = arith.addf %add3A_383, %get3A_544 : vector<16xf32>
        %swap3A_546 = arith.index_cast %scan3A_410 : i32 to index
        %swap3A_547 = arith.constant 208 : index
        %swap3A_548 = tpu.vector_load %arg5[%swap3A_546, %swap3A_547] {strides = array<i32>} : memref<64x256xf32, #tpu.memory_space<vmem>>, vector<1x16xf32>,
        %swap3A_549 = vector.shape_cast %swap3A_548 : vector<1x16xf32> to vector<16xf32>
        %swap3A_550 = vector.shape_cast %add3A_545 : vector<16xf32> to vector<1x16xf32>
        tpu.vector_store %arg5[%swap3A_546, %swap3A_547], %swap3A_550 {strides = array<i32>} : memref<64x256xf32, #tpu.memory_space<vmem>>, vector<1x16xf32>,
        %get3A_551 = arith.index_cast %scan3A_410 : i32 to index
        %get3A_552 = arith.constant 224 : index
        %get3A_553 = tpu.vector_load %arg5[%get3A_551, %get3A_552] {strides = array<i32>} : memref<64x256xf32, #tpu.memory_space<vmem>>, vector<1x16xf32>,
        %get3A_554 = vector.shape_cast %get3A_553 : vector<1x16xf32> to vector<16xf32>
        %add3A_555 = arith.addf %add3A_393, %get3A_554 : vector<16xf32>
        %swap3A_556 = arith.index_cast %scan3A_410 : i32 to index
        %swap3A_557 = arith.constant 224 : index
        %swap3A_558 = tpu.vector_load %arg5[%swap3A_556, %swap3A_557] {strides = array<i32>} : memref<64x256xf32, #tpu.memory_space<vmem>>, vector<1x16xf32>,
        %swap3A_559 = vector.shape_cast %swap3A_558 : vector<1x16xf32> to vector<16xf32>
        %swap3A_560 = vector.shape_cast %add3A_555 : vector<16xf32> to vector<1x16xf32>
        tpu.vector_store %arg5[%swap3A_556, %swap3A_557], %swap3A_560 {strides = array<i32>} : memref<64x256xf32, #tpu.memory_space<vmem>>, vector<1x16xf32>,
        %get3A_561 = arith.index_cast %scan3A_410 : i32 to index
        %get3A_562 = arith.constant 240 : index
        %get3A_563 = tpu.vector_load %arg5[%get3A_561, %get3A_562] {strides = array<i32>} : memref<64x256xf32, #tpu.memory_space<vmem>>, vector<1x16xf32>,
        %get3A_564 = vector.shape_cast %get3A_563 : vector<1x16xf32> to vector<16xf32>
        %add3A_565 = arith.addf %add3A_403, %get3A_564 : vector<16xf32>
        %swap3A_566 = arith.index_cast %scan3A_410 : i32 to index
        %swap3A_567 = arith.constant 240 : index
        %swap3A_568 = tpu.vector_load %arg5[%swap3A_566, %swap3A_567] {strides = array<i32>} : memref<64x256xf32, #tpu.memory_space<vmem>>, vector<1x16xf32>,
        %swap3A_569 = vector.shape_cast %swap3A_568 : vector<1x16xf32> to vector<16xf32>
        %swap3A_570 = vector.shape_cast %add3A_565 : vector<16xf32> to vector<1x16xf32>
        tpu.vector_store %arg5[%swap3A_566, %swap3A_567], %swap3A_570 {strides = array<i32>} : memref<64x256xf32, #tpu.memory_space<vmem>>, vector<1x16xf32>,
        scf.yield %add3A_415, %add3A_425, %add3A_435, %add3A_445, %add3A_455, %add3A_465, %add3A_475, %add3A_485, %add3A_495, %add3A_505, %add3A_515, %add3A_525, %add3A_535, %add3A_545, %add3A_555, %add3A_565 : vector<16xf32>, vector<16xf32>, vector<16xf32>, vector<16xf32>, vector<16xf32>, vector<16xf32>, vector<16xf32>, vector<16xf32>, vector<16xf32>, vector<16xf32>, vector<16xf32>, vector<16xf32>, vector<16xf32>, vector<16xf32>, vector<16xf32>, vector<16xf32>
      }
      %scan3A_166 = arith.constant 64 : i32
      %mul3A_167 = arith.constant 64 : i32
      %mul3A_168 = arith.muli %add3A_154, %mul3A_167 : i32
      %dma_start3A_169 = tpu.memref_slice %arg3[%select_n3A, %mul3A_168, %mul3A_32] : memref<4x8192x2048xf32, #tpu.memory_space<hbm>> -> memref<1x64x256xf32, #tpu.memory_space<hbm>>
      %dma_start3A_170 = tpu.memref_squeeze %dma_start3A_169 : memref<1x64x256xf32, #tpu.memory_space<hbm>> -> memref<64x256xf32, #tpu.memory_space<hbm>>
      %dma_start3A_171 = tpu.memref_slice %arg3[%select_n3A, %mul3A_168, %mul3A_32] : memref<4x8192x2048xf32, #tpu.memory_space<hbm>> -> memref<1x64x256xf32, #tpu.memory_space<hbm>>
      %dma_start3A_172 = tpu.memref_squeeze %dma_start3A_171 : memref<1x64x256xf32, #tpu.memory_space<hbm>> -> memref<64x256xf32, #tpu.memory_space<hbm>>
      tpu.enqueue_dma source(%arg5 : memref<64x256xf32, #tpu.memory_space<vmem>>) target(%dma_start3A_172 : memref<64x256xf32, #tpu.memory_space<hbm>>) target_semaphore(%arg9 : memref<!tpu.dma_semaphore, #tpu.memory_space<semaphore_mem>>)
      %add3A_173 = arith.constant 3 : i32
      %add3A_174 = arith.addi %add3A_154, %add3A_173 : i32
      %lt3A_175 = arith.constant 128 : i32
      %lt3A_176 = arith.cmpi slt, %add3A_174, %lt3A_175 : i32
      %convert_element_type3A_177 = arith.extui %lt3A_176 : i1 to i32
      %cond3A_178 = arith.constant 0 : i32
      %cond3A_179 = arith.cmpi ne, %convert_element_type3A_177, %cond3A_178 : i32
      scf.if %cond3A_179 {
        %ge3A = arith.constant 1 : i32
        %ge3A_234 = arith.cmpi sge, %add3A_154, %ge3A : i32
        %convert_element_type3A_235 = arith.extui %ge3A_234 : i1 to i32
        %cond3A_236 = arith.constant 0 : i32
        %cond3A_237 = arith.cmpi ne, %convert_element_type3A_235, %cond3A_236 : i32
        scf.if %cond3A_237 {
          %dma_wait3A_246 = arith.constant 0 : i32
          %dma_wait3A_247 = tpu.memref_slice %arg3[%select_n3A, %dma_wait3A_246, %mul3A_32] : memref<4x8192x2048xf32, #tpu.memory_space<hbm>> -> memref<1x64x256xf32, #tpu.memory_space<hbm>>
          %dma_wait3A_248 = tpu.memref_squeeze %dma_wait3A_247 : memref<1x64x256xf32, #tpu.memory_space<hbm>> -> memref<64x256xf32, #tpu.memory_space<hbm>>
          %dma_wait3A_249 = arith.constant 0 : i32
          %dma_wait3A_250 = tpu.memref_slice %arg3[%select_n3A, %dma_wait3A_249, %mul3A_32] : memref<4x8192x2048xf32, #tpu.memory_space<hbm>> -> memref<1x64x256xf32, #tpu.memory_space<hbm>>
          %dma_wait3A_251 = tpu.memref_squeeze %dma_wait3A_250 : memref<1x64x256xf32, #tpu.memory_space<hbm>> -> memref<64x256xf32, #tpu.memory_space<hbm>>
          tpu.wait_dma2 semaphore(%arg9 : memref<!tpu.dma_semaphore, #tpu.memory_space<semaphore_mem>>) src(%arg4 : memref<64x256xf32, #tpu.memory_space<vmem>>) dst(%dma_wait3A_251 : memref<64x256xf32, #tpu.memory_space<hbm>>)
        } else {
        }
        %add3A_238 = arith.constant 3 : i32
        %add3A_239 = arith.addi %add3A_154, %add3A_238 : i32
        %mul3A_240 = arith.constant 64 : i32
        %mul3A_241 = arith.muli %add3A_239, %mul3A_240 : i32
        %dma_start3A_242 = tpu.memref_slice %arg2[%select_n3A, %mul3A_241, %mul3A_32] : memref<4x8192x2048xf32, #tpu.memory_space<hbm>> -> memref<1x64x256xf32, #tpu.memory_space<hbm>>
        %dma_start3A_243 = tpu.memref_squeeze %dma_start3A_242 : memref<1x64x256xf32, #tpu.memory_space<hbm>> -> memref<64x256xf32, #tpu.memory_space<hbm>>
        %dma_start3A_244 = tpu.memref_slice %arg2[%select_n3A, %mul3A_241, %mul3A_32] : memref<4x8192x2048xf32, #tpu.memory_space<hbm>> -> memref<1x64x256xf32, #tpu.memory_space<hbm>>
        %dma_start3A_245 = tpu.memref_squeeze %dma_start3A_244 : memref<1x64x256xf32, #tpu.memory_space<hbm>> -> memref<64x256xf32, #tpu.memory_space<hbm>>
        tpu.enqueue_dma source(%dma_start3A_245 : memref<64x256xf32, #tpu.memory_space<hbm>>) target(%arg4 : memref<64x256xf32, #tpu.memory_space<vmem>>) target_semaphore(%arg8 : memref<!tpu.dma_semaphore, #tpu.memory_space<semaphore_mem>>)
      } else {
      }
      %add3A_180 = arith.constant 2 : i32
      %add3A_181 = arith.addi %mul3A_127, %add3A_180 : i32
      %dma_wait3A_182 = arith.constant 0 : i32
      %dma_wait3A_183 = tpu.memref_slice %arg2[%select_n3A, %dma_wait3A_182, %mul3A_32] : memref<4x8192x2048xf32, #tpu.memory_space<hbm>> -> memref<1x64x256xf32, #tpu.memory_space<hbm>>
      %dma_wait3A_184 = tpu.memref_squeeze %dma_wait3A_183 : memref<1x64x256xf32, #tpu.memory_space<hbm>> -> memref<64x256xf32, #tpu.memory_space<hbm>>
      %dma_wait3A_185 = arith.constant 0 : i32
      %dma_wait3A_186 = tpu.memref_slice %arg2[%select_n3A, %dma_wait3A_185, %mul3A_32] : memref<4x8192x2048xf32, #tpu.memory_space<hbm>> -> memref<1x64x256xf32, #tpu.memory_space<hbm>>
      %dma_wait3A_187 = tpu.memref_squeeze %dma_wait3A_186 : memref<1x64x256xf32, #tpu.memory_space<hbm>> -> memref<64x256xf32, #tpu.memory_space<hbm>>
      tpu.wait_dma2 semaphore(%arg8 : memref<!tpu.dma_semaphore, #tpu.memory_space<semaphore_mem>>) src(%dma_wait3A_187 : memref<64x256xf32, #tpu.memory_space<hbm>>) dst(%arg6 : memref<64x256xf32, #tpu.memory_space<vmem>>)
      %scan3A_188 = arith.constant 0 : i32
      %scan3A_189 = arith.constant 64 : i32
      %scan3A_190 = arith.addi %scan3A_188, %scan3A_189 : i32
      %scan3A_191 = arith.constant 2 : i32
      %scan3A_192:16 = scf.for %scan3A_234 = %scan3A_188 to %scan3A_190 step %scan3A_191 iter_args(%scan3A_235 = %scan3A_165#0, %scan3A_236 = %scan3A_165#1, %scan3A_237 = %scan3A_165#2, %scan3A_238 = %scan3A_165#3, %scan3A_239 = %scan3A_165#4, %scan3A_240 = %scan3A_165#5, %scan3A_241 = %scan3A_165#6, %scan3A_242 = %scan3A_165#7, %scan3A_243 = %scan3A_165#8, %scan3A_244 = %scan3A_165#9, %scan3A_245 = %scan3A_165#10, %scan3A_246 = %scan3A_165#11, %scan3A_247 = %scan3A_165#12, %scan3A_248 = %scan3A_165#13, %scan3A_249 = %scan3A_165#14, %scan3A_250 = %scan3A_165#15) -> (vector<16xf32>, vector<16xf32>, vector<16xf32>, vector<16xf32>, vector<16xf32>, vector<16xf32>, vector<16xf32>, vector<16xf32>, vector<16xf32>, vector<16xf32>, vector<16xf32>, vector<16xf32>, vector<16xf32>, vector<16xf32>, vector<16xf32>, vector<16xf32>)  : i32 {
        %get3A = arith.index_cast %scan3A_234 : i32 to index
        %get3A_251 = arith.constant 0 : index
        %get3A_252 = tpu.vector_load %arg6[%get3A, %get3A_251] {strides = array<i32>} : memref<64x256xf32, #tpu.memory_space<vmem>>, vector<1x16xf32>,
        %get3A_253 = vector.shape_cast %get3A_252 : vector<1x16xf32> to vector<16xf32>
        %add3A_254 = arith.addf %scan3A_235, %get3A_253 : vector<16xf32>
        %swap3A = arith.index_cast %scan3A_234 : i32 to index
        %swap3A_255 = arith.constant 0 : index
        %swap3A_256 = tpu.vector_load %arg6[%swap3A, %swap3A_255] {strides = array<i32>} : memref<64x256xf32, #tpu.memory_space<vmem>>, vector<1x16xf32>,
        %swap3A_257 = vector.shape_cast %swap3A_256 : vector<1x16xf32> to vector<16xf32>
        %swap3A_258 = vector.shape_cast %add3A_254 : vector<16xf32> to vector<1x16xf32>
        tpu.vector_store %arg6[%swap3A, %swap3A_255], %swap3A_258 {strides = array<i32>} : memref<64x256xf32, #tpu.memory_space<vmem>>, vector<1x16xf32>,
        %get3A_259 = arith.index_cast %scan3A_234 : i32 to index
        %get3A_260 = arith.constant 16 : index
        %get3A_261 = tpu.vector_load %arg6[%get3A_259, %get3A_260] {strides = array<i32>} : memref<64x256xf32, #tpu.memory_space<vmem>>, vector<1x16xf32>,
        %get3A_262 = vector.shape_cast %get3A_261 : vector<1x16xf32> to vector<16xf32>
        %add3A_263 = arith.addf %scan3A_236, %get3A_262 : vector<16xf32>
        %swap3A_264 = arith.index_cast %scan3A_234 : i32 to index
        %swap3A_265 = arith.constant 16 : index
        %swap3A_266 = tpu.vector_load %arg6[%swap3A_264, %swap3A_265] {strides = array<i32>} : memref<64x256xf32, #tpu.memory_space<vmem>>, vector<1x16xf32>,
        %swap3A_267 = vector.shape_cast %swap3A_266 : vector<1x16xf32> to vector<16xf32>
        %swap3A_268 = vector.shape_cast %add3A_263 : vector<16xf32> to vector<1x16xf32>
        tpu.vector_store %arg6[%swap3A_264, %swap3A_265], %swap3A_268 {strides = array<i32>} : memref<64x256xf32, #tpu.memory_space<vmem>>, vector<1x16xf32>,
        %get3A_269 = arith.index_cast %scan3A_234 : i32 to index
        %get3A_270 = arith.constant 32 : index
        %get3A_271 = tpu.vector_load %arg6[%get3A_269, %get3A_270] {strides = array<i32>} : memref<64x256xf32, #tpu.memory_space<vmem>>, vector<1x16xf32>,
        %get3A_272 = vector.shape_cast %get3A_271 : vector<1x16xf32> to vector<16xf32>
        %add3A_273 = arith.addf %scan3A_237, %get3A_272 : vector<16xf32>
        %swap3A_274 = arith.index_cast %scan3A_234 : i32 to index
        %swap3A_275 = arith.constant 32 : index
        %swap3A_276 = tpu.vector_load %arg6[%swap3A_274, %swap3A_275] {strides = array<i32>} : memref<64x256xf32, #tpu.memory_space<vmem>>, vector<1x16xf32>,
        %swap3A_277 = vector.shape_cast %swap3A_276 : vector<1x16xf32> to vector<16xf32>
        %swap3A_278 = vector.shape_cast %add3A_273 : vector<16xf32> to vector<1x16xf32>
        tpu.vector_store %arg6[%swap3A_274, %swap3A_275], %swap3A_278 {strides = array<i32>} : memref<64x256xf32, #tpu.memory_space<vmem>>, vector<1x16xf32>,
        %get3A_279 = arith.index_cast %scan3A_234 : i32 to index
        %get3A_280 = arith.constant 48 : index
        %get3A_281 = tpu.vector_load %arg6[%get3A_279, %get3A_280] {strides = array<i32>} : memref<64x256xf32, #tpu.memory_space<vmem>>, vector<1x16xf32>,
        %get3A_282 = vector.shape_cast %get3A_281 : vector<1x16xf32> to vector<16xf32>
        %add3A_283 = arith.addf %scan3A_238, %get3A_282 : vector<16xf32>
        %swap3A_284 = arith.index_cast %scan3A_234 : i32 to index
        %swap3A_285 = arith.constant 48 : index
        %swap3A_286 = tpu.vector_load %arg6[%swap3A_284, %swap3A_285] {strides = array<i32>} : memref<64x256xf32, #tpu.memory_space<vmem>>, vector<1x16xf32>,
        %swap3A_287 = vector.shape_cast %swap3A_286 : vector<1x16xf32> to vector<16xf32>
        %swap3A_288 = vector.shape_cast %add3A_283 : vector<16xf32> to vector<1x16xf32>
        tpu.vector_store %arg6[%swap3A_284, %swap3A_285], %swap3A_288 {strides = array<i32>} : memref<64x256xf32, #tpu.memory_space<vmem>>, vector<1x16xf32>,
        %get3A_289 = arith.index_cast %scan3A_234 : i32 to index
        %get3A_290 = arith.constant 64 : index
        %get3A_291 = tpu.vector_load %arg6[%get3A_289, %get3A_290] {strides = array<i32>} : memref<64x256xf32, #tpu.memory_space<vmem>>, vector<1x16xf32>,
        %get3A_292 = vector.shape_cast %get3A_291 : vector<1x16xf32> to vector<16xf32>
        %add3A_293 = arith.addf %scan3A_239, %get3A_292 : vector<16xf32>
        %swap3A_294 = arith.index_cast %scan3A_234 : i32 to index
        %swap3A_295 = arith.constant 64 : index
        %swap3A_296 = tpu.vector_load %arg6[%swap3A_294, %swap3A_295] {strides = array<i32>} : memref<64x256xf32, #tpu.memory_space<vmem>>, vector<1x16xf32>,
        %swap3A_297 = vector.shape_cast %swap3A_296 : vector<1x16xf32> to vector<16xf32>
        %swap3A_298 = vector.shape_cast %add3A_293 : vector<16xf32> to vector<1x16xf32>
        tpu.vector_store %arg6[%swap3A_294, %swap3A_295], %swap3A_298 {strides = array<i32>} : memref<64x256xf32, #tpu.memory_space<vmem>>, vector<1x16xf32>,
        %get3A_299 = arith.index_cast %scan3A_234 : i32 to index
        %get3A_300 = arith.constant 80 : index
        %get3A_301 = tpu.vector_load %arg6[%get3A_299, %get3A_300] {strides = array<i32>} : memref<64x256xf32, #tpu.memory_space<vmem>>, vector<1x16xf32>,
        %get3A_302 = vector.shape_cast %get3A_301 : vector<1x16xf32> to vector<16xf32>
        %add3A_303 = arith.addf %scan3A_240, %get3A_302 : vector<16xf32>
        %swap3A_304 = arith.index_cast %scan3A_234 : i32 to index
        %swap3A_305 = arith.constant 80 : index
        %swap3A_306 = tpu.vector_load %arg6[%swap3A_304, %swap3A_305] {strides = array<i32>} : memref<64x256xf32, #tpu.memory_space<vmem>>, vector<1x16xf32>,
        %swap3A_307 = vector.shape_cast %swap3A_306 : vector<1x16xf32> to vector<16xf32>
        %swap3A_308 = vector.shape_cast %add3A_303 : vector<16xf32> to vector<1x16xf32>
        tpu.vector_store %arg6[%swap3A_304, %swap3A_305], %swap3A_308 {strides = array<i32>} : memref<64x256xf32, #tpu.memory_space<vmem>>, vector<1x16xf32>,
        %get3A_309 = arith.index_cast %scan3A_234 : i32 to index
        %get3A_310 = arith.constant 96 : index
        %get3A_311 = tpu.vector_load %arg6[%get3A_309, %get3A_310] {strides = array<i32>} : memref<64x256xf32, #tpu.memory_space<vmem>>, vector<1x16xf32>,
        %get3A_312 = vector.shape_cast %get3A_311 : vector<1x16xf32> to vector<16xf32>
        %add3A_313 = arith.addf %scan3A_241, %get3A_312 : vector<16xf32>
        %swap3A_314 = arith.index_cast %scan3A_234 : i32 to index
        %swap3A_315 = arith.constant 96 : index
        %swap3A_316 = tpu.vector_load %arg6[%swap3A_314, %swap3A_315] {strides = array<i32>} : memref<64x256xf32, #tpu.memory_space<vmem>>, vector<1x16xf32>,
        %swap3A_317 = vector.shape_cast %swap3A_316 : vector<1x16xf32> to vector<16xf32>
        %swap3A_318 = vector.shape_cast %add3A_313 : vector<16xf32> to vector<1x16xf32>
        tpu.vector_store %arg6[%swap3A_314, %swap3A_315], %swap3A_318 {strides = array<i32>} : memref<64x256xf32, #tpu.memory_space<vmem>>, vector<1x16xf32>,
        %get3A_319 = arith.index_cast %scan3A_234 : i32 to index
        %get3A_320 = arith.constant 112 : index
        %get3A_321 = tpu.vector_load %arg6[%get3A_319, %get3A_320] {strides = array<i32>} : memref<64x256xf32, #tpu.memory_space<vmem>>, vector<1x16xf32>,
        %get3A_322 = vector.shape_cast %get3A_321 : vector<1x16xf32> to vector<16xf32>
        %add3A_323 = arith.addf %scan3A_242, %get3A_322 : vector<16xf32>
        %swap3A_324 = arith.index_cast %scan3A_234 : i32 to index
        %swap3A_325 = arith.constant 112 : index
        %swap3A_326 = tpu.vector_load %arg6[%swap3A_324, %swap3A_325] {strides = array<i32>} : memref<64x256xf32, #tpu.memory_space<vmem>>, vector<1x16xf32>,
        %swap3A_327 = vector.shape_cast %swap3A_326 : vector<1x16xf32> to vector<16xf32>
        %swap3A_328 = vector.shape_cast %add3A_323 : vector<16xf32> to vector<1x16xf32>
        tpu.vector_store %arg6[%swap3A_324, %swap3A_325], %swap3A_328 {strides = array<i32>} : memref<64x256xf32, #tpu.memory_space<vmem>>, vector<1x16xf32>,
        %get3A_329 = arith.index_cast %scan3A_234 : i32 to index
        %get3A_330 = arith.constant 128 : index
        %get3A_331 = tpu.vector_load %arg6[%get3A_329, %get3A_330] {strides = array<i32>} : memref<64x256xf32, #tpu.memory_space<vmem>>, vector<1x16xf32>,
        %get3A_332 = vector.shape_cast %get3A_331 : vector<1x16xf32> to vector<16xf32>
        %add3A_333 = arith.addf %scan3A_243, %get3A_332 : vector<16xf32>
        %swap3A_334 = arith.index_cast %scan3A_234 : i32 to index
        %swap3A_335 = arith.constant 128 : index
        %swap3A_336 = tpu.vector_load %arg6[%swap3A_334, %swap3A_335] {strides = array<i32>} : memref<64x256xf32, #tpu.memory_space<vmem>>, vector<1x16xf32>,
        %swap3A_337 = vector.shape_cast %swap3A_336 : vector<1x16xf32> to vector<16xf32>
        %swap3A_338 = vector.shape_cast %add3A_333 : vector<16xf32> to vector<1x16xf32>
        tpu.vector_store %arg6[%swap3A_334, %swap3A_335], %swap3A_338 {strides = array<i32>} : memref<64x256xf32, #tpu.memory_space<vmem>>, vector<1x16xf32>,
        %get3A_339 = arith.index_cast %scan3A_234 : i32 to index
        %get3A_340 = arith.constant 144 : index
        %get3A_341 = tpu.vector_load %arg6[%get3A_339, %get3A_340] {strides = array<i32>} : memref<64x256xf32, #tpu.memory_space<vmem>>, vector<1x16xf32>,
        %get3A_342 = vector.shape_cast %get3A_341 : vector<1x16xf32> to vector<16xf32>
        %add3A_343 = arith.addf %scan3A_244, %get3A_342 : vector<16xf32>
        %swap3A_344 = arith.index_cast %scan3A_234 : i32 to index
        %swap3A_345 = arith.constant 144 : index
        %swap3A_346 = tpu.vector_load %arg6[%swap3A_344, %swap3A_345] {strides = array<i32>} : memref<64x256xf32, #tpu.memory_space<vmem>>, vector<1x16xf32>,
        %swap3A_347 = vector.shape_cast %swap3A_346 : vector<1x16xf32> to vector<16xf32>
        %swap3A_348 = vector.shape_cast %add3A_343 : vector<16xf32> to vector<1x16xf32>
        tpu.vector_store %arg6[%swap3A_344, %swap3A_345], %swap3A_348 {strides = array<i32>} : memref<64x256xf32, #tpu.memory_space<vmem>>, vector<1x16xf32>,
        %get3A_349 = arith.index_cast %scan3A_234 : i32 to index
        %get3A_350 = arith.constant 160 : index
        %get3A_351 = tpu.vector_load %arg6[%get3A_349, %get3A_350] {strides = array<i32>} : memref<64x256xf32, #tpu.memory_space<vmem>>, vector<1x16xf32>,
        %get3A_352 = vector.shape_cast %get3A_351 : vector<1x16xf32> to vector<16xf32>
        %add3A_353 = arith.addf %scan3A_245, %get3A_352 : vector<16xf32>
        %swap3A_354 = arith.index_cast %scan3A_234 : i32 to index
        %swap3A_355 = arith.constant 160 : index
        %swap3A_356 = tpu.vector_load %arg6[%swap3A_354, %swap3A_355] {strides = array<i32>} : memref<64x256xf32, #tpu.memory_space<vmem>>, vector<1x16xf32>,
        %swap3A_357 = vector.shape_cast %swap3A_356 : vector<1x16xf32> to vector<16xf32>
        %swap3A_358 = vector.shape_cast %add3A_353 : vector<16xf32> to vector<1x16xf32>
        tpu.vector_store %arg6[%swap3A_354, %swap3A_355], %swap3A_358 {strides = array<i32>} : memref<64x256xf32, #tpu.memory_space<vmem>>, vector<1x16xf32>,
        %get3A_359 = arith.index_cast %scan3A_234 : i32 to index
        %get3A_360 = arith.constant 176 : index
        %get3A_361 = tpu.vector_load %arg6[%get3A_359, %get3A_360] {strides = array<i32>} : memref<64x256xf32, #tpu.memory_space<vmem>>, vector<1x16xf32>,
        %get3A_362 = vector.shape_cast %get3A_361 : vector<1x16xf32> to vector<16xf32>
        %add3A_363 = arith.addf %scan3A_246, %get3A_362 : vector<16xf32>
        %swap3A_364 = arith.index_cast %scan3A_234 : i32 to index
        %swap3A_365 = arith.constant 176 : index
        %swap3A_366 = tpu.vector_load %arg6[%swap3A_364, %swap3A_365] {strides = array<i32>} : memref<64x256xf32, #tpu.memory_space<vmem>>, vector<1x16xf32>,
        %swap3A_367 = vector.shape_cast %swap3A_366 : vector<1x16xf32> to vector<16xf32>
        %swap3A_368 = vector.shape_cast %add3A_363 : vector<16xf32> to vector<1x16xf32>
        tpu.vector_store %arg6[%swap3A_364, %swap3A_365], %swap3A_368 {strides = array<i32>} : memref<64x256xf32, #tpu.memory_space<vmem>>, vector<1x16xf32>,
        %get3A_369 = arith.index_cast %scan3A_234 : i32 to index
        %get3A_370 = arith.constant 192 : index
        %get3A_371 = tpu.vector_load %arg6[%get3A_369, %get3A_370] {strides = array<i32>} : memref<64x256xf32, #tpu.memory_space<vmem>>, vector<1x16xf32>,
        %get3A_372 = vector.shape_cast %get3A_371 : vector<1x16xf32> to vector<16xf32>
        %add3A_373 = arith.addf %scan3A_247, %get3A_372 : vector<16xf32>
        %swap3A_374 = arith.index_cast %scan3A_234 : i32 to index
        %swap3A_375 = arith.constant 192 : index
        %swap3A_376 = tpu.vector_load %arg6[%swap3A_374, %swap3A_375] {strides = array<i32>} : memref<64x256xf32, #tpu.memory_space<vmem>>, vector<1x16xf32>,
        %swap3A_377 = vector.shape_cast %swap3A_376 : vector<1x16xf32> to vector<16xf32>
        %swap3A_378 = vector.shape_cast %add3A_373 : vector<16xf32> to vector<1x16xf32>
        tpu.vector_store %arg6[%swap3A_374, %swap3A_375], %swap3A_378 {strides = array<i32>} : memref<64x256xf32, #tpu.memory_space<vmem>>, vector<1x16xf32>,
        %get3A_379 = arith.index_cast %scan3A_234 : i32 to index
        %get3A_380 = arith.constant 208 : index
        %get3A_381 = tpu.vector_load %arg6[%get3A_379, %get3A_380] {strides = array<i32>} : memref<64x256xf32, #tpu.memory_space<vmem>>, vector<1x16xf32>,
        %get3A_382 = vector.shape_cast %get3A_381 : vector<1x16xf32> to vector<16xf32>
        %add3A_383 = arith.addf %scan3A_248, %get3A_382 : vector<16xf32>
        %swap3A_384 = arith.index_cast %scan3A_234 : i32 to index
        %swap3A_385 = arith.constant 208 : index
        %swap3A_386 = tpu.vector_load %arg6[%swap3A_384, %swap3A_385] {strides = array<i32>} : memref<64x256xf32, #tpu.memory_space<vmem>>, vector<1x16xf32>,
        %swap3A_387 = vector.shape_cast %swap3A_386 : vector<1x16xf32> to vector<16xf32>
        %swap3A_388 = vector.shape_cast %add3A_383 : vector<16xf32> to vector<1x16xf32>
        tpu.vector_store %arg6[%swap3A_384, %swap3A_385], %swap3A_388 {strides = array<i32>} : memref<64x256xf32, #tpu.memory_space<vmem>>, vector<1x16xf32>,
        %get3A_389 = arith.index_cast %scan3A_234 : i32 to index
        %get3A_390 = arith.constant 224 : index
        %get3A_391 = tpu.vector_load %arg6[%get3A_389, %get3A_390] {strides = array<i32>} : memref<64x256xf32, #tpu.memory_space<vmem>>, vector<1x16xf32>,
        %get3A_392 = vector.shape_cast %get3A_391 : vector<1x16xf32> to vector<16xf32>
        %add3A_393 = arith.addf %scan3A_249, %get3A_392 : vector<16xf32>
        %swap3A_394 = arith.index_cast %scan3A_234 : i32 to index
        %swap3A_395 = arith.constant 224 : index
        %swap3A_396 = tpu.vector_load %arg6[%swap3A_394, %swap3A_395] {strides = array<i32>} : memref<64x256xf32, #tpu.memory_space<vmem>>, vector<1x16xf32>,
        %swap3A_397 = vector.shape_cast %swap3A_396 : vector<1x16xf32> to vector<16xf32>
        %swap3A_398 = vector.shape_cast %add3A_393 : vector<16xf32> to vector<1x16xf32>
        tpu.vector_store %arg6[%swap3A_394, %swap3A_395], %swap3A_398 {strides = array<i32>} : memref<64x256xf32, #tpu.memory_space<vmem>>, vector<1x16xf32>,
        %get3A_399 = arith.index_cast %scan3A_234 : i32 to index
        %get3A_400 = arith.constant 240 : index
        %get3A_401 = tpu.vector_load %arg6[%get3A_399, %get3A_400] {strides = array<i32>} : memref<64x256xf32, #tpu.memory_space<vmem>>, vector<1x16xf32>,
        %get3A_402 = vector.shape_cast %get3A_401 : vector<1x16xf32> to vector<16xf32>
        %add3A_403 = arith.addf %scan3A_250, %get3A_402 : vector<16xf32>
        %swap3A_404 = arith.index_cast %scan3A_234 : i32 to index
        %swap3A_405 = arith.constant 240 : index
        %swap3A_406 = tpu.vector_load %arg6[%swap3A_404, %swap3A_405] {strides = array<i32>} : memref<64x256xf32, #tpu.memory_space<vmem>>, vector<1x16xf32>,
        %swap3A_407 = vector.shape_cast %swap3A_406 : vector<1x16xf32> to vector<16xf32>
        %swap3A_408 = vector.shape_cast %add3A_403 : vector<16xf32> to vector<1x16xf32>
        tpu.vector_store %arg6[%swap3A_404, %swap3A_405], %swap3A_408 {strides = array<i32>} : memref<64x256xf32, #tpu.memory_space<vmem>>, vector<1x16xf32>,
        %scan3A_409 = arith.constant 1 : i32
        %scan3A_410 = arith.addi %scan3A_234, %scan3A_409 : i32
        %get3A_411 = arith.index_cast %scan3A_410 : i32 to index
        %get3A_412 = arith.constant 0 : index
        %get3A_413 = tpu.vector_load %arg6[%get3A_411, %get3A_412] {strides = array<i32>} : memref<64x256xf32, #tpu.memory_space<vmem>>, vector<1x16xf32>,
        %get3A_414 = vector.shape_cast %get3A_413 : vector<1x16xf32> to vector<16xf32>
        %add3A_415 = arith.addf %add3A_254, %get3A_414 : vector<16xf32>
        %swap3A_416 = arith.index_cast %scan3A_410 : i32 to index
        %swap3A_417 = arith.constant 0 : index
        %swap3A_418 = tpu.vector_load %arg6[%swap3A_416, %swap3A_417] {strides = array<i32>} : memref<64x256xf32, #tpu.memory_space<vmem>>, vector<1x16xf32>,
        %swap3A_419 = vector.shape_cast %swap3A_418 : vector<1x16xf32> to vector<16xf32>
        %swap3A_420 = vector.shape_cast %add3A_415 : vector<16xf32> to vector<1x16xf32>
        tpu.vector_store %arg6[%swap3A_416, %swap3A_417], %swap3A_420 {strides = array<i32>} : memref<64x256xf32, #tpu.memory_space<vmem>>, vector<1x16xf32>,
        %get3A_421 = arith.index_cast %scan3A_410 : i32 to index
        %get3A_422 = arith.constant 16 : index
        %get3A_423 = tpu.vector_load %arg6[%get3A_421, %get3A_422] {strides = array<i32>} : memref<64x256xf32, #tpu.memory_space<vmem>>, vector<1x16xf32>,
        %get3A_424 = vector.shape_cast %get3A_423 : vector<1x16xf32> to vector<16xf32>
        %add3A_425 = arith.addf %add3A_263, %get3A_424 : vector<16xf32>
        %swap3A_426 = arith.index_cast %scan3A_410 : i32 to index
        %swap3A_427 = arith.constant 16 : index
        %swap3A_428 = tpu.vector_load %arg6[%swap3A_426, %swap3A_427] {strides = array<i32>} : memref<64x256xf32, #tpu.memory_space<vmem>>, vector<1x16xf32>,
        %swap3A_429 = vector.shape_cast %swap3A_428 : vector<1x16xf32> to vector<16xf32>
        %swap3A_430 = vector.shape_cast %add3A_425 : vector<16xf32> to vector<1x16xf32>
        tpu.vector_store %arg6[%swap3A_426, %swap3A_427], %swap3A_430 {strides = array<i32>} : memref<64x256xf32, #tpu.memory_space<vmem>>, vector<1x16xf32>,
        %get3A_431 = arith.index_cast %scan3A_410 : i32 to index
        %get3A_432 = arith.constant 32 : index
        %get3A_433 = tpu.vector_load %arg6[%get3A_431, %get3A_432] {strides = array<i32>} : memref<64x256xf32, #tpu.memory_space<vmem>>, vector<1x16xf32>,
        %get3A_434 = vector.shape_cast %get3A_433 : vector<1x16xf32> to vector<16xf32>
        %add3A_435 = arith.addf %add3A_273, %get3A_434 : vector<16xf32>
        %swap3A_436 = arith.index_cast %scan3A_410 : i32 to index
        %swap3A_437 = arith.constant 32 : index
        %swap3A_438 = tpu.vector_load %arg6[%swap3A_436, %swap3A_437] {strides = array<i32>} : memref<64x256xf32, #tpu.memory_space<vmem>>, vector<1x16xf32>,
        %swap3A_439 = vector.shape_cast %swap3A_438 : vector<1x16xf32> to vector<16xf32>
        %swap3A_440 = vector.shape_cast %add3A_435 : vector<16xf32> to vector<1x16xf32>
        tpu.vector_store %arg6[%swap3A_436, %swap3A_437], %swap3A_440 {strides = array<i32>} : memref<64x256xf32, #tpu.memory_space<vmem>>, vector<1x16xf32>,
        %get3A_441 = arith.index_cast %scan3A_410 : i32 to index
        %get3A_442 = arith.constant 48 : index
        %get3A_443 = tpu.vector_load %arg6[%get3A_441, %get3A_442] {strides = array<i32>} : memref<64x256xf32, #tpu.memory_space<vmem>>, vector<1x16xf32>,
        %get3A_444 = vector.shape_cast %get3A_443 : vector<1x16xf32> to vector<16xf32>
        %add3A_445 = arith.addf %add3A_283, %get3A_444 : vector<16xf32>
        %swap3A_446 = arith.index_cast %scan3A_410 : i32 to index
        %swap3A_447 = arith.constant 48 : index
        %swap3A_448 = tpu.vector_load %arg6[%swap3A_446, %swap3A_447] {strides = array<i32>} : memref<64x256xf32, #tpu.memory_space<vmem>>, vector<1x16xf32>,
        %swap3A_449 = vector.shape_cast %swap3A_448 : vector<1x16xf32> to vector<16xf32>
        %swap3A_450 = vector.shape_cast %add3A_445 : vector<16xf32> to vector<1x16xf32>
        tpu.vector_store %arg6[%swap3A_446, %swap3A_447], %swap3A_450 {strides = array<i32>} : memref<64x256xf32, #tpu.memory_space<vmem>>, vector<1x16xf32>,
        %get3A_451 = arith.index_cast %scan3A_410 : i32 to index
        %get3A_452 = arith.constant 64 : index
        %get3A_453 = tpu.vector_load %arg6[%get3A_451, %get3A_452] {strides = array<i32>} : memref<64x256xf32, #tpu.memory_space<vmem>>, vector<1x16xf32>,
        %get3A_454 = vector.shape_cast %get3A_453 : vector<1x16xf32> to vector<16xf32>
        %add3A_455 = arith.addf %add3A_293, %get3A_454 : vector<16xf32>
        %swap3A_456 = arith.index_cast %scan3A_410 : i32 to index
        %swap3A_457 = arith.constant 64 : index
        %swap3A_458 = tpu.vector_load %arg6[%swap3A_456, %swap3A_457] {strides = array<i32>} : memref<64x256xf32, #tpu.memory_space<vmem>>, vector<1x16xf32>,
        %swap3A_459 = vector.shape_cast %swap3A_458 : vector<1x16xf32> to vector<16xf32>
        %swap3A_460 = vector.shape_cast %add3A_455 : vector<16xf32> to vector<1x16xf32>
        tpu.vector_store %arg6[%swap3A_456, %swap3A_457], %swap3A_460 {strides = array<i32>} : memref<64x256xf32, #tpu.memory_space<vmem>>, vector<1x16xf32>,
        %get3A_461 = arith.index_cast %scan3A_410 : i32 to index
        %get3A_462 = arith.constant 80 : index
        %get3A_463 = tpu.vector_load %arg6[%get3A_461, %get3A_462] {strides = array<i32>} : memref<64x256xf32, #tpu.memory_space<vmem>>, vector<1x16xf32>,
        %get3A_464 = vector.shape_cast %get3A_463 : vector<1x16xf32> to vector<16xf32>
        %add3A_465 = arith.addf %add3A_303, %get3A_464 : vector<16xf32>
        %swap3A_466 = arith.index_cast %scan3A_410 : i32 to index
        %swap3A_467 = arith.constant 80 : index
        %swap3A_468 = tpu.vector_load %arg6[%swap3A_466, %swap3A_467] {strides = array<i32>} : memref<64x256xf32, #tpu.memory_space<vmem>>, vector<1x16xf32>,
        %swap3A_469 = vector.shape_cast %swap3A_468 : vector<1x16xf32> to vector<16xf32>
        %swap3A_470 = vector.shape_cast %add3A_465 : vector<16xf32> to vector<1x16xf32>
        tpu.vector_store %arg6[%swap3A_466, %swap3A_467], %swap3A_470 {strides = array<i32>} : memref<64x256xf32, #tpu.memory_space<vmem>>, vector<1x16xf32>,
        %get3A_471 = arith.index_cast %scan3A_410 : i32 to index
        %get3A_472 = arith.constant 96 : index
        %get3A_473 = tpu.vector_load %arg6[%get3A_471, %get3A_472] {strides = array<i32>} : memref<64x256xf32, #tpu.memory_space<vmem>>, vector<1x16xf32>,
        %get3A_474 = vector.shape_cast %get3A_473 : vector<1x16xf32> to vector<16xf32>
        %add3A_475 = arith.addf %add3A_313, %get3A_474 : vector<16xf32>
        %swap3A_476 = arith.index_cast %scan3A_410 : i32 to index
        %swap3A_477 = arith.constant 96 : index
        %swap3A_478 = tpu.vector_load %arg6[%swap3A_476, %swap3A_477] {strides = array<i32>} : memref<64x256xf32, #tpu.memory_space<vmem>>, vector<1x16xf32>,
        %swap3A_479 = vector.shape_cast %swap3A_478 : vector<1x16xf32> to vector<16xf32>
        %swap3A_480 = vector.shape_cast %add3A_475 : vector<16xf32> to vector<1x16xf32>
        tpu.vector_store %arg6[%swap3A_476, %swap3A_477], %swap3A_480 {strides = array<i32>} : memref<64x256xf32, #tpu.memory_space<vmem>>, vector<1x16xf32>,
        %get3A_481 = arith.index_cast %scan3A_410 : i32 to index
        %get3A_482 = arith.constant 112 : index
        %get3A_483 = tpu.vector_load %arg6[%get3A_481, %get3A_482] {strides = array<i32>} : memref<64x256xf32, #tpu.memory_space<vmem>>, vector<1x16xf32>,
        %get3A_484 = vector.shape_cast %get3A_483 : vector<1x16xf32> to vector<16xf32>
        %add3A_485 = arith.addf %add3A_323, %get3A_484 : vector<16xf32>
        %swap3A_486 = arith.index_cast %scan3A_410 : i32 to index
        %swap3A_487 = arith.constant 112 : index
        %swap3A_488 = tpu.vector_load %arg6[%swap3A_486, %swap3A_487] {strides = array<i32>} : memref<64x256xf32, #tpu.memory_space<vmem>>, vector<1x16xf32>,
        %swap3A_489 = vector.shape_cast %swap3A_488 : vector<1x16xf32> to vector<16xf32>
        %swap3A_490 = vector.shape_cast %add3A_485 : vector<16xf32> to vector<1x16xf32>
        tpu.vector_store %arg6[%swap3A_486, %swap3A_487], %swap3A_490 {strides = array<i32>} : memref<64x256xf32, #tpu.memory_space<vmem>>, vector<1x16xf32>,
        %get3A_491 = arith.index_cast %scan3A_410 : i32 to index
        %get3A_492 = arith.constant 128 : index
        %get3A_493 = tpu.vector_load %arg6[%get3A_491, %get3A_492] {strides = array<i32>} : memref<64x256xf32, #tpu.memory_space<vmem>>, vector<1x16xf32>,
        %get3A_494 = vector.shape_cast %get3A_493 : vector<1x16xf32> to vector<16xf32>
        %add3A_495 = arith.addf %add3A_333, %get3A_494 : vector<16xf32>
        %swap3A_496 = arith.index_cast %scan3A_410 : i32 to index
        %swap3A_497 = arith.constant 128 : index
        %swap3A_498 = tpu.vector_load %arg6[%swap3A_496, %swap3A_497] {strides = array<i32>} : memref<64x256xf32, #tpu.memory_space<vmem>>, vector<1x16xf32>,
        %swap3A_499 = vector.shape_cast %swap3A_498 : vector<1x16xf32> to vector<16xf32>
        %swap3A_500 = vector.shape_cast %add3A_495 : vector<16xf32> to vector<1x16xf32>
        tpu.vector_store %arg6[%swap3A_496, %swap3A_497], %swap3A_500 {strides = array<i32>} : memref<64x256xf32, #tpu.memory_space<vmem>>, vector<1x16xf32>,
        %get3A_501 = arith.index_cast %scan3A_410 : i32 to index
        %get3A_502 = arith.constant 144 : index
        %get3A_503 = tpu.vector_load %arg6[%get3A_501, %get3A_502] {strides = array<i32>} : memref<64x256xf32, #tpu.memory_space<vmem>>, vector<1x16xf32>,
        %get3A_504 = vector.shape_cast %get3A_503 : vector<1x16xf32> to vector<16xf32>
        %add3A_505 = arith.addf %add3A_343, %get3A_504 : vector<16xf32>
        %swap3A_506 = arith.index_cast %scan3A_410 : i32 to index
        %swap3A_507 = arith.constant 144 : index
        %swap3A_508 = tpu.vector_load %arg6[%swap3A_506, %swap3A_507] {strides = array<i32>} : memref<64x256xf32, #tpu.memory_space<vmem>>, vector<1x16xf32>,
        %swap3A_509 = vector.shape_cast %swap3A_508 : vector<1x16xf32> to vector<16xf32>
        %swap3A_510 = vector.shape_cast %add3A_505 : vector<16xf32> to vector<1x16xf32>
        tpu.vector_store %arg6[%swap3A_506, %swap3A_507], %swap3A_510 {strides = array<i32>} : memref<64x256xf32, #tpu.memory_space<vmem>>, vector<1x16xf32>,
        %get3A_511 = arith.index_cast %scan3A_410 : i32 to index
        %get3A_512 = arith.constant 160 : index
        %get3A_513 = tpu.vector_load %arg6[%get3A_511, %get3A_512] {strides = array<i32>} : memref<64x256xf32, #tpu.memory_space<vmem>>, vector<1x16xf32>,
        %get3A_514 = vector.shape_cast %get3A_513 : vector<1x16xf32> to vector<16xf32>
        %add3A_515 = arith.addf %add3A_353, %get3A_514 : vector<16xf32>
        %swap3A_516 = arith.index_cast %scan3A_410 : i32 to index
        %swap3A_517 = arith.constant 160 : index
        %swap3A_518 = tpu.vector_load %arg6[%swap3A_516, %swap3A_517] {strides = array<i32>} : memref<64x256xf32, #tpu.memory_space<vmem>>, vector<1x16xf32>,
        %swap3A_519 = vector.shape_cast %swap3A_518 : vector<1x16xf32> to vector<16xf32>
        %swap3A_520 = vector.shape_cast %add3A_515 : vector<16xf32> to vector<1x16xf32>
        tpu.vector_store %arg6[%swap3A_516, %swap3A_517], %swap3A_520 {strides = array<i32>} : memref<64x256xf32, #tpu.memory_space<vmem>>, vector<1x16xf32>,
        %get3A_521 = arith.index_cast %scan3A_410 : i32 to index
        %get3A_522 = arith.constant 176 : index
        %get3A_523 = tpu.vector_load %arg6[%get3A_521, %get3A_522] {strides = array<i32>} : memref<64x256xf32, #tpu.memory_space<vmem>>, vector<1x16xf32>,
        %get3A_524 = vector.shape_cast %get3A_523 : vector<1x16xf32> to vector<16xf32>
        %add3A_525 = arith.addf %add3A_363, %get3A_524 : vector<16xf32>
        %swap3A_526 = arith.index_cast %scan3A_410 : i32 to index
        %swap3A_527 = arith.constant 176 : index
        %swap3A_528 = tpu.vector_load %arg6[%swap3A_526, %swap3A_527] {strides = array<i32>} : memref<64x256xf32, #tpu.memory_space<vmem>>, vector<1x16xf32>,
        %swap3A_529 = vector.shape_cast %swap3A_528 : vector<1x16xf32> to vector<16xf32>
        %swap3A_530 = vector.shape_cast %add3A_525 : vector<16xf32> to vector<1x16xf32>
        tpu.vector_store %arg6[%swap3A_526, %swap3A_527], %swap3A_530 {strides = array<i32>} : memref<64x256xf32, #tpu.memory_space<vmem>>, vector<1x16xf32>,
        %get3A_531 = arith.index_cast %scan3A_410 : i32 to index
        %get3A_532 = arith.constant 192 : index
        %get3A_533 = tpu.vector_load %arg6[%get3A_531, %get3A_532] {strides = array<i32>} : memref<64x256xf32, #tpu.memory_space<vmem>>, vector<1x16xf32>,
        %get3A_534 = vector.shape_cast %get3A_533 : vector<1x16xf32> to vector<16xf32>
        %add3A_535 = arith.addf %add3A_373, %get3A_534 : vector<16xf32>
        %swap3A_536 = arith.index_cast %scan3A_410 : i32 to index
        %swap3A_537 = arith.constant 192 : index
        %swap3A_538 = tpu.vector_load %arg6[%swap3A_536, %swap3A_537] {strides = array<i32>} : memref<64x256xf32, #tpu.memory_space<vmem>>, vector<1x16xf32>,
        %swap3A_539 = vector.shape_cast %swap3A_538 : vector<1x16xf32> to vector<16xf32>
        %swap3A_540 = vector.shape_cast %add3A_535 : vector<16xf32> to vector<1x16xf32>
        tpu.vector_store %arg6[%swap3A_536, %swap3A_537], %swap3A_540 {strides = array<i32>} : memref<64x256xf32, #tpu.memory_space<vmem>>, vector<1x16xf32>,
        %get3A_541 = arith.index_cast %scan3A_410 : i32 to index
        %get3A_542 = arith.constant 208 : index
        %get3A_543 = tpu.vector_load %arg6[%get3A_541, %get3A_542] {strides = array<i32>} : memref<64x256xf32, #tpu.memory_space<vmem>>, vector<1x16xf32>,
        %get3A_544 = vector.shape_cast %get3A_543 : vector<1x16xf32> to vector<16xf32>
        %add3A_545 = arith.addf %add3A_383, %get3A_544 : vector<16xf32>
        %swap3A_546 = arith.index_cast %scan3A_410 : i32 to index
        %swap3A_547 = arith.constant 208 : index
        %swap3A_548 = tpu.vector_load %arg6[%swap3A_546, %swap3A_547] {strides = array<i32>} : memref<64x256xf32, #tpu.memory_space<vmem>>, vector<1x16xf32>,
        %swap3A_549 = vector.shape_cast %swap3A_548 : vector<1x16xf32> to vector<16xf32>
        %swap3A_550 = vector.shape_cast %add3A_545 : vector<16xf32> to vector<1x16xf32>
        tpu.vector_store %arg6[%swap3A_546, %swap3A_547], %swap3A_550 {strides = array<i32>} : memref<64x256xf32, #tpu.memory_space<vmem>>, vector<1x16xf32>,
        %get3A_551 = arith.index_cast %scan3A_410 : i32 to index
        %get3A_552 = arith.constant 224 : index
        %get3A_553 = tpu.vector_load %arg6[%get3A_551, %get3A_552] {strides = array<i32>} : memref<64x256xf32, #tpu.memory_space<vmem>>, vector<1x16xf32>,
        %get3A_554 = vector.shape_cast %get3A_553 : vector<1x16xf32> to vector<16xf32>
        %add3A_555 = arith.addf %add3A_393, %get3A_554 : vector<16xf32>
        %swap3A_556 = arith.index_cast %scan3A_410 : i32 to index
        %swap3A_557 = arith.constant 224 : index
        %swap3A_558 = tpu.vector_load %arg6[%swap3A_556, %swap3A_557] {strides = array<i32>} : memref<64x256xf32, #tpu.memory_space<vmem>>, vector<1x16xf32>,
        %swap3A_559 = vector.shape_cast %swap3A_558 : vector<1x16xf32> to vector<16xf32>
        %swap3A_560 = vector.shape_cast %add3A_555 : vector<16xf32> to vector<1x16xf32>
        tpu.vector_store %arg6[%swap3A_556, %swap3A_557], %swap3A_560 {strides = array<i32>} : memref<64x256xf32, #tpu.memory_space<vmem>>, vector<1x16xf32>,
        %get3A_561 = arith.index_cast %scan3A_410 : i32 to index
        %get3A_562 = arith.constant 240 : index
        %get3A_563 = tpu.vector_load %arg6[%get3A_561, %get3A_562] {strides = array<i32>} : memref<64x256xf32, #tpu.memory_space<vmem>>, vector<1x16xf32>,
        %get3A_564 = vector.shape_cast %get3A_563 : vector<1x16xf32> to vector<16xf32>
        %add3A_565 = arith.addf %add3A_403, %get3A_564 : vector<16xf32>
        %swap3A_566 = arith.index_cast %scan3A_410 : i32 to index
        %swap3A_567 = arith.constant 240 : index
        %swap3A_568 = tpu.vector_load %arg6[%swap3A_566, %swap3A_567] {strides = array<i32>} : memref<64x256xf32, #tpu.memory_space<vmem>>, vector<1x16xf32>,
        %swap3A_569 = vector.shape_cast %swap3A_568 : vector<1x16xf32> to vector<16xf32>
        %swap3A_570 = vector.shape_cast %add3A_565 : vector<16xf32> to vector<1x16xf32>
        tpu.vector_store %arg6[%swap3A_566, %swap3A_567], %swap3A_570 {strides = array<i32>} : memref<64x256xf32, #tpu.memory_space<vmem>>, vector<1x16xf32>,
        scf.yield %add3A_415, %add3A_425, %add3A_435, %add3A_445, %add3A_455, %add3A_465, %add3A_475, %add3A_485, %add3A_495, %add3A_505, %add3A_515, %add3A_525, %add3A_535, %add3A_545, %add3A_555, %add3A_565 : vector<16xf32>, vector<16xf32>, vector<16xf32>, vector<16xf32>, vector<16xf32>, vector<16xf32>, vector<16xf32>, vector<16xf32>, vector<16xf32>, vector<16xf32>, vector<16xf32>, vector<16xf32>, vector<16xf32>, vector<16xf32>, vector<16xf32>, vector<16xf32>
      }
      %scan3A_193 = arith.constant 64 : i32
      %mul3A_194 = arith.constant 64 : i32
      %mul3A_195 = arith.muli %add3A_181, %mul3A_194 : i32
      %dma_start3A_196 = tpu.memref_slice %arg3[%select_n3A, %mul3A_195, %mul3A_32] : memref<4x8192x2048xf32, #tpu.memory_space<hbm>> -> memref<1x64x256xf32, #tpu.memory_space<hbm>>
      %dma_start3A_197 = tpu.memref_squeeze %dma_start3A_196 : memref<1x64x256xf32, #tpu.memory_space<hbm>> -> memref<64x256xf32, #tpu.memory_space<hbm>>
      %dma_start3A_198 = tpu.memref_slice %arg3[%select_n3A, %mul3A_195, %mul3A_32] : memref<4x8192x2048xf32, #tpu.memory_space<hbm>> -> memref<1x64x256xf32, #tpu.memory_space<hbm>>
      %dma_start3A_199 = tpu.memref_squeeze %dma_start3A_198 : memref<1x64x256xf32, #tpu.memory_space<hbm>> -> memref<64x256xf32, #tpu.memory_space<hbm>>
      tpu.enqueue_dma source(%arg6 : memref<64x256xf32, #tpu.memory_space<vmem>>) target(%dma_start3A_199 : memref<64x256xf32, #tpu.memory_space<hbm>>) target_semaphore(%arg9 : memref<!tpu.dma_semaphore, #tpu.memory_space<semaphore_mem>>)
      %add3A_200 = arith.constant 3 : i32
      %add3A_201 = arith.addi %add3A_181, %add3A_200 : i32
      %lt3A_202 = arith.constant 128 : i32
      %lt3A_203 = arith.cmpi slt, %add3A_201, %lt3A_202 : i32
      %convert_element_type3A_204 = arith.extui %lt3A_203 : i1 to i32
      %cond3A_205 = arith.constant 0 : i32
      %cond3A_206 = arith.cmpi ne, %convert_element_type3A_204, %cond3A_205 : i32
      scf.if %cond3A_206 {
        %ge3A = arith.constant 1 : i32
        %ge3A_234 = arith.cmpi sge, %add3A_181, %ge3A : i32
        %convert_element_type3A_235 = arith.extui %ge3A_234 : i1 to i32
        %cond3A_236 = arith.constant 0 : i32
        %cond3A_237 = arith.cmpi ne, %convert_element_type3A_235, %cond3A_236 : i32
        scf.if %cond3A_237 {
          %dma_wait3A_246 = arith.constant 0 : i32
          %dma_wait3A_247 = tpu.memref_slice %arg3[%select_n3A, %dma_wait3A_246, %mul3A_32] : memref<4x8192x2048xf32, #tpu.memory_space<hbm>> -> memref<1x64x256xf32, #tpu.memory_space<hbm>>
          %dma_wait3A_248 = tpu.memref_squeeze %dma_wait3A_247 : memref<1x64x256xf32, #tpu.memory_space<hbm>> -> memref<64x256xf32, #tpu.memory_space<hbm>>
          %dma_wait3A_249 = arith.constant 0 : i32
          %dma_wait3A_250 = tpu.memref_slice %arg3[%select_n3A, %dma_wait3A_249, %mul3A_32] : memref<4x8192x2048xf32, #tpu.memory_space<hbm>> -> memref<1x64x256xf32, #tpu.memory_space<hbm>>
          %dma_wait3A_251 = tpu.memref_squeeze %dma_wait3A_250 : memref<1x64x256xf32, #tpu.memory_space<hbm>> -> memref<64x256xf32, #tpu.memory_space<hbm>>
          tpu.wait_dma2 semaphore(%arg9 : memref<!tpu.dma_semaphore, #tpu.memory_space<semaphore_mem>>) src(%arg5 : memref<64x256xf32, #tpu.memory_space<vmem>>) dst(%dma_wait3A_251 : memref<64x256xf32, #tpu.memory_space<hbm>>)
        } else {
        }
        %add3A_238 = arith.constant 3 : i32
        %add3A_239 = arith.addi %add3A_181, %add3A_238 : i32
        %mul3A_240 = arith.constant 64 : i32
        %mul3A_241 = arith.muli %add3A_239, %mul3A_240 : i32
        %dma_start3A_242 = tpu.memref_slice %arg2[%select_n3A, %mul3A_241, %mul3A_32] : memref<4x8192x2048xf32, #tpu.memory_space<hbm>> -> memref<1x64x256xf32, #tpu.memory_space<hbm>>
        %dma_start3A_243 = tpu.memref_squeeze %dma_start3A_242 : memref<1x64x256xf32, #tpu.memory_space<hbm>> -> memref<64x256xf32, #tpu.memory_space<hbm>>
        %dma_start3A_244 = tpu.memref_slice %arg2[%select_n3A, %mul3A_241, %mul3A_32] : memref<4x8192x2048xf32, #tpu.memory_space<hbm>> -> memref<1x64x256xf32, #tpu.memory_space<hbm>>
        %dma_start3A_245 = tpu.memref_squeeze %dma_start3A_244 : memref<1x64x256xf32, #tpu.memory_space<hbm>> -> memref<64x256xf32, #tpu.memory_space<hbm>>
        tpu.enqueue_dma source(%dma_start3A_245 : memref<64x256xf32, #tpu.memory_space<hbm>>) target(%arg5 : memref<64x256xf32, #tpu.memory_space<vmem>>) target_semaphore(%arg8 : memref<!tpu.dma_semaphore, #tpu.memory_space<semaphore_mem>>)
      } else {
      }
      %add3A_207 = arith.constant 3 : i32
      %add3A_208 = arith.addi %mul3A_127, %add3A_207 : i32
      %dma_wait3A_209 = arith.constant 0 : i32
      %dma_wait3A_210 = tpu.memref_slice %arg2[%select_n3A, %dma_wait3A_209, %mul3A_32] : memref<4x8192x2048xf32, #tpu.memory_space<hbm>> -> memref<1x64x256xf32, #tpu.memory_space<hbm>>
      %dma_wait3A_211 = tpu.memref_squeeze %dma_wait3A_210 : memref<1x64x256xf32, #tpu.memory_space<hbm>> -> memref<64x256xf32, #tpu.memory_space<hbm>>
      %dma_wait3A_212 = arith.constant 0 : i32
      %dma_wait3A_213 = tpu.memref_slice %arg2[%select_n3A, %dma_wait3A_212, %mul3A_32] : memref<4x8192x2048xf32, #tpu.memory_space<hbm>> -> memref<1x64x256xf32, #tpu.memory_space<hbm>>
      %dma_wait3A_214 = tpu.memref_squeeze %dma_wait3A_213 : memref<1x64x256xf32, #tpu.memory_space<hbm>> -> memref<64x256xf32, #tpu.memory_space<hbm>>
      tpu.wait_dma2 semaphore(%arg8 : memref<!tpu.dma_semaphore, #tpu.memory_space<semaphore_mem>>) src(%dma_wait3A_214 : memref<64x256xf32, #tpu.memory_space<hbm>>) dst(%arg7 : memref<64x256xf32, #tpu.memory_space<vmem>>)
      %scan3A_215 = arith.constant 0 : i32
      %scan3A_216 = arith.constant 64 : i32
      %scan3A_217 = arith.addi %scan3A_215, %scan3A_216 : i32
      %scan3A_218 = arith.constant 2 : i32
      %scan3A_219:16 = scf.for %scan3A_234 = %scan3A_215 to %scan3A_217 step %scan3A_218 iter_args(%scan3A_235 = %scan3A_192#0, %scan3A_236 = %scan3A_192#1, %scan3A_237 = %scan3A_192#2, %scan3A_238 = %scan3A_192#3, %scan3A_239 = %scan3A_192#4, %scan3A_240 = %scan3A_192#5, %scan3A_241 = %scan3A_192#6, %scan3A_242 = %scan3A_192#7, %scan3A_243 = %scan3A_192#8, %scan3A_244 = %scan3A_192#9, %scan3A_245 = %scan3A_192#10, %scan3A_246 = %scan3A_192#11, %scan3A_247 = %scan3A_192#12, %scan3A_248 = %scan3A_192#13, %scan3A_249 = %scan3A_192#14, %scan3A_250 = %scan3A_192#15) -> (vector<16xf32>, vector<16xf32>, vector<16xf32>, vector<16xf32>, vector<16xf32>, vector<16xf32>, vector<16xf32>, vector<16xf32>, vector<16xf32>, vector<16xf32>, vector<16xf32>, vector<16xf32>, vector<16xf32>, vector<16xf32>, vector<16xf32>, vector<16xf32>)  : i32 {
        %get3A = arith.index_cast %scan3A_234 : i32 to index
        %get3A_251 = arith.constant 0 : index
        %get3A_252 = tpu.vector_load %arg7[%get3A, %get3A_251] {strides = array<i32>} : memref<64x256xf32, #tpu.memory_space<vmem>>, vector<1x16xf32>,
        %get3A_253 = vector.shape_cast %get3A_252 : vector<1x16xf32> to vector<16xf32>
        %add3A_254 = arith.addf %scan3A_235, %get3A_253 : vector<16xf32>
        %swap3A = arith.index_cast %scan3A_234 : i32 to index
        %swap3A_255 = arith.constant 0 : index
        %swap3A_256 = tpu.vector_load %arg7[%swap3A, %swap3A_255] {strides = array<i32>} : memref<64x256xf32, #tpu.memory_space<vmem>>, vector<1x16xf32>,
        %swap3A_257 = vector.shape_cast %swap3A_256 : vector<1x16xf32> to vector<16xf32>
        %swap3A_258 = vector.shape_cast %add3A_254 : vector<16xf32> to vector<1x16xf32>
        tpu.vector_store %arg7[%swap3A, %swap3A_255], %swap3A_258 {strides = array<i32>} : memref<64x256xf32, #tpu.memory_space<vmem>>, vector<1x16xf32>,
        %get3A_259 = arith.index_cast %scan3A_234 : i32 to index
        %get3A_260 = arith.constant 16 : index
        %get3A_261 = tpu.vector_load %arg7[%get3A_259, %get3A_260] {strides = array<i32>} : memref<64x256xf32, #tpu.memory_space<vmem>>, vector<1x16xf32>,
        %get3A_262 = vector.shape_cast %get3A_261 : vector<1x16xf32> to vector<16xf32>
        %add3A_263 = arith.addf %scan3A_236, %get3A_262 : vector<16xf32>
        %swap3A_264 = arith.index_cast %scan3A_234 : i32 to index
        %swap3A_265 = arith.constant 16 : index
        %swap3A_266 = tpu.vector_load %arg7[%swap3A_264, %swap3A_265] {strides = array<i32>} : memref<64x256xf32, #tpu.memory_space<vmem>>, vector<1x16xf32>,
        %swap3A_267 = vector.shape_cast %swap3A_266 : vector<1x16xf32> to vector<16xf32>
        %swap3A_268 = vector.shape_cast %add3A_263 : vector<16xf32> to vector<1x16xf32>
        tpu.vector_store %arg7[%swap3A_264, %swap3A_265], %swap3A_268 {strides = array<i32>} : memref<64x256xf32, #tpu.memory_space<vmem>>, vector<1x16xf32>,
        %get3A_269 = arith.index_cast %scan3A_234 : i32 to index
        %get3A_270 = arith.constant 32 : index
        %get3A_271 = tpu.vector_load %arg7[%get3A_269, %get3A_270] {strides = array<i32>} : memref<64x256xf32, #tpu.memory_space<vmem>>, vector<1x16xf32>,
        %get3A_272 = vector.shape_cast %get3A_271 : vector<1x16xf32> to vector<16xf32>
        %add3A_273 = arith.addf %scan3A_237, %get3A_272 : vector<16xf32>
        %swap3A_274 = arith.index_cast %scan3A_234 : i32 to index
        %swap3A_275 = arith.constant 32 : index
        %swap3A_276 = tpu.vector_load %arg7[%swap3A_274, %swap3A_275] {strides = array<i32>} : memref<64x256xf32, #tpu.memory_space<vmem>>, vector<1x16xf32>,
        %swap3A_277 = vector.shape_cast %swap3A_276 : vector<1x16xf32> to vector<16xf32>
        %swap3A_278 = vector.shape_cast %add3A_273 : vector<16xf32> to vector<1x16xf32>
        tpu.vector_store %arg7[%swap3A_274, %swap3A_275], %swap3A_278 {strides = array<i32>} : memref<64x256xf32, #tpu.memory_space<vmem>>, vector<1x16xf32>,
        %get3A_279 = arith.index_cast %scan3A_234 : i32 to index
        %get3A_280 = arith.constant 48 : index
        %get3A_281 = tpu.vector_load %arg7[%get3A_279, %get3A_280] {strides = array<i32>} : memref<64x256xf32, #tpu.memory_space<vmem>>, vector<1x16xf32>,
        %get3A_282 = vector.shape_cast %get3A_281 : vector<1x16xf32> to vector<16xf32>
        %add3A_283 = arith.addf %scan3A_238, %get3A_282 : vector<16xf32>
        %swap3A_284 = arith.index_cast %scan3A_234 : i32 to index
        %swap3A_285 = arith.constant 48 : index
        %swap3A_286 = tpu.vector_load %arg7[%swap3A_284, %swap3A_285] {strides = array<i32>} : memref<64x256xf32, #tpu.memory_space<vmem>>, vector<1x16xf32>,
        %swap3A_287 = vector.shape_cast %swap3A_286 : vector<1x16xf32> to vector<16xf32>
        %swap3A_288 = vector.shape_cast %add3A_283 : vector<16xf32> to vector<1x16xf32>
        tpu.vector_store %arg7[%swap3A_284, %swap3A_285], %swap3A_288 {strides = array<i32>} : memref<64x256xf32, #tpu.memory_space<vmem>>, vector<1x16xf32>,
        %get3A_289 = arith.index_cast %scan3A_234 : i32 to index
        %get3A_290 = arith.constant 64 : index
        %get3A_291 = tpu.vector_load %arg7[%get3A_289, %get3A_290] {strides = array<i32>} : memref<64x256xf32, #tpu.memory_space<vmem>>, vector<1x16xf32>,
        %get3A_292 = vector.shape_cast %get3A_291 : vector<1x16xf32> to vector<16xf32>
        %add3A_293 = arith.addf %scan3A_239, %get3A_292 : vector<16xf32>
        %swap3A_294 = arith.index_cast %scan3A_234 : i32 to index
        %swap3A_295 = arith.constant 64 : index
        %swap3A_296 = tpu.vector_load %arg7[%swap3A_294, %swap3A_295] {strides = array<i32>} : memref<64x256xf32, #tpu.memory_space<vmem>>, vector<1x16xf32>,
        %swap3A_297 = vector.shape_cast %swap3A_296 : vector<1x16xf32> to vector<16xf32>
        %swap3A_298 = vector.shape_cast %add3A_293 : vector<16xf32> to vector<1x16xf32>
        tpu.vector_store %arg7[%swap3A_294, %swap3A_295], %swap3A_298 {strides = array<i32>} : memref<64x256xf32, #tpu.memory_space<vmem>>, vector<1x16xf32>,
        %get3A_299 = arith.index_cast %scan3A_234 : i32 to index
        %get3A_300 = arith.constant 80 : index
        %get3A_301 = tpu.vector_load %arg7[%get3A_299, %get3A_300] {strides = array<i32>} : memref<64x256xf32, #tpu.memory_space<vmem>>, vector<1x16xf32>,
        %get3A_302 = vector.shape_cast %get3A_301 : vector<1x16xf32> to vector<16xf32>
        %add3A_303 = arith.addf %scan3A_240, %get3A_302 : vector<16xf32>
        %swap3A_304 = arith.index_cast %scan3A_234 : i32 to index
        %swap3A_305 = arith.constant 80 : index
        %swap3A_306 = tpu.vector_load %arg7[%swap3A_304, %swap3A_305] {strides = array<i32>} : memref<64x256xf32, #tpu.memory_space<vmem>>, vector<1x16xf32>,
        %swap3A_307 = vector.shape_cast %swap3A_306 : vector<1x16xf32> to vector<16xf32>
        %swap3A_308 = vector.shape_cast %add3A_303 : vector<16xf32> to vector<1x16xf32>
        tpu.vector_store %arg7[%swap3A_304, %swap3A_305], %swap3A_308 {strides = array<i32>} : memref<64x256xf32, #tpu.memory_space<vmem>>, vector<1x16xf32>,
        %get3A_309 = arith.index_cast %scan3A_234 : i32 to index
        %get3A_310 = arith.constant 96 : index
        %get3A_311 = tpu.vector_load %arg7[%get3A_309, %get3A_310] {strides = array<i32>} : memref<64x256xf32, #tpu.memory_space<vmem>>, vector<1x16xf32>,
        %get3A_312 = vector.shape_cast %get3A_311 : vector<1x16xf32> to vector<16xf32>
        %add3A_313 = arith.addf %scan3A_241, %get3A_312 : vector<16xf32>
        %swap3A_314 = arith.index_cast %scan3A_234 : i32 to index
        %swap3A_315 = arith.constant 96 : index
        %swap3A_316 = tpu.vector_load %arg7[%swap3A_314, %swap3A_315] {strides = array<i32>} : memref<64x256xf32, #tpu.memory_space<vmem>>, vector<1x16xf32>,
        %swap3A_317 = vector.shape_cast %swap3A_316 : vector<1x16xf32> to vector<16xf32>
        %swap3A_318 = vector.shape_cast %add3A_313 : vector<16xf32> to vector<1x16xf32>
        tpu.vector_store %arg7[%swap3A_314, %swap3A_315], %swap3A_318 {strides = array<i32>} : memref<64x256xf32, #tpu.memory_space<vmem>>, vector<1x16xf32>,
        %get3A_319 = arith.index_cast %scan3A_234 : i32 to index
        %get3A_320 = arith.constant 112 : index
        %get3A_321 = tpu.vector_load %arg7[%get3A_319, %get3A_320] {strides = array<i32>} : memref<64x256xf32, #tpu.memory_space<vmem>>, vector<1x16xf32>,
        %get3A_322 = vector.shape_cast %get3A_321 : vector<1x16xf32> to vector<16xf32>
        %add3A_323 = arith.addf %scan3A_242, %get3A_322 : vector<16xf32>
        %swap3A_324 = arith.index_cast %scan3A_234 : i32 to index
        %swap3A_325 = arith.constant 112 : index
        %swap3A_326 = tpu.vector_load %arg7[%swap3A_324, %swap3A_325] {strides = array<i32>} : memref<64x256xf32, #tpu.memory_space<vmem>>, vector<1x16xf32>,
        %swap3A_327 = vector.shape_cast %swap3A_326 : vector<1x16xf32> to vector<16xf32>
        %swap3A_328 = vector.shape_cast %add3A_323 : vector<16xf32> to vector<1x16xf32>
        tpu.vector_store %arg7[%swap3A_324, %swap3A_325], %swap3A_328 {strides = array<i32>} : memref<64x256xf32, #tpu.memory_space<vmem>>, vector<1x16xf32>,
        %get3A_329 = arith.index_cast %scan3A_234 : i32 to index
        %get3A_330 = arith.constant 128 : index
        %get3A_331 = tpu.vector_load %arg7[%get3A_329, %get3A_330] {strides = array<i32>} : memref<64x256xf32, #tpu.memory_space<vmem>>, vector<1x16xf32>,
        %get3A_332 = vector.shape_cast %get3A_331 : vector<1x16xf32> to vector<16xf32>
        %add3A_333 = arith.addf %scan3A_243, %get3A_332 : vector<16xf32>
        %swap3A_334 = arith.index_cast %scan3A_234 : i32 to index
        %swap3A_335 = arith.constant 128 : index
        %swap3A_336 = tpu.vector_load %arg7[%swap3A_334, %swap3A_335] {strides = array<i32>} : memref<64x256xf32, #tpu.memory_space<vmem>>, vector<1x16xf32>,
        %swap3A_337 = vector.shape_cast %swap3A_336 : vector<1x16xf32> to vector<16xf32>
        %swap3A_338 = vector.shape_cast %add3A_333 : vector<16xf32> to vector<1x16xf32>
        tpu.vector_store %arg7[%swap3A_334, %swap3A_335], %swap3A_338 {strides = array<i32>} : memref<64x256xf32, #tpu.memory_space<vmem>>, vector<1x16xf32>,
        %get3A_339 = arith.index_cast %scan3A_234 : i32 to index
        %get3A_340 = arith.constant 144 : index
        %get3A_341 = tpu.vector_load %arg7[%get3A_339, %get3A_340] {strides = array<i32>} : memref<64x256xf32, #tpu.memory_space<vmem>>, vector<1x16xf32>,
        %get3A_342 = vector.shape_cast %get3A_341 : vector<1x16xf32> to vector<16xf32>
        %add3A_343 = arith.addf %scan3A_244, %get3A_342 : vector<16xf32>
        %swap3A_344 = arith.index_cast %scan3A_234 : i32 to index
        %swap3A_345 = arith.constant 144 : index
        %swap3A_346 = tpu.vector_load %arg7[%swap3A_344, %swap3A_345] {strides = array<i32>} : memref<64x256xf32, #tpu.memory_space<vmem>>, vector<1x16xf32>,
        %swap3A_347 = vector.shape_cast %swap3A_346 : vector<1x16xf32> to vector<16xf32>
        %swap3A_348 = vector.shape_cast %add3A_343 : vector<16xf32> to vector<1x16xf32>
        tpu.vector_store %arg7[%swap3A_344, %swap3A_345], %swap3A_348 {strides = array<i32>} : memref<64x256xf32, #tpu.memory_space<vmem>>, vector<1x16xf32>,
        %get3A_349 = arith.index_cast %scan3A_234 : i32 to index
        %get3A_350 = arith.constant 160 : index
        %get3A_351 = tpu.vector_load %arg7[%get3A_349, %get3A_350] {strides = array<i32>} : memref<64x256xf32, #tpu.memory_space<vmem>>, vector<1x16xf32>,
        %get3A_352 = vector.shape_cast %get3A_351 : vector<1x16xf32> to vector<16xf32>
        %add3A_353 = arith.addf %scan3A_245, %get3A_352 : vector<16xf32>
        %swap3A_354 = arith.index_cast %scan3A_234 : i32 to index
        %swap3A_355 = arith.constant 160 : index
        %swap3A_356 = tpu.vector_load %arg7[%swap3A_354, %swap3A_355] {strides = array<i32>} : memref<64x256xf32, #tpu.memory_space<vmem>>, vector<1x16xf32>,
        %swap3A_357 = vector.shape_cast %swap3A_356 : vector<1x16xf32> to vector<16xf32>
        %swap3A_358 = vector.shape_cast %add3A_353 : vector<16xf32> to vector<1x16xf32>
        tpu.vector_store %arg7[%swap3A_354, %swap3A_355], %swap3A_358 {strides = array<i32>} : memref<64x256xf32, #tpu.memory_space<vmem>>, vector<1x16xf32>,
        %get3A_359 = arith.index_cast %scan3A_234 : i32 to index
        %get3A_360 = arith.constant 176 : index
        %get3A_361 = tpu.vector_load %arg7[%get3A_359, %get3A_360] {strides = array<i32>} : memref<64x256xf32, #tpu.memory_space<vmem>>, vector<1x16xf32>,
        %get3A_362 = vector.shape_cast %get3A_361 : vector<1x16xf32> to vector<16xf32>
        %add3A_363 = arith.addf %scan3A_246, %get3A_362 : vector<16xf32>
        %swap3A_364 = arith.index_cast %scan3A_234 : i32 to index
        %swap3A_365 = arith.constant 176 : index
        %swap3A_366 = tpu.vector_load %arg7[%swap3A_364, %swap3A_365] {strides = array<i32>} : memref<64x256xf32, #tpu.memory_space<vmem>>, vector<1x16xf32>,
        %swap3A_367 = vector.shape_cast %swap3A_366 : vector<1x16xf32> to vector<16xf32>
        %swap3A_368 = vector.shape_cast %add3A_363 : vector<16xf32> to vector<1x16xf32>
        tpu.vector_store %arg7[%swap3A_364, %swap3A_365], %swap3A_368 {strides = array<i32>} : memref<64x256xf32, #tpu.memory_space<vmem>>, vector<1x16xf32>,
        %get3A_369 = arith.index_cast %scan3A_234 : i32 to index
        %get3A_370 = arith.constant 192 : index
        %get3A_371 = tpu.vector_load %arg7[%get3A_369, %get3A_370] {strides = array<i32>} : memref<64x256xf32, #tpu.memory_space<vmem>>, vector<1x16xf32>,
        %get3A_372 = vector.shape_cast %get3A_371 : vector<1x16xf32> to vector<16xf32>
        %add3A_373 = arith.addf %scan3A_247, %get3A_372 : vector<16xf32>
        %swap3A_374 = arith.index_cast %scan3A_234 : i32 to index
        %swap3A_375 = arith.constant 192 : index
        %swap3A_376 = tpu.vector_load %arg7[%swap3A_374, %swap3A_375] {strides = array<i32>} : memref<64x256xf32, #tpu.memory_space<vmem>>, vector<1x16xf32>,
        %swap3A_377 = vector.shape_cast %swap3A_376 : vector<1x16xf32> to vector<16xf32>
        %swap3A_378 = vector.shape_cast %add3A_373 : vector<16xf32> to vector<1x16xf32>
        tpu.vector_store %arg7[%swap3A_374, %swap3A_375], %swap3A_378 {strides = array<i32>} : memref<64x256xf32, #tpu.memory_space<vmem>>, vector<1x16xf32>,
        %get3A_379 = arith.index_cast %scan3A_234 : i32 to index
        %get3A_380 = arith.constant 208 : index
        %get3A_381 = tpu.vector_load %arg7[%get3A_379, %get3A_380] {strides = array<i32>} : memref<64x256xf32, #tpu.memory_space<vmem>>, vector<1x16xf32>,
        %get3A_382 = vector.shape_cast %get3A_381 : vector<1x16xf32> to vector<16xf32>
        %add3A_383 = arith.addf %scan3A_248, %get3A_382 : vector<16xf32>
        %swap3A_384 = arith.index_cast %scan3A_234 : i32 to index
        %swap3A_385 = arith.constant 208 : index
        %swap3A_386 = tpu.vector_load %arg7[%swap3A_384, %swap3A_385] {strides = array<i32>} : memref<64x256xf32, #tpu.memory_space<vmem>>, vector<1x16xf32>,
        %swap3A_387 = vector.shape_cast %swap3A_386 : vector<1x16xf32> to vector<16xf32>
        %swap3A_388 = vector.shape_cast %add3A_383 : vector<16xf32> to vector<1x16xf32>
        tpu.vector_store %arg7[%swap3A_384, %swap3A_385], %swap3A_388 {strides = array<i32>} : memref<64x256xf32, #tpu.memory_space<vmem>>, vector<1x16xf32>,
        %get3A_389 = arith.index_cast %scan3A_234 : i32 to index
        %get3A_390 = arith.constant 224 : index
        %get3A_391 = tpu.vector_load %arg7[%get3A_389, %get3A_390] {strides = array<i32>} : memref<64x256xf32, #tpu.memory_space<vmem>>, vector<1x16xf32>,
        %get3A_392 = vector.shape_cast %get3A_391 : vector<1x16xf32> to vector<16xf32>
        %add3A_393 = arith.addf %scan3A_249, %get3A_392 : vector<16xf32>
        %swap3A_394 = arith.index_cast %scan3A_234 : i32 to index
        %swap3A_395 = arith.constant 224 : index
        %swap3A_396 = tpu.vector_load %arg7[%swap3A_394, %swap3A_395] {strides = array<i32>} : memref<64x256xf32, #tpu.memory_space<vmem>>, vector<1x16xf32>,
        %swap3A_397 = vector.shape_cast %swap3A_396 : vector<1x16xf32> to vector<16xf32>
        %swap3A_398 = vector.shape_cast %add3A_393 : vector<16xf32> to vector<1x16xf32>
        tpu.vector_store %arg7[%swap3A_394, %swap3A_395], %swap3A_398 {strides = array<i32>} : memref<64x256xf32, #tpu.memory_space<vmem>>, vector<1x16xf32>,
        %get3A_399 = arith.index_cast %scan3A_234 : i32 to index
        %get3A_400 = arith.constant 240 : index
        %get3A_401 = tpu.vector_load %arg7[%get3A_399, %get3A_400] {strides = array<i32>} : memref<64x256xf32, #tpu.memory_space<vmem>>, vector<1x16xf32>,
        %get3A_402 = vector.shape_cast %get3A_401 : vector<1x16xf32> to vector<16xf32>
        %add3A_403 = arith.addf %scan3A_250, %get3A_402 : vector<16xf32>
        %swap3A_404 = arith.index_cast %scan3A_234 : i32 to index
        %swap3A_405 = arith.constant 240 : index
        %swap3A_406 = tpu.vector_load %arg7[%swap3A_404, %swap3A_405] {strides = array<i32>} : memref<64x256xf32, #tpu.memory_space<vmem>>, vector<1x16xf32>,
        %swap3A_407 = vector.shape_cast %swap3A_406 : vector<1x16xf32> to vector<16xf32>
        %swap3A_408 = vector.shape_cast %add3A_403 : vector<16xf32> to vector<1x16xf32>
        tpu.vector_store %arg7[%swap3A_404, %swap3A_405], %swap3A_408 {strides = array<i32>} : memref<64x256xf32, #tpu.memory_space<vmem>>, vector<1x16xf32>,
        %scan3A_409 = arith.constant 1 : i32
        %scan3A_410 = arith.addi %scan3A_234, %scan3A_409 : i32
        %get3A_411 = arith.index_cast %scan3A_410 : i32 to index
        %get3A_412 = arith.constant 0 : index
        %get3A_413 = tpu.vector_load %arg7[%get3A_411, %get3A_412] {strides = array<i32>} : memref<64x256xf32, #tpu.memory_space<vmem>>, vector<1x16xf32>,
        %get3A_414 = vector.shape_cast %get3A_413 : vector<1x16xf32> to vector<16xf32>
        %add3A_415 = arith.addf %add3A_254, %get3A_414 : vector<16xf32>
        %swap3A_416 = arith.index_cast %scan3A_410 : i32 to index
        %swap3A_417 = arith.constant 0 : index
        %swap3A_418 = tpu.vector_load %arg7[%swap3A_416, %swap3A_417] {strides = array<i32>} : memref<64x256xf32, #tpu.memory_space<vmem>>, vector<1x16xf32>,
        %swap3A_419 = vector.shape_cast %swap3A_418 : vector<1x16xf32> to vector<16xf32>
        %swap3A_420 = vector.shape_cast %add3A_415 : vector<16xf32> to vector<1x16xf32>
        tpu.vector_store %arg7[%swap3A_416, %swap3A_417], %swap3A_420 {strides = array<i32>} : memref<64x256xf32, #tpu.memory_space<vmem>>, vector<1x16xf32>,
        %get3A_421 = arith.index_cast %scan3A_410 : i32 to index
        %get3A_422 = arith.constant 16 : index
        %get3A_423 = tpu.vector_load %arg7[%get3A_421, %get3A_422] {strides = array<i32>} : memref<64x256xf32, #tpu.memory_space<vmem>>, vector<1x16xf32>,
        %get3A_424 = vector.shape_cast %get3A_423 : vector<1x16xf32> to vector<16xf32>
        %add3A_425 = arith.addf %add3A_263, %get3A_424 : vector<16xf32>
        %swap3A_426 = arith.index_cast %scan3A_410 : i32 to index
        %swap3A_427 = arith.constant 16 : index
        %swap3A_428 = tpu.vector_load %arg7[%swap3A_426, %swap3A_427] {strides = array<i32>} : memref<64x256xf32, #tpu.memory_space<vmem>>, vector<1x16xf32>,
        %swap3A_429 = vector.shape_cast %swap3A_428 : vector<1x16xf32> to vector<16xf32>
        %swap3A_430 = vector.shape_cast %add3A_425 : vector<16xf32> to vector<1x16xf32>
        tpu.vector_store %arg7[%swap3A_426, %swap3A_427], %swap3A_430 {strides = array<i32>} : memref<64x256xf32, #tpu.memory_space<vmem>>, vector<1x16xf32>,
        %get3A_431 = arith.index_cast %scan3A_410 : i32 to index
        %get3A_432 = arith.constant 32 : index
        %get3A_433 = tpu.vector_load %arg7[%get3A_431, %get3A_432] {strides = array<i32>} : memref<64x256xf32, #tpu.memory_space<vmem>>, vector<1x16xf32>,
        %get3A_434 = vector.shape_cast %get3A_433 : vector<1x16xf32> to vector<16xf32>
        %add3A_435 = arith.addf %add3A_273, %get3A_434 : vector<16xf32>
        %swap3A_436 = arith.index_cast %scan3A_410 : i32 to index
        %swap3A_437 = arith.constant 32 : index
        %swap3A_438 = tpu.vector_load %arg7[%swap3A_436, %swap3A_437] {strides = array<i32>} : memref<64x256xf32, #tpu.memory_space<vmem>>, vector<1x16xf32>,
        %swap3A_439 = vector.shape_cast %swap3A_438 : vector<1x16xf32> to vector<16xf32>
        %swap3A_440 = vector.shape_cast %add3A_435 : vector<16xf32> to vector<1x16xf32>
        tpu.vector_store %arg7[%swap3A_436, %swap3A_437], %swap3A_440 {strides = array<i32>} : memref<64x256xf32, #tpu.memory_space<vmem>>, vector<1x16xf32>,
        %get3A_441 = arith.index_cast %scan3A_410 : i32 to index
        %get3A_442 = arith.constant 48 : index
        %get3A_443 = tpu.vector_load %arg7[%get3A_441, %get3A_442] {strides = array<i32>} : memref<64x256xf32, #tpu.memory_space<vmem>>, vector<1x16xf32>,
        %get3A_444 = vector.shape_cast %get3A_443 : vector<1x16xf32> to vector<16xf32>
        %add3A_445 = arith.addf %add3A_283, %get3A_444 : vector<16xf32>
        %swap3A_446 = arith.index_cast %scan3A_410 : i32 to index
        %swap3A_447 = arith.constant 48 : index
        %swap3A_448 = tpu.vector_load %arg7[%swap3A_446, %swap3A_447] {strides = array<i32>} : memref<64x256xf32, #tpu.memory_space<vmem>>, vector<1x16xf32>,
        %swap3A_449 = vector.shape_cast %swap3A_448 : vector<1x16xf32> to vector<16xf32>
        %swap3A_450 = vector.shape_cast %add3A_445 : vector<16xf32> to vector<1x16xf32>
        tpu.vector_store %arg7[%swap3A_446, %swap3A_447], %swap3A_450 {strides = array<i32>} : memref<64x256xf32, #tpu.memory_space<vmem>>, vector<1x16xf32>,
        %get3A_451 = arith.index_cast %scan3A_410 : i32 to index
        %get3A_452 = arith.constant 64 : index
        %get3A_453 = tpu.vector_load %arg7[%get3A_451, %get3A_452] {strides = array<i32>} : memref<64x256xf32, #tpu.memory_space<vmem>>, vector<1x16xf32>,
        %get3A_454 = vector.shape_cast %get3A_453 : vector<1x16xf32> to vector<16xf32>
        %add3A_455 = arith.addf %add3A_293, %get3A_454 : vector<16xf32>
        %swap3A_456 = arith.index_cast %scan3A_410 : i32 to index
        %swap3A_457 = arith.constant 64 : index
        %swap3A_458 = tpu.vector_load %arg7[%swap3A_456, %swap3A_457] {strides = array<i32>} : memref<64x256xf32, #tpu.memory_space<vmem>>, vector<1x16xf32>,
        %swap3A_459 = vector.shape_cast %swap3A_458 : vector<1x16xf32> to vector<16xf32>
        %swap3A_460 = vector.shape_cast %add3A_455 : vector<16xf32> to vector<1x16xf32>
        tpu.vector_store %arg7[%swap3A_456, %swap3A_457], %swap3A_460 {strides = array<i32>} : memref<64x256xf32, #tpu.memory_space<vmem>>, vector<1x16xf32>,
        %get3A_461 = arith.index_cast %scan3A_410 : i32 to index
        %get3A_462 = arith.constant 80 : index
        %get3A_463 = tpu.vector_load %arg7[%get3A_461, %get3A_462] {strides = array<i32>} : memref<64x256xf32, #tpu.memory_space<vmem>>, vector<1x16xf32>,
        %get3A_464 = vector.shape_cast %get3A_463 : vector<1x16xf32> to vector<16xf32>
        %add3A_465 = arith.addf %add3A_303, %get3A_464 : vector<16xf32>
        %swap3A_466 = arith.index_cast %scan3A_410 : i32 to index
        %swap3A_467 = arith.constant 80 : index
        %swap3A_468 = tpu.vector_load %arg7[%swap3A_466, %swap3A_467] {strides = array<i32>} : memref<64x256xf32, #tpu.memory_space<vmem>>, vector<1x16xf32>,
        %swap3A_469 = vector.shape_cast %swap3A_468 : vector<1x16xf32> to vector<16xf32>
        %swap3A_470 = vector.shape_cast %add3A_465 : vector<16xf32> to vector<1x16xf32>
        tpu.vector_store %arg7[%swap3A_466, %swap3A_467], %swap3A_470 {strides = array<i32>} : memref<64x256xf32, #tpu.memory_space<vmem>>, vector<1x16xf32>,
        %get3A_471 = arith.index_cast %scan3A_410 : i32 to index
        %get3A_472 = arith.constant 96 : index
        %get3A_473 = tpu.vector_load %arg7[%get3A_471, %get3A_472] {strides = array<i32>} : memref<64x256xf32, #tpu.memory_space<vmem>>, vector<1x16xf32>,
        %get3A_474 = vector.shape_cast %get3A_473 : vector<1x16xf32> to vector<16xf32>
        %add3A_475 = arith.addf %add3A_313, %get3A_474 : vector<16xf32>
        %swap3A_476 = arith.index_cast %scan3A_410 : i32 to index
        %swap3A_477 = arith.constant 96 : index
        %swap3A_478 = tpu.vector_load %arg7[%swap3A_476, %swap3A_477] {strides = array<i32>} : memref<64x256xf32, #tpu.memory_space<vmem>>, vector<1x16xf32>,
        %swap3A_479 = vector.shape_cast %swap3A_478 : vector<1x16xf32> to vector<16xf32>
        %swap3A_480 = vector.shape_cast %add3A_475 : vector<16xf32> to vector<1x16xf32>
        tpu.vector_store %arg7[%swap3A_476, %swap3A_477], %swap3A_480 {strides = array<i32>} : memref<64x256xf32, #tpu.memory_space<vmem>>, vector<1x16xf32>,
        %get3A_481 = arith.index_cast %scan3A_410 : i32 to index
        %get3A_482 = arith.constant 112 : index
        %get3A_483 = tpu.vector_load %arg7[%get3A_481, %get3A_482] {strides = array<i32>} : memref<64x256xf32, #tpu.memory_space<vmem>>, vector<1x16xf32>,
        %get3A_484 = vector.shape_cast %get3A_483 : vector<1x16xf32> to vector<16xf32>
        %add3A_485 = arith.addf %add3A_323, %get3A_484 : vector<16xf32>
        %swap3A_486 = arith.index_cast %scan3A_410 : i32 to index
        %swap3A_487 = arith.constant 112 : index
        %swap3A_488 = tpu.vector_load %arg7[%swap3A_486, %swap3A_487] {strides = array<i32>} : memref<64x256xf32, #tpu.memory_space<vmem>>, vector<1x16xf32>,
        %swap3A_489 = vector.shape_cast %swap3A_488 : vector<1x16xf32> to vector<16xf32>
        %swap3A_490 = vector.shape_cast %add3A_485 : vector<16xf32> to vector<1x16xf32>
        tpu.vector_store %arg7[%swap3A_486, %swap3A_487], %swap3A_490 {strides = array<i32>} : memref<64x256xf32, #tpu.memory_space<vmem>>, vector<1x16xf32>,
        %get3A_491 = arith.index_cast %scan3A_410 : i32 to index
        %get3A_492 = arith.constant 128 : index
        %get3A_493 = tpu.vector_load %arg7[%get3A_491, %get3A_492] {strides = array<i32>} : memref<64x256xf32, #tpu.memory_space<vmem>>, vector<1x16xf32>,
        %get3A_494 = vector.shape_cast %get3A_493 : vector<1x16xf32> to vector<16xf32>
        %add3A_495 = arith.addf %add3A_333, %get3A_494 : vector<16xf32>
        %swap3A_496 = arith.index_cast %scan3A_410 : i32 to index
        %swap3A_497 = arith.constant 128 : index
        %swap3A_498 = tpu.vector_load %arg7[%swap3A_496, %swap3A_497] {strides = array<i32>} : memref<64x256xf32, #tpu.memory_space<vmem>>, vector<1x16xf32>,
        %swap3A_499 = vector.shape_cast %swap3A_498 : vector<1x16xf32> to vector<16xf32>
        %swap3A_500 = vector.shape_cast %add3A_495 : vector<16xf32> to vector<1x16xf32>
        tpu.vector_store %arg7[%swap3A_496, %swap3A_497], %swap3A_500 {strides = array<i32>} : memref<64x256xf32, #tpu.memory_space<vmem>>, vector<1x16xf32>,
        %get3A_501 = arith.index_cast %scan3A_410 : i32 to index
        %get3A_502 = arith.constant 144 : index
        %get3A_503 = tpu.vector_load %arg7[%get3A_501, %get3A_502] {strides = array<i32>} : memref<64x256xf32, #tpu.memory_space<vmem>>, vector<1x16xf32>,
        %get3A_504 = vector.shape_cast %get3A_503 : vector<1x16xf32> to vector<16xf32>
        %add3A_505 = arith.addf %add3A_343, %get3A_504 : vector<16xf32>
        %swap3A_506 = arith.index_cast %scan3A_410 : i32 to index
        %swap3A_507 = arith.constant 144 : index
        %swap3A_508 = tpu.vector_load %arg7[%swap3A_506, %swap3A_507] {strides = array<i32>} : memref<64x256xf32, #tpu.memory_space<vmem>>, vector<1x16xf32>,
        %swap3A_509 = vector.shape_cast %swap3A_508 : vector<1x16xf32> to vector<16xf32>
        %swap3A_510 = vector.shape_cast %add3A_505 : vector<16xf32> to vector<1x16xf32>
        tpu.vector_store %arg7[%swap3A_506, %swap3A_507], %swap3A_510 {strides = array<i32>} : memref<64x256xf32, #tpu.memory_space<vmem>>, vector<1x16xf32>,
        %get3A_511 = arith.index_cast %scan3A_410 : i32 to index
        %get3A_512 = arith.constant 160 : index
        %get3A_513 = tpu.vector_load %arg7[%get3A_511, %get3A_512] {strides = array<i32>} : memref<64x256xf32, #tpu.memory_space<vmem>>, vector<1x16xf32>,
        %get3A_514 = vector.shape_cast %get3A_513 : vector<1x16xf32> to vector<16xf32>
        %add3A_515 = arith.addf %add3A_353, %get3A_514 : vector<16xf32>
        %swap3A_516 = arith.index_cast %scan3A_410 : i32 to index
        %swap3A_517 = arith.constant 160 : index
        %swap3A_518 = tpu.vector_load %arg7[%swap3A_516, %swap3A_517] {strides = array<i32>} : memref<64x256xf32, #tpu.memory_space<vmem>>, vector<1x16xf32>,
        %swap3A_519 = vector.shape_cast %swap3A_518 : vector<1x16xf32> to vector<16xf32>
        %swap3A_520 = vector.shape_cast %add3A_515 : vector<16xf32> to vector<1x16xf32>
        tpu.vector_store %arg7[%swap3A_516, %swap3A_517], %swap3A_520 {strides = array<i32>} : memref<64x256xf32, #tpu.memory_space<vmem>>, vector<1x16xf32>,
        %get3A_521 = arith.index_cast %scan3A_410 : i32 to index
        %get3A_522 = arith.constant 176 : index
        %get3A_523 = tpu.vector_load %arg7[%get3A_521, %get3A_522] {strides = array<i32>} : memref<64x256xf32, #tpu.memory_space<vmem>>, vector<1x16xf32>,
        %get3A_524 = vector.shape_cast %get3A_523 : vector<1x16xf32> to vector<16xf32>
        %add3A_525 = arith.addf %add3A_363, %get3A_524 : vector<16xf32>
        %swap3A_526 = arith.index_cast %scan3A_410 : i32 to index
        %swap3A_527 = arith.constant 176 : index
        %swap3A_528 = tpu.vector_load %arg7[%swap3A_526, %swap3A_527] {strides = array<i32>} : memref<64x256xf32, #tpu.memory_space<vmem>>, vector<1x16xf32>,
        %swap3A_529 = vector.shape_cast %swap3A_528 : vector<1x16xf32> to vector<16xf32>
        %swap3A_530 = vector.shape_cast %add3A_525 : vector<16xf32> to vector<1x16xf32>
        tpu.vector_store %arg7[%swap3A_526, %swap3A_527], %swap3A_530 {strides = array<i32>} : memref<64x256xf32, #tpu.memory_space<vmem>>, vector<1x16xf32>,
        %get3A_531 = arith.index_cast %scan3A_410 : i32 to index
        %get3A_532 = arith.constant 192 : index
        %get3A_533 = tpu.vector_load %arg7[%get3A_531, %get3A_532] {strides = array<i32>} : memref<64x256xf32, #tpu.memory_space<vmem>>, vector<1x16xf32>,
        %get3A_534 = vector.shape_cast %get3A_533 : vector<1x16xf32> to vector<16xf32>
        %add3A_535 = arith.addf %add3A_373, %get3A_534 : vector<16xf32>
        %swap3A_536 = arith.index_cast %scan3A_410 : i32 to index
        %swap3A_537 = arith.constant 192 : index
        %swap3A_538 = tpu.vector_load %arg7[%swap3A_536, %swap3A_537] {strides = array<i32>} : memref<64x256xf32, #tpu.memory_space<vmem>>, vector<1x16xf32>,
        %swap3A_539 = vector.shape_cast %swap3A_538 : vector<1x16xf32> to vector<16xf32>
        %swap3A_540 = vector.shape_cast %add3A_535 : vector<16xf32> to vector<1x16xf32>
        tpu.vector_store %arg7[%swap3A_536, %swap3A_537], %swap3A_540 {strides = array<i32>} : memref<64x256xf32, #tpu.memory_space<vmem>>, vector<1x16xf32>,
        %get3A_541 = arith.index_cast %scan3A_410 : i32 to index
        %get3A_542 = arith.constant 208 : index
        %get3A_543 = tpu.vector_load %arg7[%get3A_541, %get3A_542] {strides = array<i32>} : memref<64x256xf32, #tpu.memory_space<vmem>>, vector<1x16xf32>,
        %get3A_544 = vector.shape_cast %get3A_543 : vector<1x16xf32> to vector<16xf32>
        %add3A_545 = arith.addf %add3A_383, %get3A_544 : vector<16xf32>
        %swap3A_546 = arith.index_cast %scan3A_410 : i32 to index
        %swap3A_547 = arith.constant 208 : index
        %swap3A_548 = tpu.vector_load %arg7[%swap3A_546, %swap3A_547] {strides = array<i32>} : memref<64x256xf32, #tpu.memory_space<vmem>>, vector<1x16xf32>,
        %swap3A_549 = vector.shape_cast %swap3A_548 : vector<1x16xf32> to vector<16xf32>
        %swap3A_550 = vector.shape_cast %add3A_545 : vector<16xf32> to vector<1x16xf32>
        tpu.vector_store %arg7[%swap3A_546, %swap3A_547], %swap3A_550 {strides = array<i32>} : memref<64x256xf32, #tpu.memory_space<vmem>>, vector<1x16xf32>,
        %get3A_551 = arith.index_cast %scan3A_410 : i32 to index
        %get3A_552 = arith.constant 224 : index
        %get3A_553 = tpu.vector_load %arg7[%get3A_551, %get3A_552] {strides = array<i32>} : memref<64x256xf32, #tpu.memory_space<vmem>>, vector<1x16xf32>,
        %get3A_554 = vector.shape_cast %get3A_553 : vector<1x16xf32> to vector<16xf32>
        %add3A_555 = arith.addf %add3A_393, %get3A_554 : vector<16xf32>
        %swap3A_556 = arith.index_cast %scan3A_410 : i32 to index
        %swap3A_557 = arith.constant 224 : index
        %swap3A_558 = tpu.vector_load %arg7[%swap3A_556, %swap3A_557] {strides = array<i32>} : memref<64x256xf32, #tpu.memory_space<vmem>>, vector<1x16xf32>,
        %swap3A_559 = vector.shape_cast %swap3A_558 : vector<1x16xf32> to vector<16xf32>
        %swap3A_560 = vector.shape_cast %add3A_555 : vector<16xf32> to vector<1x16xf32>
        tpu.vector_store %arg7[%swap3A_556, %swap3A_557], %swap3A_560 {strides = array<i32>} : memref<64x256xf32, #tpu.memory_space<vmem>>, vector<1x16xf32>,
        %get3A_561 = arith.index_cast %scan3A_410 : i32 to index
        %get3A_562 = arith.constant 240 : index
        %get3A_563 = tpu.vector_load %arg7[%get3A_561, %get3A_562] {strides = array<i32>} : memref<64x256xf32, #tpu.memory_space<vmem>>, vector<1x16xf32>,
        %get3A_564 = vector.shape_cast %get3A_563 : vector<1x16xf32> to vector<16xf32>
        %add3A_565 = arith.addf %add3A_403, %get3A_564 : vector<16xf32>
        %swap3A_566 = arith.index_cast %scan3A_410 : i32 to index
        %swap3A_567 = arith.constant 240 : index
        %swap3A_568 = tpu.vector_load %arg7[%swap3A_566, %swap3A_567] {strides = array<i32>} : memref<64x256xf32, #tpu.memory_space<vmem>>, vector<1x16xf32>,
        %swap3A_569 = vector.shape_cast %swap3A_568 : vector<1x16xf32> to vector<16xf32>
        %swap3A_570 = vector.shape_cast %add3A_565 : vector<16xf32> to vector<1x16xf32>
        tpu.vector_store %arg7[%swap3A_566, %swap3A_567], %swap3A_570 {strides = array<i32>} : memref<64x256xf32, #tpu.memory_space<vmem>>, vector<1x16xf32>,
        scf.yield %add3A_415, %add3A_425, %add3A_435, %add3A_445, %add3A_455, %add3A_465, %add3A_475, %add3A_485, %add3A_495, %add3A_505, %add3A_515, %add3A_525, %add3A_535, %add3A_545, %add3A_555, %add3A_565 : vector<16xf32>, vector<16xf32>, vector<16xf32>, vector<16xf32>, vector<16xf32>, vector<16xf32>, vector<16xf32>, vector<16xf32>, vector<16xf32>, vector<16xf32>, vector<16xf32>, vector<16xf32>, vector<16xf32>, vector<16xf32>, vector<16xf32>, vector<16xf32>
      }
      %scan3A_220 = arith.constant 64 : i32
      %mul3A_221 = arith.constant 64 : i32
      %mul3A_222 = arith.muli %add3A_208, %mul3A_221 : i32
      %dma_start3A_223 = tpu.memref_slice %arg3[%select_n3A, %mul3A_222, %mul3A_32] : memref<4x8192x2048xf32, #tpu.memory_space<hbm>> -> memref<1x64x256xf32, #tpu.memory_space<hbm>>
      %dma_start3A_224 = tpu.memref_squeeze %dma_start3A_223 : memref<1x64x256xf32, #tpu.memory_space<hbm>> -> memref<64x256xf32, #tpu.memory_space<hbm>>
      %dma_start3A_225 = tpu.memref_slice %arg3[%select_n3A, %mul3A_222, %mul3A_32] : memref<4x8192x2048xf32, #tpu.memory_space<hbm>> -> memref<1x64x256xf32, #tpu.memory_space<hbm>>
      %dma_start3A_226 = tpu.memref_squeeze %dma_start3A_225 : memref<1x64x256xf32, #tpu.memory_space<hbm>> -> memref<64x256xf32, #tpu.memory_space<hbm>>
      tpu.enqueue_dma source(%arg7 : memref<64x256xf32, #tpu.memory_space<vmem>>) target(%dma_start3A_226 : memref<64x256xf32, #tpu.memory_space<hbm>>) target_semaphore(%arg9 : memref<!tpu.dma_semaphore, #tpu.memory_space<semaphore_mem>>)
      %add3A_227 = arith.constant 3 : i32
      %add3A_228 = arith.addi %add3A_208, %add3A_227 : i32
      %lt3A_229 = arith.constant 128 : i32
      %lt3A_230 = arith.cmpi slt, %add3A_228, %lt3A_229 : i32
      %convert_element_type3A_231 = arith.extui %lt3A_230 : i1 to i32
      %cond3A_232 = arith.constant 0 : i32
      %cond3A_233 = arith.cmpi ne, %convert_element_type3A_231, %cond3A_232 : i32
      scf.if %cond3A_233 {
        %ge3A = arith.constant 1 : i32
        %ge3A_234 = arith.cmpi sge, %add3A_208, %ge3A : i32
        %convert_element_type3A_235 = arith.extui %ge3A_234 : i1 to i32
        %cond3A_236 = arith.constant 0 : i32
        %cond3A_237 = arith.cmpi ne, %convert_element_type3A_235, %cond3A_236 : i32
        scf.if %cond3A_237 {
          %dma_wait3A_246 = arith.constant 0 : i32
          %dma_wait3A_247 = tpu.memref_slice %arg3[%select_n3A, %dma_wait3A_246, %mul3A_32] : memref<4x8192x2048xf32, #tpu.memory_space<hbm>> -> memref<1x64x256xf32, #tpu.memory_space<hbm>>
          %dma_wait3A_248 = tpu.memref_squeeze %dma_wait3A_247 : memref<1x64x256xf32, #tpu.memory_space<hbm>> -> memref<64x256xf32, #tpu.memory_space<hbm>>
          %dma_wait3A_249 = arith.constant 0 : i32
          %dma_wait3A_250 = tpu.memref_slice %arg3[%select_n3A, %dma_wait3A_249, %mul3A_32] : memref<4x8192x2048xf32, #tpu.memory_space<hbm>> -> memref<1x64x256xf32, #tpu.memory_space<hbm>>
          %dma_wait3A_251 = tpu.memref_squeeze %dma_wait3A_250 : memref<1x64x256xf32, #tpu.memory_space<hbm>> -> memref<64x256xf32, #tpu.memory_space<hbm>>
          tpu.wait_dma2 semaphore(%arg9 : memref<!tpu.dma_semaphore, #tpu.memory_space<semaphore_mem>>) src(%arg6 : memref<64x256xf32, #tpu.memory_space<vmem>>) dst(%dma_wait3A_251 : memref<64x256xf32, #tpu.memory_space<hbm>>)
        } else {
        }
        %add3A_238 = arith.constant 3 : i32
        %add3A_239 = arith.addi %add3A_208, %add3A_238 : i32
        %mul3A_240 = arith.constant 64 : i32
        %mul3A_241 = arith.muli %add3A_239, %mul3A_240 : i32
        %dma_start3A_242 = tpu.memref_slice %arg2[%select_n3A, %mul3A_241, %mul3A_32] : memref<4x8192x2048xf32, #tpu.memory_space<hbm>> -> memref<1x64x256xf32, #tpu.memory_space<hbm>>
        %dma_start3A_243 = tpu.memref_squeeze %dma_start3A_242 : memref<1x64x256xf32, #tpu.memory_space<hbm>> -> memref<64x256xf32, #tpu.memory_space<hbm>>
        %dma_start3A_244 = tpu.memref_slice %arg2[%select_n3A, %mul3A_241, %mul3A_32] : memref<4x8192x2048xf32, #tpu.memory_space<hbm>> -> memref<1x64x256xf32, #tpu.memory_space<hbm>>
        %dma_start3A_245 = tpu.memref_squeeze %dma_start3A_244 : memref<1x64x256xf32, #tpu.memory_space<hbm>> -> memref<64x256xf32, #tpu.memory_space<hbm>>
        tpu.enqueue_dma source(%dma_start3A_245 : memref<64x256xf32, #tpu.memory_space<hbm>>) target(%arg6 : memref<64x256xf32, #tpu.memory_space<vmem>>) target_semaphore(%arg8 : memref<!tpu.dma_semaphore, #tpu.memory_space<semaphore_mem>>)
      } else {
      }
      scf.yield %scan3A_219#0, %scan3A_219#1, %scan3A_219#2, %scan3A_219#3, %scan3A_219#4, %scan3A_219#5, %scan3A_219#6, %scan3A_219#7, %scan3A_219#8, %scan3A_219#9, %scan3A_219#10, %scan3A_219#11, %scan3A_219#12, %scan3A_219#13, %scan3A_219#14, %scan3A_219#15 : vector<16xf32>, vector<16xf32>, vector<16xf32>, vector<16xf32>, vector<16xf32>, vector<16xf32>, vector<16xf32>, vector<16xf32>, vector<16xf32>, vector<16xf32>, vector<16xf32>, vector<16xf32>, vector<16xf32>, vector<16xf32>, vector<16xf32>, vector<16xf32>
    }
    %scan3A_85 = arith.constant 32 : i32
    %dma_wait3A = arith.constant 0 : i32
    %dma_wait3A_86 = tpu.memref_slice %arg3[%select_n3A, %dma_wait3A, %mul3A_32] : memref<4x8192x2048xf32, #tpu.memory_space<hbm>> -> memref<1x64x256xf32, #tpu.memory_space<hbm>>
    %dma_wait3A_87 = tpu.memref_squeeze %dma_wait3A_86 : memref<1x64x256xf32, #tpu.memory_space<hbm>> -> memref<64x256xf32, #tpu.memory_space<hbm>>
    %dma_wait3A_88 = arith.constant 0 : i32
    %dma_wait3A_89 = tpu.memref_slice %arg3[%select_n3A, %dma_wait3A_88, %mul3A_32] : memref<4x8192x2048xf32, #tpu.memory_space<hbm>> -> memref<1x64x256xf32, #tpu.memory_space<hbm>>
    %dma_wait3A_90 = tpu.memref_squeeze %dma_wait3A_89 : memref<1x64x256xf32, #tpu.memory_space<hbm>> -> memref<64x256xf32, #tpu.memory_space<hbm>>
    tpu.wait_dma2 semaphore(%arg9 : memref<!tpu.dma_semaphore, #tpu.memory_space<semaphore_mem>>) src(%arg5 : memref<64x256xf32, #tpu.memory_space<vmem>>) dst(%dma_wait3A_90 : memref<64x256xf32, #tpu.memory_space<hbm>>)
    %dma_wait3A_91 = arith.constant 0 : i32
    %dma_wait3A_92 = tpu.memref_slice %arg3[%select_n3A, %dma_wait3A_91, %mul3A_32] : memref<4x8192x2048xf32, #tpu.memory_space<hbm>> -> memref<1x64x256xf32, #tpu.memory_space<hbm>>
    %dma_wait3A_93 = tpu.memref_squeeze %dma_wait3A_92 : memref<1x64x256xf32, #tpu.memory_space<hbm>> -> memref<64x256xf32, #tpu.memory_space<hbm>>
    %dma_wait3A_94 = arith.constant 0 : i32
    %dma_wait3A_95 = tpu.memref_slice %arg3[%select_n3A, %dma_wait3A_94, %mul3A_32] : memref<4x8192x2048xf32, #tpu.memory_space<hbm>> -> memref<1x64x256xf32, #tpu.memory_space<hbm>>
    %dma_wait3A_96 = tpu.memref_squeeze %dma_wait3A_95 : memref<1x64x256xf32, #tpu.memory_space<hbm>> -> memref<64x256xf32, #tpu.memory_space<hbm>>
    tpu.wait_dma2 semaphore(%arg9 : memref<!tpu.dma_semaphore, #tpu.memory_space<semaphore_mem>>) src(%arg6 : memref<64x256xf32, #tpu.memory_space<vmem>>) dst(%dma_wait3A_96 : memref<64x256xf32, #tpu.memory_space<hbm>>)
    %dma_wait3A_97 = arith.constant 0 : i32
    %dma_wait3A_98 = tpu.memref_slice %arg3[%select_n3A, %dma_wait3A_97, %mul3A_32] : memref<4x8192x2048xf32, #tpu.memory_space<hbm>> -> memref<1x64x256xf32, #tpu.memory_space<hbm>>
    %dma_wait3A_99 = tpu.memref_squeeze %dma_wait3A_98 : memref<1x64x256xf32, #tpu.memory_space<hbm>> -> memref<64x256xf32, #tpu.memory_space<hbm>>
    %dma_wait3A_100 = arith.constant 0 : i32
    %dma_wait3A_101 = tpu.memref_slice %arg3[%select_n3A, %dma_wait3A_100, %mul3A_32] : memref<4x8192x2048xf32, #tpu.memory_space<hbm>> -> memref<1x64x256xf32, #tpu.memory_space<hbm>>
    %dma_wait3A_102 = tpu.memref_squeeze %dma_wait3A_101 : memref<1x64x256xf32, #tpu.memory_space<hbm>> -> memref<64x256xf32, #tpu.memory_space<hbm>>
    tpu.wait_dma2 semaphore(%arg9 : memref<!tpu.dma_semaphore, #tpu.memory_space<semaphore_mem>>) src(%arg7 : memref<64x256xf32, #tpu.memory_space<vmem>>) dst(%dma_wait3A_102 : memref<64x256xf32, #tpu.memory_space<hbm>>)
    %dma_wait3A_103 = arith.constant 0 : i32
    %dma_wait3A_104 = tpu.memref_slice %arg3[%select_n3A, %dma_wait3A_103, %mul3A_32] : memref<4x8192x2048xf32, #tpu.memory_space<hbm>> -> memref<1x64x256xf32, #tpu.memory_space<hbm>>
    %dma_wait3A_105 = tpu.memref_squeeze %dma_wait3A_104 : memref<1x64x256xf32, #tpu.memory_space<hbm>> -> memref<64x256xf32, #tpu.memory_space<hbm>>
    %dma_wait3A_106 = arith.constant 0 : i32
    %dma_wait3A_107 = tpu.memref_slice %arg3[%select_n3A, %dma_wait3A_106, %mul3A_32] : memref<4x8192x2048xf32, #tpu.memory_space<hbm>> -> memref<1x64x256xf32, #tpu.memory_space<hbm>>
    %dma_wait3A_108 = tpu.memref_squeeze %dma_wait3A_107 : memref<1x64x256xf32, #tpu.memory_space<hbm>> -> memref<64x256xf32, #tpu.memory_space<hbm>>
    tpu.wait_dma2 semaphore(%arg9 : memref<!tpu.dma_semaphore, #tpu.memory_space<semaphore_mem>>) src(%arg4 : memref<64x256xf32, #tpu.memory_space<vmem>>) dst(%dma_wait3A_108 : memref<64x256xf32, #tpu.memory_space<hbm>>)
    return
  }
}

</mosaic_0001>

<sc_bundles>
// kernel: kernel.3.cloned.1.call-start
scs
__scs_entry_jumppad:
0x0: {  	(pc) =	sbr.rel $0x88, $3  }
0x1: {  	(tag) =	ssettag $0x0;
	lr =	simm.s32 $0x1  }
0x2: {  	[smem:$0x3FA0] =	sst lr;
	_ =	strace $0xD0000000  }
0x3: {  	_ = 	snop  }
0x4: {  	_ = 	snop  }
0x5: {  	_ = 	snop  }
0x6: {  	_ = 	snop  }
0x7: {  	_ = 	snop  }
__scs_overlays_trampoline_lowered:
0x8: {  	[smem:$0x3FAF] =	sst s0  }
0x9: {  	[smem:$0x3FB0] =	sst s1  }
0xa: {  	[smem:$0x3FB1] =	sst s2  }
0xb: {  	[smem:$0x3FB2] =	sst s3  }
0xc: {  	[smem:$0x3FB3] =	sst s4  }
0xd: {  	[smem:$0x3FB4] =	sst s5  }
0xe: {  	[smem:$0x3FB5] =	sst s6  }
0xf: {  	[smem:$0x3FB6] =	sst s7  }
0x10: {  	[smem:$0x3FB7] =	sst s8  }
0x11: {  	[smem:$0x3FB8] =	sst s9;
	s0 =	simm.s32 @!p0 $0x0  }
0x12: {  	s1 =	sld [smem:$0x3F9E];
	s0 =	simm.s32 @p0 $0x1  }
0x13: {  	[smem:$0x3FB9] =	sst s0;
	s0 =	simm.s32 @!p1 $0x0  }
0x14: {  	s2 =	sld [smem:$0x3F9D];
	s0 =	simm.s32 @p1 $0x1  }
0x15: {  	[smem:$0x3FBA] =	sst s0;
	s0 =	simm.s32 @!p2 $0x0  }
0x16: {  	s3 =	sld [smem:$0x3FDB];
	s0 =	simm.s32 @p2 $0x1  }
0x17: {  	s4 =	simm.s32 $0x1BF5;
	[smem:$0x3FBC] =	sst s0  }
0x18: {  	s0 =	sld [smem:$0x3F9F];
	_ =	swait.ge [sflag:s4], $0x0  }
0x19: {  	s7 =	sld [smem:$0x3FA0]  }
0x1a: {  	s8 =	sadd.s32 $0xFFFFE003, lr  }
0x1b: {  	s9 =	sadd.s32 $0xFFFFFEF7, lr;
	s5 =	simm.s32 $0xFFFFFFFF;
	p2 =	slt.u32 s8, $0xFFFFF086  }
0x1c: {  	p1 =	slt.u32 s9, $0xF7A;
	s5 =	simm.s32 @!p2 $0x0  }
0x1d: {  	s5 =	simm.s32 @p1 $0x1;
	p0 =	seq.s32 s7, s2  }
0x1e: {  	s7 =	smul.u32 @!p0 $0xF7A, s2;
	p2 =	seq.s32 @!p0 s5, $0x0  }
0x1f: {  	s9 =	smul.u32 $0xF7A, s1;
	s8 =	simm.s32 @!p0 $0x1BF5;
	p2 =	por !p2, p0  }
0x20: {  	[sflag:s8] =	ssyncset.s32 @!p0 $0xFFFFF086;
	s6 =	sadd.s32 @!p0 s3, s7;
	s7 =	simm.s32 @!p0 $0x108  }
0x21: {  	s3 =	sadd.s32 s3, s9;
	s6 =	sadd.s32 @!p0 $0x88, s6;
	s7 =	simm.s32 @p2 $0x1082  }
0x22: {  	[simem:s7], [sflag:s8] =	dma.local @!p0 [hbm:s6], $0xF7A  }
0x23: {  	s9 =	sor.u32 $0xD0000000, s2;
	s6 =	simm.s32 $0x108;
	_ =	swait.ge @!p0 [sflag:s8], $0x0  }
0x24: {  	s3 =	sadd.s32 $0x88, s3;
	s6 =	simm.s32 @!p1 $0x1082;
	[sflag:s4] =	ssyncset.s32 $0xFFFFF086  }
0x25: {  	[simem:s6], [sflag:s4] =	dma.local [hbm:s3], $0xF7A  }
0x26: {  	[smem:$0x3FA0] =	sst s1;
	(tag) =	ssettag s2;
	_ =	strace s9  }
0x27: {  	s1 =	sld [smem:$0x3FB0]  }
0x28: {  	s2 =	sld [smem:$0x3FB1]  }
0x29: {  	s4 =	sld [smem:$0x3FB3]  }
0x2a: {  	p0 =	seq.s32 s5, $0x0;
	s5 =	sld [smem:$0x3FB4]  }
0x2b: {  	s6 =	sld [smem:$0x3FB5]  }
0x2c: {  	s7 =	sld [smem:$0x3FB6]  }
0x2d: {  	s3 =	simm.s32 $0x108;
	s8 =	sld [smem:$0x3FB7]  }
0x2e: {  	s3 =	simm.s32 @!p0 $0x1082;
	s9 =	sld [smem:$0x3FB8]  }
0x2f: {  	lr =	sadd.s32 s0, s3;
	s0 =	sld [smem:$0x3FAF]  }
0x30: {  	s3 =	sld [smem:$0x3FB2]  }
0x31: {  	[smem:$0x3FBB] =	sst s10  }
0x32: {  	s10 =	sld [smem:$0x3FB9];
	_ =	sdelay $0x3  }
0x33: {  	p0 =	seq.s32 s10, $0x1;
	s10 =	sld [smem:$0x3FBB];
	_ =	sdelay $0x3  }
0x34: {  	[smem:$0x3FBB] =	sst s10  }
0x35: {  	s10 =	sld [smem:$0x3FBA];
	_ =	sdelay $0x3  }
0x36: {  	p1 =	seq.s32 s10, $0x1;
	s10 =	sld [smem:$0x3FBB];
	_ =	sdelay $0x3  }
0x37: {  	[smem:$0x3FBB] =	sst s10  }
0x38: {  	s10 =	sld [smem:$0x3FBC]  }
0x39: {  	_ = 	snop;
	(pc) =	sbr.ind lr, $3  }
0x3a: {  	_ = 	snop  }
0x3b: {  	_ = 	snop  }
0x3c: {  	p2 =	seq.s32 s10, $0x1;
	s10 =	sld [smem:$0x3FBB]  }
0x3d: {  	_ =	shalt  }
0x3e: {  	_ =	shalt  }
0x3f: {  	_ =	shalt  }
0x40: {  	_ =	shalt  }
0x41: {  	_ =	shalt  }
0x42: {  	_ =	shalt  }
0x43: {  	_ =	shalt  }
0x44: {  	_ =	shalt  }
0x45: {  	_ =	shalt  }
0x46: {  	_ =	shalt  }
0x47: {  	_ =	shalt  }
0x48: {  	_ =	shalt  }
0x49: {  	_ =	shalt  }
0x4a: {  	_ =	shalt  }
0x4b: {  	_ =	shalt  }
0x4c: {  	_ =	shalt  }
0x4d: {  	_ =	shalt  }
0x4e: {  	_ =	shalt  }
0x4f: {  	_ =	shalt  }
0x50: {  	_ =	shalt  }
0x51: {  	_ =	shalt  }
0x52: {  	_ =	shalt  }
0x53: {  	_ =	shalt  }
0x54: {  	_ =	shalt  }
0x55: {  	_ =	shalt  }
0x56: {  	_ =	shalt  }
0x57: {  	_ =	shalt  }
0x58: {  	_ =	shalt  }
0x59: {  	_ =	shalt  }
0x5a: {  	_ =	shalt  }
0x5b: {  	_ =	shalt  }
0x5c: {  	_ =	shalt  }
0x5d: {  	_ =	shalt  }
0x5e: {  	_ =	shalt  }
0x5f: {  	_ =	shalt  }
0x60: {  	_ =	shalt  }
0x61: {  	_ =	shalt  }
0x62: {  	_ =	shalt  }
0x63: {  	_ =	shalt  }
0x64: {  	_ =	shalt  }
0x65: {  	_ =	shalt  }
0x66: {  	_ =	shalt  }
0x67: {  	_ =	shalt  }
0x68: {  	_ =	shalt  }
0x69: {  	_ =	shalt  }
0x6a: {  	_ =	shalt  }
0x6b: {  	_ =	shalt  }
0x6c: {  	_ =	shalt  }
0x6d: {  	_ =	shalt  }
0x6e: {  	_ =	shalt  }
0x6f: {  	_ =	shalt  }
0x70: {  	_ =	shalt  }
0x71: {  	_ =	shalt  }
0x72: {  	_ =	shalt  }
0x73: {  	_ =	shalt  }
0x74: {  	_ =	shalt  }
0x75: {  	_ =	shalt  }
0x76: {  	_ =	shalt  }
0x77: {  	_ =	shalt  }
0x78: {  	_ =	shalt  }
0x79: {  	_ =	shalt  }
0x7a: {  	_ =	shalt  }
0x7b: {  	_ =	shalt  }
0x7c: {  	_ =	shalt  }
0x7d: {  	_ =	shalt  }
0x7e: {  	_ =	shalt  }
0x7f: {  	_ =	shalt  }
0x80: {  	_ =	shalt  }
0x81: {  	_ =	shalt  }
0x82: {  	_ =	shalt  }
0x83: {  	_ =	shalt  }
0x84: {  	_ =	shalt  }
0x85: {  	_ =	shalt  }
0x86: {  	_ =	shalt  }
0x87: {  	_ =	shalt  }
.Lfunc_end0:
.L_simem_size_0:
called_computation_lowered:
.L_overlay_start_0:
0x88: {  	s2 =	sld [smem:$0x3FD9]  }
0x89: {  	s3 =	sld [smem:$0x3FFE];
	_ =	sdelay $0x1  }
0x8a: {  	s1 =	srdreg.scid  }
0x8b: {  	s0 =	sand.u32 $0x1, s1  }
0x8c: {  	s18 =	sshll.u32 s0, $0xA;
	s2 =	sadd.s32 s3, s2  }
0x8d: {  	s2 =	sadd.s32 s2, s18  }
0x8e: {  	[smem:$0x3FC7] =	sst s2  }
0x8f: {  	_ = 	snop  }
0x90: {  	s2 =	sld [smem:$0x3FC9]  }
0x91: {  	s19 =	sld [smem:$0x3FD0];
	(tm) =	ssettm $0x1  }
0x92: {  	s4 =	sld [smem:$0x3FFB];
	_ =	sdelay $0x3  }
0x93: {  	_ =	strace s4  }
0x94: {  	s4 =	sld [smem:$0x3FFC];
	_ =	sdelay $0x3  }
0x95: {  	_ =	strace s4  }
0x96: {  	s4 =	sld [smem:$0x3FFD];
	_ =	sdelay $0x3  }
0x97: {  	_ =	strace s4  }
0x98: {  	_ =	strace $0x8FFFFFFF  }
0x99: {  	s20 =	sld [smem:$0x3FDB];
	_ =	sdelay $0x1  }
0x9a: {  	s5 =	simm.s32 $_scs_section_size  }
0x9b: {  	s6 =	simm.s32 $_size__tile_overlayer_lowered;
	s7 =	simm.s32 $_tile_overlayer_lowered  }
0x9c: {  	s23 =	simm.s32 $0x1BFF;
	s22 =	sshll.u32 s7, $0x1;
	s4 =	sadd.s32 s5, s20  }
0x9d: {  	s8 =	simm.s32 $0x0;
	s21 =	sshll.u32 s6, $0x1;
	s6 =	sadd.s32 s22, s4  }
0x9e: {  	[timem:s8], [sflag:s23] =	dma.local [hbm:s6], s21  }
0x9f: {  	_ =	swait.ge [sflag:s23], s21  }
0xa0: {  	s5 =	ssub.s32 $0x0, s21;
	[sflag:s23] =	ssyncset.done $0x0  }
0xa1: {  	[sflag:s23] =	ssyncadd.s32 s5;
	_ =	sdelay $0x1  }
0xa2: {  	s24 =	simm.s32 $0x1B8B  }
0xa3: {  	_ =	swait.ge [sflag:s24], $0x1  }
0xa4: {  	[sflag:s24] =	ssyncset.done $0x0  }
0xa5: {  	s25 =	simm.s32 $0x1B8E;
	[sflag:s24] =	ssyncadd.s32 $0xFFFFFFFF  }
0xa6: {  	s26 =	simm.s32 $execute0_lowered;
	[smem:$0x3FD2] =	sst s25  }
0xa7: {  	s5 =	sshll.u32 s26, $0x1;
	_ =	strace $0x80000046;
	[dreg:$0x1] =	wrdreg $0xFFFFFFFF  }
0xa8: {  	s28 =	simm.s32 $_size_execute0_lowered;
	s4 =	sadd.s32 s4, s5;
	[dreg:$0x0] =	wrdreg $0x0  }
0xa9: {  	s5 =	sshll.u32 s28, $0x1;
	[dreg:$0x2] =	wrdreg s4  }
0xaa: {  	[dreg:$0x3] =	wrdreg s5  }
0xab: {  	[dreg:$0x4] =	wrdreg $0xC0  }
0xac: {  	_ =	task [dreg:s8], $0x5FFFF  }
0xad: {  	[dreg:$0x1] =	wrdreg $0xFFFFFFFF  }
0xae: {  	[dreg:$0x0] =	wrdreg $0x60  }
0xaf: {  	[dreg:$0x2] =	wrdreg s2  }
0xb0: {  	[dreg:$0x3] =	wrdreg s19  }
0xb1: {  	[dreg:$0x4] =	wrdreg $0x9  }
0xb2: {  	_ =	task.clear_ibuf [dreg:s8], $0x5FFFF;
	_ =	strace $0x90000046  }
0xb3: {  	s29 =	simm.s32 $0x9;
	_ =	strace $0x80000048  }
0xb4: {  	_ =	swait.ge [sflag:s29], $0x1  }
0xb5: {  	[sflag:s29] =	ssyncadd.s32 $0xFFFFFFFF  }
0xb6: {  	_ =	strace $0x90000048  }
0xb7: {  	_ =	sfence  }
0xb8: {  	s30 =	sld [smem:$0x0];
	_ =	sdelay $0x2  }
0xb9: {  	s31 =	sshll.u32 s1, $0xD;
	s1 =	sshrl.u32 s1, $0x2  }
0xba: {  	s3 =	sand.u32 $0x4000, s31;
	s1 =	sadd.s32 s1, s30  }
0xbb: {  	s0 =	sor.u32 s3, s0;
	s1 =	sshll.u32 s1, $0x11  }
0xbc: {  	s0 =	sor.u32 s1, s0  }
0xbd: {  	s0 =	sadd.s32 $0x8F2B, s0  }
0xbe: {  	[sflag:s0] =	ssyncadd.remote.s32 $0x1  }
0xbf: {  	_ =	sfence.sel $0xFFFF  }
0xc0: {  	[dreg:$0x0] =	wrdreg $0xFFFFFFFF;
	(pc) =	sbr.abs _section_cstart, $3  }
0xc1: {  	[dreg:$0x1] =	wrdreg $0xFFFFFFFF  }
0xc2: {  	_ =	task.clear_ibuf [dreg:s8], $0x2FFFF;
	_ =	strace $0x9FFFFFFF  }
0xc3: {  	(tm) =	ssettm $0x7FFFFFFF  }
tec
execute0_lowered:
.L_overlay_start_1:
0x0: {  	(tag) =	ssettag $0x1  }
0x1: {  	s0 =	stileid.u32  }
0x2: {  	s1 =	srdreg.scid;
	s3 =	rddreg [dreg:$0x1]  }
0x3: {  	s14 =	simm.s32 $0x800;
	s15 =	simm.s32 $0x4000;
	s16 =	simm.s32 $0x8000  }
0x4: {  	s17 =	simm.s32 $0x1;
	s18 =	simm.s32 $0xC000;
	s19 =	simm.s32 $0x2  }
0x5: {  	s20 =	simm.s32 $0x0;
	s2 =	sshll.u32 s0, $0x1;
	s6 =	sand.u32 $0x1, s1  }
0x6: {  	s4 =	sshll.u32 s0, $0x16;
	s29 =	sand.u32 $0x6, s2;
	s2 =	rddreg [dreg:$0x0]  }
0x7: {  	s7 =	sand.u32 $0x3000000, s4;
	s4 =	simm.s32 $0x0;
	s30 =	ssub.s32 $0x2, s6  }
0x8: {  	s1 =	sor.u32 s6, s29;
	[smem:$0x7FF] =	sst s4;
	s8 =	sshrl.u32 s30, $0x1  }
.Ltmp0:
0x9: {  	s5 =	sshll.u32 s1, $0xB;
	s1 =	rddreg [dreg:$0x2];
	(pc) =	sbr.rel .LBB2_1-.Ltmp0, $4  }
0xa: {  	_ =	strace $0x80000047;
	s13 =	ssub.s32 s30, s8;
	s5 =	sor.u32 s7, s5  }
0xb: {  	s13 =	smax.u32 s13, $0x1;
	s31 =	sshrl.u32 s5, $0x3;
	s9 =	sor.u32 $0x60000, s5  }
0xc: {  	s10 =	sor.u32 $0x80000, s5;
	s11 =	sor.u32 $0xA0000, s5;
	s6 =	sadd.s32 s2, s31  }
0xd: {  	s12 =	sor.u32 $0xC0000, s5;
	s7 =	sadd.s32 $0x4000, s6;
	s8 =	sadd.s32 $0x8000, s6  }
.LBB2_12:
0xe: {  	_ =	swait.ge [sflag:s19], $0x4000  }
0xf: {  	[sflag:s19] =	ssyncset.done $0x0  }
0x10: {  	s20 =	sadd.s32 $0x1, s20;
	[sflag:s19] =	ssyncadd.s32 $0xFFFFC000  }
0x11: {  	p0 =	sne.s32 s20, s13;
	_ =	swait.ge [sflag:s19], $0x4000  }
.Ltmp1:
0x12: {  	[sflag:s19] =	ssyncset.done $0x0;
	(pc) =	sbr.rel @!p0 .LBB2_13-.Ltmp1, $4  }
0x13: {  	[sflag:s19] =	ssyncadd.s32 $0xFFFFC000  }
0x14: {  	_ =	swait.ge [sflag:s19], $0x4000  }
0x15: {  	[sflag:s19] =	ssyncset.done $0x0  }
0x16: {  	[sflag:s19] =	ssyncadd.s32 $0xFFFFC000  }
.LBB2_1:
0x17: {  	v0 =	vimm.f32 $0.0e+00  }
0x18: {  	[tilespmem:s4], [sflag:$0x1] =	stream.strided.gather [hbm4b:s6+s14], $0x4000, s15, s14, $0x38;
	v1 =	vimm.f32 $0.0e+00;
	v2 =	vimm.f32 $0.0e+00;
	v12 =	vimm.f32 $0.0e+00;
	[tilespmem:$0x10000] =	vst v63  }
0x19: {  	v7 =	vimm.f32 $0.0e+00;
	v9 =	vimm.f32 $0.0e+00;
	v11 =	vimm.f32 $0.0e+00  }
0x1a: {  	v10 =	vimm.f32 $0.0e+00;
	v13 =	vimm.f32 $0.0e+00;
	v16 =	vimm.f32 $0.0e+00;
	[tilespmem:s15], [sflag:$0x1] =	stream.strided.gather [hbm4b:s7+s14], $0x4000, s15, s14, $0x38;
	[tilespmem:$0x10000] =	vst v63  }
0x1b: {  	v3 =	vimm.f32 $0.0e+00;
	v15 =	vimm.f32 $0.0e+00;
	v14 =	vimm.f32 $0.0e+00;
	s21 =	simm.s32 $0x0  }
0x1c: {  	v4 =	vimm.f32 $0.0e+00;
	v6 =	vimm.f32 $0.0e+00;
	v5 =	vimm.f32 $0.0e+00;
	[tilespmem:s16], [sflag:$0x1] =	stream.strided.gather [hbm4b:s8+s14], $0x4000, s15, s14, $0x38;
	[tilespmem:$0x10000] =	vst v63  }
.LBB2_2:
0x1d: {  	_ =	swait.ge [sflag:s17], $0x4000;
	s22 =	simm.s32 $0x0  }
0x1e: {  	[sflag:s17] =	ssyncset.done $0x0;
	s23 =	sand.u32 $0x3800, s22;
	s22 =	sand.u32 $0x300, s22  }
0x1f: {  	[sflag:s17] =	ssyncadd.s32 $0xFFFFC000;
	s23 =	sor.u32 s22, s23  }
0x20: {  	v8 =	vld [tilespmem:s23+$0x4F0]  }
0x21: {  	v17 =	vld [tilespmem:s23+$0x4E0]  }
0x22: {  	v18 =	vld [tilespmem:s23+$0x10]  }
0x23: {  	v23 =	vld [tilespmem:s23+$0x490]  }
0x24: {  	v19 =	vld [tilespmem:s23+$0x4D0]  }
0x25: {  	v20 =	vld [tilespmem:s23+$0x4A0]  }
0x26: {  	v21 =	vld [tilespmem:s23+$0x470]  }
0x27: {  	v22 =	vld [tilespmem:s23+$0x430]  }
0x28: {  	v24 =	vld [tilespmem:s23+$0x450]  }
0x29: {  	v25 =	vld [tilespmem:s23+$0x460]  }
0x2a: {  	v26 =	vld [tilespmem:s23+$0x20]  }
0x2b: {  	v27 =	vld [tilespmem:s23+$0x40]  }
0x2c: {  	v28 =	vld [tilespmem:s23+$0x30]  }
0x2d: {  	v61 =	vld [tilespmem:s23+$0x420]  }
0x2e: {  	v31 =	vld [tilespmem:s23+$0x410];
	v2 =	vadd.f32 v24, v2  }
0x2f: {  	v62 =	vld [tilespmem:s23+$0x60];
	v1 =	vadd.f32 v25, v1  }
0x30: {  	v29 =	vld [tilespmem:s23+$0x4B0];
	v22 =	vadd.f32 v22, v7;
	[tilespmem:s23+$0x450] =	vst v2  }
0x31: {  	v30 =	vld [tilespmem:s23+$0x90];
	v21 =	vadd.f32 v21, v0;
	[tilespmem:s23+$0x460] =	vst v1  }
0x32: {  	v60 =	vld [tilespmem:s23+$0x440];
	v9 =	vadd.f32 v61, v9;
	[tilespmem:s23+$0x430] =	vst v22  }
0x33: {  	v32 =	vld [tilespmem:s23+$0xA0];
	v11 =	vadd.f32 v31, v11;
	[tilespmem:s23+$0x470] =	vst v21  }
0x34: {  	v63 =	vld [tilespmem:s23+$0x480];
	v26 =	vadd.f32 v26, v4;
	v16 =	vadd.f32 v62, v16;
	[tilespmem:s23+$0x420] =	vst v9  }
0x35: {  	v0 =	vadd.f32 v8, v21;
	v8 =	vadd.f32 v19, v2;
	v19 =	vld [tilespmem:s23+$0x400];
	[tilespmem:s23+$0x410] =	vst v11  }
0x36: {  	v7 =	vadd.f32 v17, v1;
	v17 =	vld [tilespmem:s23+$0x70];
	[tilespmem:s23+$0x20] =	vst v26  }
0x37: {  	v2 =	vld [tilespmem:s23+$0xB0];
	[tilespmem:s23+$0x60] =	vst v16  }
0x38: {  	v15 =	vadd.f32 v27, v15;
	v21 =	vadd.f32 v18, v6;
	v18 =	vld [tilespmem:s23+$0x4C0];
	[tilespmem:s23+$0x4F0] =	vst v0  }
0x39: {  	v1 =	vadd.f32 v28, v14;
	v9 =	vadd.f32 v20, v9;
	v20 =	vld [tilespmem:s23+$0xD0];
	[tilespmem:s23+$0x4D0] =	vst v8  }
0x3a: {  	v6 =	vadd.f32 v32, v26;
	[tilespmem:s23+$0x4E0] =	vst v7;
	v10 =	vadd.f32 v19, v10;
	v19 =	vld [tilespmem:s23+$0xC0]  }
0x3b: {  	v11 =	vadd.f32 v23, v11;
	v4 =	vadd.f32 v30, v21;
	[tilespmem:s23+$0x10] =	vst v21;
	v21 =	vld [tilespmem:s23+$0x50]  }
0x3c: {  	[tilespmem:s23+$0x30] =	vst v1;
	v14 =	vadd.f32 v17, v13;
	v17 =	vld [tilespmem:s23+$0xE0];
	v13 =	vadd.f32 v60, v12  }
0x3d: {  	s24 =	simm.s32 $0x100;
	s25 =	simm.s32 $0x200;
	s22 =	simm.s32 $0x0;
	v12 =	vadd.f32 v29, v22;
	v22 =	vld [tilespmem:s23+$0x0];
	[tilespmem:s23+$0x400] =	vst v10;
	v10 =	vadd.f32 v63, v10  }
.LBB2_3:
0x3e: {  	s26 =	sand.u32 $0x3800, s25;
	s28 =	sand.u32 $0x300, s24;
	s22 =	sadd.s32 $0x2, s22;
	[tilespmem:s23+$0x70] =	vst v14;
	v23 =	vld [tilespmem:s23+$0x80];
	v1 =	vadd.f32 v2, v1;
	v24 =	vadd.f32 v18, v13  }
0x3f: {  	s26 =	sor.u32 s28, s26;
	p0 =	slt.u32 s22, $0x3E;
	v25 =	vadd.f32 v19, v15;
	v2 =	vld [tilespmem:s23+$0xF0];
	[tilespmem:s23+$0x490] =	vst v11  }
0x40: {  	v18 =	vld [tilespmem:s26+$0x4F0];
	v3 =	vadd.f32 v21, v3;
	[tilespmem:s23+$0x4A0] =	vst v9  }
0x41: {  	v19 =	vld [tilespmem:s26+$0x4E0];
	[tilespmem:s23+$0x480] =	vst v10  }
0x42: {  	v21 =	vld [tilespmem:s26+$0x10];
	v5 =	vadd.f32 v22, v5;
	[tilespmem:s23+$0x50] =	vst v3;
	v3 =	vadd.f32 v20, v3  }
0x43: {  	v26 =	vld [tilespmem:s26+$0x490];
	[tilespmem:s23+$0x40] =	vst v15  }
0x44: {  	v16 =	vadd.f32 v17, v16;
	v15 =	vld [tilespmem:s26+$0x4D0];
	[tilespmem:s23+$0x0] =	vst v5;
	v5 =	vadd.f32 v23, v5  }
0x45: {  	v20 =	vld [tilespmem:s26+$0x4A0];
	[tilespmem:s23+$0xB0] =	vst v1  }
0x46: {  	v14 =	vadd.f32 v2, v14;
	v17 =	vld [tilespmem:s26+$0x470];
	[tilespmem:s23+$0xD0] =	vst v3  }
0x47: {  	v2 =	vld [tilespmem:s26+$0x430];
	[tilespmem:s23+$0xC0] =	vst v25  }
0x48: {  	v22 =	vld [tilespmem:s26+$0x450];
	[tilespmem:s23+$0x80] =	vst v5  }
0x49: {  	v23 =	vld [tilespmem:s26+$0x460];
	[tilespmem:s23+$0xE0] =	vst v16  }
0x4a: {  	v27 =	vld [tilespmem:s26+$0x20];
	[tilespmem:s23+$0x4B0] =	vst v12  }
0x4b: {  	v28 =	vld [tilespmem:s26+$0x40];
	v17 =	vadd.f32 v17, v0;
	[tilespmem:s23+$0x90] =	vst v4  }
0x4c: {  	v29 =	vld [tilespmem:s26+$0x30];
	[tilespmem:s23+$0xA0] =	vst v6  }
0x4d: {  	v12 =	vadd.f32 v2, v12;
	v30 =	vld [tilespmem:s26+$0x4B0];
	v0 =	vadd.f32 v18, v17;
	[tilespmem:s23+$0xF0] =	vst v14  }
0x4e: {  	v18 =	vld [tilespmem:s26+$0x90];
	[tilespmem:s23+$0x440] =	vst v13  }
0x4f: {  	v2 =	vadd.f32 v22, v8;
	v13 =	vld [tilespmem:s26+$0xA0];
	[tilespmem:s23+$0x4C0] =	vst v24;
	s23 =	smov.u32 s26  }
0x50: {  	v7 =	vadd.f32 v23, v7;
	v22 =	vld [tilespmem:s23+$0x440];
	[tilespmem:s23+$0x4F0] =	vst v0  }
0x51: {  	v23 =	vld [tilespmem:s23+$0x420];
	[tilespmem:s23+$0x450] =	vst v2  }
0x52: {  	v8 =	vadd.f32 v15, v2;
	v31 =	vld [tilespmem:s23+$0x410];
	[tilespmem:s23+$0x460] =	vst v7;
	v7 =	vadd.f32 v19, v7  }
0x53: {  	v15 =	vld [tilespmem:s23+$0x400];
	[tilespmem:s23+$0x430] =	vst v12  }
0x54: {  	v19 =	vld [tilespmem:s23+$0x70];
	[tilespmem:s23+$0x4D0] =	vst v8  }
0x55: {  	v1 =	vadd.f32 v29, v1;
	v2 =	vld [tilespmem:s23+$0xB0];
	[tilespmem:s23+$0x4E0] =	vst v7  }
0x56: {  	v21 =	vadd.f32 v21, v4;
	v29 =	vld [tilespmem:s23+$0x60];
	v9 =	vadd.f32 v23, v9;
	[tilespmem:s23+$0x470] =	vst v17  }
0x57: {  	v23 =	vadd.f32 v27, v6;
	[tilespmem:s23+$0x30] =	vst v1;
	v11 =	vadd.f32 v31, v11;
	v27 =	vld [tilespmem:s23+$0x480]  }
0x58: {  	v4 =	vadd.f32 v18, v21;
	v10 =	vadd.f32 v15, v10;
	[tilespmem:s23+$0x420] =	vst v9;
	v18 =	vld [tilespmem:s23+$0x4C0]  }
.Ltmp2:
0x59: {  	v6 =	vadd.f32 v13, v23;
	v14 =	vadd.f32 v19, v14;
	[tilespmem:s23+$0x410] =	vst v11;
	v17 =	vld [tilespmem:s23+$0xE0];
	(pc) =	sbr.rel @p0 .LBB2_3-.Ltmp2, $4  }
0x5a: {  	v13 =	vadd.f32 v22, v24;
	v9 =	vadd.f32 v20, v9;
	[tilespmem:s23+$0x400] =	vst v10;
	v19 =	vld [tilespmem:s23+$0xC0]  }
0x5b: {  	v12 =	vadd.f32 v30, v12;
	[tilespmem:s23+$0x10] =	vst v21;
	v21 =	vld [tilespmem:s23+$0x50];
	v16 =	vadd.f32 v29, v16  }
0x5c: {  	[tilespmem:s23+$0x20] =	vst v23;
	v20 =	vld [tilespmem:s23+$0xD0];
	v10 =	vadd.f32 v27, v10  }
0x5d: {  	s24 =	sadd.s32 $0x100, s24;
	s25 =	sadd.s32 $0x200, s25;
	v15 =	vadd.f32 v28, v25;
	v11 =	vadd.f32 v26, v11;
	v22 =	vld [tilespmem:s23+$0x0];
	[tilespmem:s23+$0x60] =	vst v16  }
0x5e: {  	[tilespmem:s23+$0x70] =	vst v14  }
0x5f: {  	[tilespmem:s23+$0x4A0] =	vst v9  }
0x60: {  	[tilespmem:s23+$0x480] =	vst v10  }
0x61: {  	[tilespmem:s23+$0x4B0] =	vst v12  }
0x62: {  	[tilespmem:s23+$0x90] =	vst v4  }
0x63: {  	[tilespmem:s23+$0xA0] =	vst v6  }
0x64: {  	[tilespmem:s23+$0x440] =	vst v13  }
0x65: {  	v17 =	vadd.f32 v17, v16;
	[tilespmem:s23+$0x490] =	vst v11  }
0x66: {  	[tilespmem:s23+$0x40] =	vst v15;
	v3 =	vadd.f32 v21, v3  }
0x67: {  	v18 =	vadd.f32 v18, v13;
	v21 =	vld [tilespmem:s23+$0x80];
	[tilespmem:s23+$0xE0] =	vst v17;
	v5 =	vadd.f32 v22, v5  }
0x68: {  	[tilespmem:s23+$0x50] =	vst v3;
	v22 =	vadd.f32 v2, v1;
	v1 =	vadd.f32 v20, v3;
	v3 =	vld [tilespmem:s23+$0xF0]  }
0x69: {  	[tilespmem:s23+$0x4C0] =	vst v18  }
0x6a: {  	[tilespmem:s23+$0x0] =	vst v5  }
0x6b: {  	v20 =	vadd.f32 v19, v15;
	[tilespmem:s23+$0xB0] =	vst v22  }
0x6c: {  	s22 =	sshll.u32 s21, $0x13;
	[tilespmem:s23+$0xD0] =	vst v1;
	v2 =	vadd.f32 v21, v5  }
0x6d: {  	s24 =	sor.u32 s22, s5;
	[tilespmem:s23+$0xC0] =	vst v20;
	v5 =	vadd.f32 v3, v14  }
0x6e: {  	s24 =	sshrl.u32 s24, $0x3;
	[tilespmem:s23+$0x80] =	vst v2  }
0x6f: {  	p0 =	seq.s32 s21, $0x0;
	s25 =	sadd.s32 s3, s24;
	[tilespmem:s23+$0xF0] =	vst v5  }
0x70: {  	[hbm4b:s25+s14] =	stream.strided.scatter [tilespmem:s4], [sflag:$0x2], $0x4000, s15, s14, $0x38;
	[tilespmem:$0x10000] =	vst v63  }
0x71: {  	s25 =	simm.s32 @!p0 $0x2  }
0x72: {  	s26 =	sadd.s32 s9, s22;
	_ =	swait.ge @!p0 [sflag:s25], $0x4000  }
0x73: {  	s23 =	sshrl.u32 s26, $0x3;
	[sflag:s25] =	ssyncset.done @!p0 $0x0  }
0x74: {  	s30 =	sadd.s32 s2, s23;
	[sflag:s25] =	ssyncadd.s32 @!p0 $0xFFFFC000  }
0x75: {  	[tilespmem:s18], [sflag:$0x1] =	stream.strided.gather [hbm4b:s30+s14], $0x4000, s15, s14, $0x38;
	[tilespmem:$0x10000] =	vst v63  }
0x76: {  	s31 =	simm.s32 $0x0;
	_ =	swait.ge [sflag:s17], $0x4000  }
0x77: {  	s26 =	sand.u32 $0x3800, s31;
	s25 =	sand.u32 $0x300, s31;
	[sflag:s17] =	ssyncset.done $0x0  }
0x78: {  	s25 =	sor.u32 s25, s26;
	[sflag:s17] =	ssyncadd.s32 $0xFFFFC000  }
0x79: {  	v3 =	vld [tilespmem:s25+$0x44F0]  }
0x7a: {  	v13 =	vld [tilespmem:s25+$0x44E0]  }
0x7b: {  	v15 =	vld [tilespmem:s25+$0x4010]  }
0x7c: {  	v23 =	vld [tilespmem:s25+$0x4490]  }
0x7d: {  	v14 =	vld [tilespmem:s25+$0x44D0]  }
0x7e: {  	v19 =	vld [tilespmem:s25+$0x44A0]  }
0x7f: {  	v16 =	vld [tilespmem:s25+$0x4470]  }
0x80: {  	v21 =	vld [tilespmem:s25+$0x4430]  }
0x81: {  	v24 =	vld [tilespmem:s25+$0x4450]  }
0x82: {  	v25 =	vld [tilespmem:s25+$0x4460]  }
0x83: {  	v26 =	vld [tilespmem:s25+$0x4020]  }
0x84: {  	v27 =	vld [tilespmem:s25+$0x4040]  }
0x85: {  	v60 =	vld [tilespmem:s25+$0x4420]  }
0x86: {  	v28 =	vld [tilespmem:s25+$0x4030]  }
0x87: {  	v29 =	vld [tilespmem:s25+$0x44B0];
	v59 =	vadd.f32 v25, v7  }
0x88: {  	v30 =	vld [tilespmem:s25+$0x4090];
	v31 =	vadd.f32 v21, v12  }
0x89: {  	v32 =	vld [tilespmem:s25+$0x40A0];
	v16 =	vadd.f32 v16, v0;
	[tilespmem:s25+$0x4460] =	vst v59  }
0x8a: {  	v61 =	vld [tilespmem:s25+$0x4070];
	v9 =	vadd.f32 v60, v9;
	[tilespmem:s25+$0x4430] =	vst v31  }
0x8b: {  	v63 =	vld [tilespmem:s25+$0x4480];
	v62 =	vadd.f32 v15, v4;
	v26 =	vadd.f32 v26, v6;
	[tilespmem:s25+$0x4470] =	vst v16  }
0x8c: {  	v12 =	vld [tilespmem:s25+$0x4410];
	v0 =	vadd.f32 v3, v16;
	v3 =	vadd.f32 v24, v8;
	[tilespmem:s25+$0x4420] =	vst v9  }
0x8d: {  	v21 =	vld [tilespmem:s25+$0x4400];
	[tilespmem:s25+$0x4010] =	vst v62  }
0x8e: {  	v8 =	vld [tilespmem:s25+$0x4440];
	[tilespmem:s25+$0x4020] =	vst v26;
	v7 =	vadd.f32 v14, v3  }
0x8f: {  	[tilespmem:s25+$0x4450] =	vst v3;
	v3 =	vadd.f32 v13, v59;
	v13 =	vadd.f32 v28, v22;
	v22 =	vld [tilespmem:s25+$0x4060]  }
0x90: {  	v15 =	vld [tilespmem:s25+$0x40E0];
	[tilespmem:s25+$0x44F0] =	vst v0  }
0x91: {  	v20 =	vadd.f32 v27, v20;
	v16 =	vld [tilespmem:s25+$0x44C0];
	v4 =	vadd.f32 v30, v62;
	[tilespmem:s25+$0x44D0] =	vst v7  }
0x92: {  	v9 =	vadd.f32 v19, v9;
	v14 =	vld [tilespmem:s25+$0x40B0];
	v11 =	vadd.f32 v12, v11;
	[tilespmem:s25+$0x44E0] =	vst v3  }
0x93: {  	v10 =	vadd.f32 v21, v10;
	[tilespmem:s25+$0x4030] =	vst v13;
	v8 =	vadd.f32 v8, v18;
	v18 =	vld [tilespmem:s25+$0x40C0]  }
0x94: {  	v6 =	vadd.f32 v29, v31;
	v21 =	vld [tilespmem:s25+$0x4050];
	[tilespmem:s25+$0x4410] =	vst v11;
	v17 =	vadd.f32 v22, v17  }
0x95: {  	v19 =	vld [tilespmem:s25+$0x40D0];
	v12 =	vadd.f32 v61, v5;
	v5 =	vadd.f32 v32, v26;
	[tilespmem:s25+$0x4400] =	vst v10  }
0x96: {  	s28 =	simm.s32 $0x100;
	s29 =	simm.s32 $0x200;
	s26 =	simm.s32 $0x0;
	v10 =	vadd.f32 v63, v10;
	v11 =	vadd.f32 v23, v11;
	v22 =	vld [tilespmem:s25+$0x4000];
	[tilespmem:s25+$0x4060] =	vst v17  }
.LBB2_5:
0x97: {  	s30 =	sand.u32 $0x3800, s29;
	s31 =	sand.u32 $0x300, s28;
	s26 =	sadd.s32 $0x2, s26;
	[tilespmem:s25+$0x4070] =	vst v12;
	v23 =	vld [tilespmem:s25+$0x4080];
	v13 =	vadd.f32 v14, v13;
	v24 =	vadd.f32 v16, v8  }
0x98: {  	s30 =	sor.u32 s31, s30;
	p0 =	slt.u32 s26, $0x3E;
	v25 =	vadd.f32 v18, v20;
	v14 =	vld [tilespmem:s25+$0x40F0];
	[tilespmem:s25+$0x4490] =	vst v11  }
0x99: {  	v16 =	vld [tilespmem:s30+$0x44F0];
	v1 =	vadd.f32 v21, v1;
	[tilespmem:s25+$0x44A0] =	vst v9  }
0x9a: {  	v18 =	vld [tilespmem:s30+$0x44E0];
	[tilespmem:s25+$0x4480] =	vst v10  }
0x9b: {  	v21 =	vld [tilespmem:s30+$0x4010];
	v2 =	vadd.f32 v22, v2;
	[tilespmem:s25+$0x4050] =	vst v1;
	v1 =	vadd.f32 v19, v1  }
0x9c: {  	v26 =	vld [tilespmem:s30+$0x4490];
	[tilespmem:s25+$0x4040] =	vst v20  }
0x9d: {  	v17 =	vadd.f32 v15, v17;
	v19 =	vld [tilespmem:s30+$0x44D0];
	[tilespmem:s25+$0x4000] =	vst v2;
	v2 =	vadd.f32 v23, v2  }
0x9e: {  	v20 =	vld [tilespmem:s30+$0x44A0];
	[tilespmem:s25+$0x40B0] =	vst v13  }
0x9f: {  	v12 =	vadd.f32 v14, v12;
	v15 =	vld [tilespmem:s30+$0x4470];
	[tilespmem:s25+$0x40D0] =	vst v1  }
0xa0: {  	v14 =	vld [tilespmem:s30+$0x4430];
	[tilespmem:s25+$0x40C0] =	vst v25  }
0xa1: {  	v22 =	vld [tilespmem:s30+$0x4450];
	[tilespmem:s25+$0x4080] =	vst v2  }
0xa2: {  	v23 =	vld [tilespmem:s30+$0x4460];
	[tilespmem:s25+$0x40E0] =	vst v17  }
0xa3: {  	v27 =	vld [tilespmem:s30+$0x4020];
	[tilespmem:s25+$0x44B0] =	vst v6  }
0xa4: {  	v28 =	vld [tilespmem:s30+$0x4040];
	v15 =	vadd.f32 v15, v0;
	[tilespmem:s25+$0x4090] =	vst v4  }
0xa5: {  	v29 =	vld [tilespmem:s30+$0x4030];
	[tilespmem:s25+$0x40A0] =	vst v5  }
0xa6: {  	v6 =	vadd.f32 v14, v6;
	v30 =	vld [tilespmem:s30+$0x44B0];
	v0 =	vadd.f32 v16, v15;
	[tilespmem:s25+$0x40F0] =	vst v12  }
0xa7: {  	v16 =	vld [tilespmem:s30+$0x4090];
	[tilespmem:s25+$0x4440] =	vst v8  }
0xa8: {  	v7 =	vadd.f32 v22, v7;
	v8 =	vld [tilespmem:s30+$0x40A0];
	[tilespmem:s25+$0x44C0] =	vst v24;
	s25 =	smov.u32 s30  }
0xa9: {  	v3 =	vadd.f32 v23, v3;
	v22 =	vld [tilespmem:s25+$0x4440];
	[tilespmem:s25+$0x44F0] =	vst v0  }
0xaa: {  	v23 =	vld [tilespmem:s25+$0x4420];
	[tilespmem:s25+$0x4450] =	vst v7  }
0xab: {  	v7 =	vadd.f32 v19, v7;
	v31 =	vld [tilespmem:s25+$0x4410];
	[tilespmem:s25+$0x4460] =	vst v3;
	v3 =	vadd.f32 v18, v3  }
0xac: {  	v18 =	vld [tilespmem:s25+$0x4400];
	[tilespmem:s25+$0x4430] =	vst v6  }
0xad: {  	v19 =	vld [tilespmem:s25+$0x4070];
	[tilespmem:s25+$0x44D0] =	vst v7  }
0xae: {  	v13 =	vadd.f32 v29, v13;
	v14 =	vld [tilespmem:s25+$0x40B0];
	[tilespmem:s25+$0x44E0] =	vst v3  }
0xaf: {  	v21 =	vadd.f32 v21, v4;
	v29 =	vld [tilespmem:s25+$0x4060];
	v9 =	vadd.f32 v23, v9;
	[tilespmem:s25+$0x4470] =	vst v15  }
0xb0: {  	v23 =	vadd.f32 v27, v5;
	[tilespmem:s25+$0x4030] =	vst v13;
	v11 =	vadd.f32 v31, v11;
	v27 =	vld [tilespmem:s25+$0x4480]  }
0xb1: {  	v4 =	vadd.f32 v16, v21;
	v10 =	vadd.f32 v18, v10;
	[tilespmem:s25+$0x4420] =	vst v9;
	v16 =	vld [tilespmem:s25+$0x44C0]  }
.Ltmp3:
0xb2: {  	v5 =	vadd.f32 v8, v23;
	v12 =	vadd.f32 v19, v12;
	[tilespmem:s25+$0x4410] =	vst v11;
	v15 =	vld [tilespmem:s25+$0x40E0];
	(pc) =	sbr.rel @p0 .LBB2_5-.Ltmp3, $4  }
0xb3: {  	v8 =	vadd.f32 v22, v24;
	v9 =	vadd.f32 v20, v9;
	[tilespmem:s25+$0x4400] =	vst v10;
	v18 =	vld [tilespmem:s25+$0x40C0]  }
0xb4: {  	v6 =	vadd.f32 v30, v6;
	[tilespmem:s25+$0x4010] =	vst v21;
	v21 =	vld [tilespmem:s25+$0x4050];
	v17 =	vadd.f32 v29, v17  }
0xb5: {  	[tilespmem:s25+$0x4020] =	vst v23;
	v19 =	vld [tilespmem:s25+$0x40D0];
	v10 =	vadd.f32 v27, v10  }
0xb6: {  	s28 =	sadd.s32 $0x100, s28;
	s29 =	sadd.s32 $0x200, s29;
	v20 =	vadd.f32 v28, v25;
	v11 =	vadd.f32 v26, v11;
	v22 =	vld [tilespmem:s25+$0x4000];
	[tilespmem:s25+$0x4060] =	vst v17  }
0xb7: {  	[tilespmem:s25+$0x4070] =	vst v12  }
0xb8: {  	[tilespmem:s25+$0x44A0] =	vst v9  }
0xb9: {  	[tilespmem:s25+$0x4480] =	vst v10  }
0xba: {  	[tilespmem:s25+$0x44B0] =	vst v6  }
0xbb: {  	[tilespmem:s25+$0x4090] =	vst v4  }
0xbc: {  	[tilespmem:s25+$0x40A0] =	vst v5  }
0xbd: {  	[tilespmem:s25+$0x4440] =	vst v8  }
0xbe: {  	v13 =	vadd.f32 v14, v13;
	[tilespmem:s25+$0x4490] =	vst v11  }
0xbf: {  	[tilespmem:s25+$0x4040] =	vst v20;
	v20 =	vadd.f32 v18, v20  }
0xc0: {  	v14 =	vld [tilespmem:s25+$0x40F0];
	v18 =	vadd.f32 v15, v17;
	[tilespmem:s25+$0x40B0] =	vst v13  }
0xc1: {  	v1 =	vadd.f32 v21, v1;
	v21 =	vld [tilespmem:s25+$0x4080];
	[tilespmem:s25+$0x40C0] =	vst v20  }
0xc2: {  	[tilespmem:s25+$0x40E0] =	vst v18;
	v2 =	vadd.f32 v22, v2  }
0xc3: {  	[tilespmem:s25+$0x4050] =	vst v1;
	v1 =	vadd.f32 v19, v1  }
0xc4: {  	v19 =	vadd.f32 v16, v8;
	[tilespmem:s25+$0x4000] =	vst v2  }
0xc5: {  	v12 =	vadd.f32 v14, v12;
	[tilespmem:s25+$0x40D0] =	vst v1  }
0xc6: {  	[tilespmem:s25+$0x44C0] =	vst v19;
	v2 =	vadd.f32 v21, v2  }
0xc7: {  	s26 =	sor.u32 $0x4000, s24;
	p0 =	seq.s32 s21, $0x1F;
	[tilespmem:s25+$0x40F0] =	vst v12  }
0xc8: {  	s26 =	sadd.s32 s3, s26;
	[tilespmem:s25+$0x4080] =	vst v2;
	s25 =	simm.s32 @!p0 $0x2  }
0xc9: {  	[hbm4b:s26+s14] =	stream.strided.scatter [tilespmem:s15], [sflag:$0x2], $0x4000, s15, s14, $0x38;
	[tilespmem:$0x10000] =	vst v63  }
0xca: {  	s28 =	simm.s32 @!p0 $0x4000;
	s26 =	sadd.s32 @!p0 s22, s10;
	_ =	swait.ge @!p0 [sflag:s25], $0x4000  }
0xcb: {  	s29 =	simm.s32 @!p0 $0x0;
	s26 =	sshrl.u32 @!p0 s26, $0x3;
	[sflag:s25] =	ssyncset.done @!p0 $0x0  }
0xcc: {  	[sflag:s25] =	ssyncadd.s32 @!p0 $0xFFFFC000;
	s25 =	sadd.s32 @!p0 s2, s26;
	s26 =	simm.s32 @!p0 $0x800  }
0xcd: {  	[tilespmem:s29], [sflag:$0x1] =	stream.strided.gather @!p0 [hbm4b:s25+s26], $0x4000, s28, s26, $0x38;
	[tilespmem:$0x10000] =	vst v63  }
0xce: {  	s30 =	simm.s32 $0x0;
	_ =	swait.ge [sflag:s17], $0x4000  }
0xcf: {  	s31 =	sand.u32 $0x3800, s30;
	s25 =	sand.u32 $0x300, s30;
	[sflag:s17] =	ssyncset.done $0x0  }
0xd0: {  	s25 =	sor.u32 s25, s31;
	[sflag:s17] =	ssyncadd.s32 $0xFFFFC000  }
0xd1: {  	v8 =	vld [tilespmem:s25+$0x84F0]  }
0xd2: {  	v14 =	vld [tilespmem:s25+$0x84E0]  }
0xd3: {  	v16 =	vld [tilespmem:s25+$0x8010]  }
0xd4: {  	v23 =	vld [tilespmem:s25+$0x8490]  }
0xd5: {  	v15 =	vld [tilespmem:s25+$0x84D0]  }
0xd6: {  	v21 =	vld [tilespmem:s25+$0x84A0]  }
0xd7: {  	v17 =	vld [tilespmem:s25+$0x8470]  }
0xd8: {  	v22 =	vld [tilespmem:s25+$0x8430]  }
0xd9: {  	v24 =	vld [tilespmem:s25+$0x8450]  }
0xda: {  	v25 =	vld [tilespmem:s25+$0x8460]  }
0xdb: {  	v26 =	vld [tilespmem:s25+$0x8020]  }
0xdc: {  	v27 =	vld [tilespmem:s25+$0x8040]  }
0xdd: {  	v28 =	vld [tilespmem:s25+$0x8030]  }
0xde: {  	v60 =	vld [tilespmem:s25+$0x8420]  }
0xdf: {  	v31 =	vld [tilespmem:s25+$0x8410];
	v7 =	vadd.f32 v24, v7  }
0xe0: {  	v29 =	vld [tilespmem:s25+$0x84B0];
	v3 =	vadd.f32 v25, v3  }
0xe1: {  	v61 =	vld [tilespmem:s25+$0x8060];
	v22 =	vadd.f32 v22, v6;
	[tilespmem:s25+$0x8450] =	vst v7  }
0xe2: {  	v30 =	vld [tilespmem:s25+$0x8090];
	v17 =	vadd.f32 v17, v0;
	[tilespmem:s25+$0x8460] =	vst v3  }
0xe3: {  	v59 =	vld [tilespmem:s25+$0x8440];
	v9 =	vadd.f32 v60, v9;
	[tilespmem:s25+$0x8430] =	vst v22  }
0xe4: {  	v32 =	vld [tilespmem:s25+$0x80A0];
	v11 =	vadd.f32 v31, v11;
	[tilespmem:s25+$0x8470] =	vst v17  }
0xe5: {  	v63 =	vld [tilespmem:s25+$0x8480];
	v62 =	vadd.f32 v16, v4;
	[tilespmem:s25+$0x8420] =	vst v9  }
0xe6: {  	v26 =	vadd.f32 v26, v5;
	v16 =	vld [tilespmem:s25+$0x80E0];
	v18 =	vadd.f32 v61, v18;
	[tilespmem:s25+$0x8410] =	vst v11  }
0xe7: {  	v0 =	vadd.f32 v8, v17;
	v8 =	vadd.f32 v15, v7;
	v7 =	vld [tilespmem:s25+$0x8400];
	[tilespmem:s25+$0x8010] =	vst v62  }
0xe8: {  	v6 =	vadd.f32 v14, v3;
	v14 =	vld [tilespmem:s25+$0x8070];
	[tilespmem:s25+$0x8020] =	vst v26  }
0xe9: {  	v20 =	vadd.f32 v27, v20;
	v15 =	vld [tilespmem:s25+$0x80B0];
	[tilespmem:s25+$0x8060] =	vst v18  }
0xea: {  	v3 =	vadd.f32 v28, v13;
	v17 =	vld [tilespmem:s25+$0x84C0];
	v4 =	vadd.f32 v30, v62;
	[tilespmem:s25+$0x84F0] =	vst v0  }
0xeb: {  	v5 =	vld [tilespmem:s25+$0x80C0];
	v13 =	vadd.f32 v59, v19;
	v9 =	vadd.f32 v21, v9;
	[tilespmem:s25+$0x84D0] =	vst v8  }
0xec: {  	v21 =	vld [tilespmem:s25+$0x8050];
	v11 =	vadd.f32 v23, v11;
	[tilespmem:s25+$0x84E0] =	vst v6;
	v10 =	vadd.f32 v7, v10  }
0xed: {  	v19 =	vld [tilespmem:s25+$0x80D0];
	[tilespmem:s25+$0x8030] =	vst v3;
	v14 =	vadd.f32 v14, v12;
	v7 =	vadd.f32 v32, v26  }
0xee: {  	s26 =	simm.s32 $0x0;
	s28 =	simm.s32 $0x100;
	s29 =	simm.s32 $0x200;
	v12 =	vadd.f32 v29, v22;
	v22 =	vld [tilespmem:s25+$0x8000];
	[tilespmem:s25+$0x8400] =	vst v10;
	v10 =	vadd.f32 v63, v10  }
.LBB2_7:
0xef: {  	s30 =	sand.u32 $0x3800, s29;
	s31 =	sand.u32 $0x300, s28;
	s26 =	sadd.s32 $0x2, s26;
	[tilespmem:s25+$0x8070] =	vst v14;
	v23 =	vld [tilespmem:s25+$0x8080];
	v3 =	vadd.f32 v15, v3;
	v24 =	vadd.f32 v17, v13  }
0xf0: {  	s30 =	sor.u32 s31, s30;
	p1 =	slt.u32 s26, $0x3E;
	v25 =	vadd.f32 v5, v20;
	v5 =	vld [tilespmem:s25+$0x80F0];
	[tilespmem:s25+$0x8490] =	vst v11  }
0xf1: {  	v15 =	vld [tilespmem:s30+$0x84F0];
	v1 =	vadd.f32 v21, v1;
	[tilespmem:s25+$0x84A0] =	vst v9  }
0xf2: {  	v17 =	vld [tilespmem:s30+$0x84E0];
	[tilespmem:s25+$0x8480] =	vst v10  }
0xf3: {  	v21 =	vld [tilespmem:s30+$0x8010];
	v2 =	vadd.f32 v22, v2;
	[tilespmem:s25+$0x8050] =	vst v1;
	v1 =	vadd.f32 v19, v1  }
0xf4: {  	v26 =	vld [tilespmem:s30+$0x8490];
	[tilespmem:s25+$0x8040] =	vst v20  }
0xf5: {  	v18 =	vadd.f32 v16, v18;
	v19 =	vld [tilespmem:s30+$0x84D0];
	[tilespmem:s25+$0x8000] =	vst v2;
	v2 =	vadd.f32 v23, v2  }
0xf6: {  	v20 =	vld [tilespmem:s30+$0x84A0];
	[tilespmem:s25+$0x80B0] =	vst v3  }
0xf7: {  	v5 =	vadd.f32 v5, v14;
	v16 =	vld [tilespmem:s30+$0x8470];
	[tilespmem:s25+$0x80D0] =	vst v1  }
0xf8: {  	v14 =	vld [tilespmem:s30+$0x8430];
	[tilespmem:s25+$0x80C0] =	vst v25  }
0xf9: {  	v22 =	vld [tilespmem:s30+$0x8450];
	[tilespmem:s25+$0x8080] =	vst v2  }
0xfa: {  	v23 =	vld [tilespmem:s30+$0x8460];
	[tilespmem:s25+$0x80E0] =	vst v18  }
0xfb: {  	v27 =	vld [tilespmem:s30+$0x8020];
	[tilespmem:s25+$0x84B0] =	vst v12  }
0xfc: {  	v28 =	vld [tilespmem:s30+$0x8040];
	v16 =	vadd.f32 v16, v0;
	[tilespmem:s25+$0x8090] =	vst v4  }
0xfd: {  	v29 =	vld [tilespmem:s30+$0x8030];
	[tilespmem:s25+$0x80A0] =	vst v7  }
0xfe: {  	v12 =	vadd.f32 v14, v12;
	v30 =	vld [tilespmem:s30+$0x84B0];
	v0 =	vadd.f32 v15, v16;
	[tilespmem:s25+$0x80F0] =	vst v5  }
0xff: {  	v14 =	vld [tilespmem:s30+$0x8090];
	[tilespmem:s25+$0x8440] =	vst v13  }
0x100: {  	v8 =	vadd.f32 v22, v8;
	v13 =	vld [tilespmem:s30+$0x80A0];
	[tilespmem:s25+$0x84C0] =	vst v24;
	s25 =	smov.u32 s30  }
0x101: {  	v6 =	vadd.f32 v23, v6;
	v22 =	vld [tilespmem:s25+$0x8440];
	[tilespmem:s25+$0x84F0] =	vst v0  }
0x102: {  	v23 =	vld [tilespmem:s25+$0x8420];
	[tilespmem:s25+$0x8450] =	vst v8  }
0x103: {  	v8 =	vadd.f32 v19, v8;
	v31 =	vld [tilespmem:s25+$0x8410];
	[tilespmem:s25+$0x8460] =	vst v6;
	v6 =	vadd.f32 v17, v6  }
0x104: {  	v17 =	vld [tilespmem:s25+$0x8400];
	[tilespmem:s25+$0x8430] =	vst v12  }
0x105: {  	v19 =	vld [tilespmem:s25+$0x8070];
	[tilespmem:s25+$0x84D0] =	vst v8  }
0x106: {  	v3 =	vadd.f32 v29, v3;
	v15 =	vld [tilespmem:s25+$0x80B0];
	[tilespmem:s25+$0x84E0] =	vst v6  }
0x107: {  	v21 =	vadd.f32 v21, v4;
	v29 =	vld [tilespmem:s25+$0x8060];
	v9 =	vadd.f32 v23, v9;
	[tilespmem:s25+$0x8470] =	vst v16  }
0x108: {  	v23 =	vadd.f32 v27, v7;
	[tilespmem:s25+$0x8030] =	vst v3;
	v11 =	vadd.f32 v31, v11;
	v27 =	vld [tilespmem:s25+$0x8480]  }
0x109: {  	v4 =	vadd.f32 v14, v21;
	v10 =	vadd.f32 v17, v10;
	[tilespmem:s25+$0x8420] =	vst v9;
	v17 =	vld [tilespmem:s25+$0x84C0]  }
.Ltmp4:
0x10a: {  	v7 =	vadd.f32 v13, v23;
	v14 =	vadd.f32 v19, v5;
	[tilespmem:s25+$0x8410] =	vst v11;
	v16 =	vld [tilespmem:s25+$0x80E0];
	(pc) =	sbr.rel @p1 .LBB2_7-.Ltmp4, $4  }
0x10b: {  	v13 =	vadd.f32 v22, v24;
	v9 =	vadd.f32 v20, v9;
	[tilespmem:s25+$0x8400] =	vst v10;
	v5 =	vld [tilespmem:s25+$0x80C0]  }
0x10c: {  	v12 =	vadd.f32 v30, v12;
	[tilespmem:s25+$0x8010] =	vst v21;
	v21 =	vld [tilespmem:s25+$0x8050];
	v18 =	vadd.f32 v29, v18  }
0x10d: {  	[tilespmem:s25+$0x8020] =	vst v23;
	v19 =	vld [tilespmem:s25+$0x80D0];
	v10 =	vadd.f32 v27, v10  }
0x10e: {  	s28 =	sadd.s32 $0x100, s28;
	s29 =	sadd.s32 $0x200, s29;
	v20 =	vadd.f32 v28, v25;
	v11 =	vadd.f32 v26, v11;
	v22 =	vld [tilespmem:s25+$0x8000];
	[tilespmem:s25+$0x8060] =	vst v18  }
0x10f: {  	[tilespmem:s25+$0x8070] =	vst v14  }
0x110: {  	[tilespmem:s25+$0x84A0] =	vst v9  }
0x111: {  	[tilespmem:s25+$0x8480] =	vst v10  }
0x112: {  	[tilespmem:s25+$0x84B0] =	vst v12  }
0x113: {  	[tilespmem:s25+$0x8090] =	vst v4  }
0x114: {  	[tilespmem:s25+$0x80A0] =	vst v7  }
0x115: {  	[tilespmem:s25+$0x8440] =	vst v13  }
0x116: {  	v15 =	vadd.f32 v15, v3;
	[tilespmem:s25+$0x8490] =	vst v11  }
0x117: {  	[tilespmem:s25+$0x8040] =	vst v20;
	v1 =	vadd.f32 v21, v1  }
0x118: {  	v18 =	vadd.f32 v16, v18;
	v21 =	vld [tilespmem:s25+$0x8080];
	[tilespmem:s25+$0x80B0] =	vst v15  }
0x119: {  	v20 =	vadd.f32 v5, v20;
	[tilespmem:s25+$0x8050] =	vst v1;
	v3 =	vadd.f32 v19, v1;
	v1 =	vld [tilespmem:s25+$0x80F0]  }
0x11a: {  	[tilespmem:s25+$0x80E0] =	vst v18;
	v2 =	vadd.f32 v22, v2  }
0x11b: {  	[tilespmem:s25+$0x80C0] =	vst v20  }
0x11c: {  	v19 =	vadd.f32 v17, v13;
	[tilespmem:s25+$0x8000] =	vst v2  }
0x11d: {  	[tilespmem:s25+$0x80D0] =	vst v3;
	v5 =	vadd.f32 v21, v2  }
0x11e: {  	[tilespmem:s25+$0x84C0] =	vst v19;
	v16 =	vadd.f32 v1, v14  }
0x11f: {  	s24 =	sor.u32 $0x8000, s24;
	[tilespmem:s25+$0x8080] =	vst v5  }
0x120: {  	s24 =	sadd.s32 s3, s24;
	[tilespmem:s25+$0x80F0] =	vst v16  }
0x121: {  	[hbm4b:s24+s14] =	stream.strided.scatter [tilespmem:s16], [sflag:$0x2], $0x4000, s15, s14, $0x38;
	[tilespmem:$0x10000] =	vst v63  }
0x122: {  	s24 =	simm.s32 @!p0 $0x2  }
0x123: {  	_ =	swait.ge @!p0 [sflag:s24], $0x4000  }
0x124: {  	s25 =	sadd.s32 @!p0 s22, s11;
	[sflag:s24] =	ssyncset.done @!p0 $0x0  }
0x125: {  	[sflag:s24] =	ssyncadd.s32 @!p0 $0xFFFFC000;
	s24 =	sshrl.u32 @!p0 s25, $0x3  }
0x126: {  	s26 =	simm.s32 @!p0 $0x4000;
	s25 =	simm.s32 @!p0 $0x800;
	s24 =	sadd.s32 @!p0 s2, s24  }
0x127: {  	[tilespmem:s26], [sflag:$0x1] =	stream.strided.gather @!p0 [hbm4b:s24+s25], $0x4000, s26, s25, $0x38;
	[tilespmem:$0x10000] =	vst v63  }
0x128: {  	s30 =	simm.s32 $0x0;
	_ =	swait.ge [sflag:s17], $0x4000  }
0x129: {  	s31 =	sand.u32 $0x3800, s30;
	s24 =	sand.u32 $0x300, s30;
	[sflag:s17] =	ssyncset.done $0x0  }
0x12a: {  	s24 =	sor.u32 s24, s31;
	[sflag:s17] =	ssyncadd.s32 $0xFFFFC000  }
0x12b: {  	v1 =	vld [tilespmem:s24+$0xC4F0]  }
0x12c: {  	v13 =	vld [tilespmem:s24+$0xC4E0]  }
0x12d: {  	v17 =	vld [tilespmem:s24+$0xC010]  }
0x12e: {  	v23 =	vld [tilespmem:s24+$0xC490]  }
0x12f: {  	v2 =	vld [tilespmem:s24+$0xC4D0]  }
0x130: {  	v21 =	vld [tilespmem:s24+$0xC4A0]  }
0x131: {  	v14 =	vld [tilespmem:s24+$0xC470]  }
0x132: {  	v22 =	vld [tilespmem:s24+$0xC430]  }
0x133: {  	v24 =	vld [tilespmem:s24+$0xC450]  }
0x134: {  	v25 =	vld [tilespmem:s24+$0xC460]  }
0x135: {  	v26 =	vld [tilespmem:s24+$0xC020]  }
0x136: {  	v27 =	vld [tilespmem:s24+$0xC040]  }
0x137: {  	v60 =	vld [tilespmem:s24+$0xC420]  }
0x138: {  	v61 =	vld [tilespmem:s24+$0xC400]  }
0x139: {  	v29 =	vld [tilespmem:s24+$0xC4B0];
	v6 =	vadd.f32 v25, v6  }
0x13a: {  	v30 =	vld [tilespmem:s24+$0xC090];
	v22 =	vadd.f32 v22, v12  }
0x13b: {  	v62 =	vld [tilespmem:s24+$0xC060];
	v28 =	vadd.f32 v14, v0;
	[tilespmem:s24+$0xC460] =	vst v6  }
0x13c: {  	v31 =	vld [tilespmem:s24+$0xC0A0];
	v9 =	vadd.f32 v60, v9;
	[tilespmem:s24+$0xC430] =	vst v22  }
0x13d: {  	v32 =	vld [tilespmem:s24+$0xC070];
	v10 =	vadd.f32 v61, v10;
	[tilespmem:s24+$0xC470] =	vst v28  }
0x13e: {  	v33 =	vld [tilespmem:s24+$0xC480];
	v63 =	vadd.f32 v17, v4;
	[tilespmem:s24+$0xC420] =	vst v9  }
0x13f: {  	v14 =	vld [tilespmem:s24+$0xC030];
	v26 =	vadd.f32 v26, v7;
	[tilespmem:s24+$0xC400] =	vst v10  }
0x140: {  	v12 =	vld [tilespmem:s24+$0xC410];
	v18 =	vadd.f32 v62, v18;
	[tilespmem:s24+$0xC010] =	vst v63  }
0x141: {  	v17 =	vld [tilespmem:s24+$0xC4C0];
	v0 =	vadd.f32 v1, v28;
	v1 =	vadd.f32 v24, v8;
	[tilespmem:s24+$0xC020] =	vst v26  }
0x142: {  	v20 =	vadd.f32 v27, v20;
	v8 =	vld [tilespmem:s24+$0xC440];
	[tilespmem:s24+$0xC060] =	vst v18  }
0x143: {  	v9 =	vadd.f32 v21, v9;
	v21 =	vld [tilespmem:s24+$0xC050];
	[tilespmem:s24+$0xC4F0] =	vst v0;
	v2 =	vadd.f32 v2, v1  }
0x144: {  	[tilespmem:s24+$0xC450] =	vst v1;
	v1 =	vadd.f32 v13, v6;
	v13 =	vadd.f32 v14, v15;
	v14 =	vld [tilespmem:s24+$0xC0B0]  }
0x145: {  	v4 =	vadd.f32 v31, v26;
	v7 =	vadd.f32 v29, v22;
	v15 =	vld [tilespmem:s24+$0xC0C0];
	[tilespmem:s24+$0xC4D0] =	vst v2  }
0x146: {  	v10 =	vadd.f32 v33, v10;
	v22 =	vld [tilespmem:s24+$0xC000];
	v11 =	vadd.f32 v12, v11;
	[tilespmem:s24+$0xC4E0] =	vst v1  }
0x147: {  	v12 =	vadd.f32 v32, v16;
	v16 =	vld [tilespmem:s24+$0xC0E0];
	[tilespmem:s24+$0xC030] =	vst v13;
	v8 =	vadd.f32 v8, v19  }
0x148: {  	s28 =	simm.s32 $0x200;
	s25 =	simm.s32 $0x0;
	s26 =	simm.s32 $0x100;
	v6 =	vadd.f32 v30, v63;
	[tilespmem:s24+$0xC410] =	vst v11;
	v19 =	vld [tilespmem:s24+$0xC0D0];
	v11 =	vadd.f32 v23, v11  }
.LBB2_9:
0x149: {  	s29 =	sand.u32 $0x3800, s28;
	s30 =	sand.u32 $0x300, s26;
	s25 =	sadd.s32 $0x2, s25;
	[tilespmem:s24+$0xC070] =	vst v12;
	v23 =	vld [tilespmem:s24+$0xC080];
	v13 =	vadd.f32 v14, v13;
	v24 =	vadd.f32 v17, v8  }
0x14a: {  	s29 =	sor.u32 s30, s29;
	p1 =	slt.u32 s25, $0x3E;
	v25 =	vadd.f32 v15, v20;
	v14 =	vld [tilespmem:s24+$0xC0F0];
	[tilespmem:s24+$0xC490] =	vst v11  }
0x14b: {  	v15 =	vld [tilespmem:s29+$0xC4F0];
	v3 =	vadd.f32 v21, v3;
	[tilespmem:s24+$0xC4A0] =	vst v9  }
0x14c: {  	v17 =	vld [tilespmem:s29+$0xC4E0];
	[tilespmem:s24+$0xC480] =	vst v10  }
0x14d: {  	v21 =	vld [tilespmem:s29+$0xC010];
	v5 =	vadd.f32 v22, v5;
	[tilespmem:s24+$0xC050] =	vst v3;
	v3 =	vadd.f32 v19, v3  }
0x14e: {  	v26 =	vld [tilespmem:s29+$0xC490];
	[tilespmem:s24+$0xC040] =	vst v20  }
0x14f: {  	v18 =	vadd.f32 v16, v18;
	v19 =	vld [tilespmem:s29+$0xC4D0];
	[tilespmem:s24+$0xC000] =	vst v5;
	v5 =	vadd.f32 v23, v5  }
0x150: {  	v20 =	vld [tilespmem:s29+$0xC4A0];
	[tilespmem:s24+$0xC0B0] =	vst v13  }
0x151: {  	v12 =	vadd.f32 v14, v12;
	v16 =	vld [tilespmem:s29+$0xC470];
	[tilespmem:s24+$0xC0D0] =	vst v3  }
0x152: {  	v14 =	vld [tilespmem:s29+$0xC430];
	[tilespmem:s24+$0xC0C0] =	vst v25  }
0x153: {  	v22 =	vld [tilespmem:s29+$0xC450];
	[tilespmem:s24+$0xC080] =	vst v5  }
0x154: {  	v23 =	vld [tilespmem:s29+$0xC460];
	[tilespmem:s24+$0xC0E0] =	vst v18  }
0x155: {  	v27 =	vld [tilespmem:s29+$0xC020];
	[tilespmem:s24+$0xC4B0] =	vst v7  }
0x156: {  	v28 =	vld [tilespmem:s29+$0xC040];
	v16 =	vadd.f32 v16, v0;
	[tilespmem:s24+$0xC090] =	vst v6  }
0x157: {  	v29 =	vld [tilespmem:s29+$0xC030];
	[tilespmem:s24+$0xC0A0] =	vst v4  }
0x158: {  	v7 =	vadd.f32 v14, v7;
	v30 =	vld [tilespmem:s29+$0xC4B0];
	v0 =	vadd.f32 v15, v16;
	[tilespmem:s24+$0xC0F0] =	vst v12  }
0x159: {  	v15 =	vld [tilespmem:s29+$0xC090];
	[tilespmem:s24+$0xC440] =	vst v8  }
0x15a: {  	v2 =	vadd.f32 v22, v2;
	v8 =	vld [tilespmem:s29+$0xC0A0];
	[tilespmem:s24+$0xC4C0] =	vst v24;
	s24 =	smov.u32 s29  }
0x15b: {  	v1 =	vadd.f32 v23, v1;
	v22 =	vld [tilespmem:s24+$0xC440];
	[tilespmem:s24+$0xC4F0] =	vst v0  }
0x15c: {  	v23 =	vld [tilespmem:s24+$0xC420];
	[tilespmem:s24+$0xC450] =	vst v2  }
0x15d: {  	v2 =	vadd.f32 v19, v2;
	v31 =	vld [tilespmem:s24+$0xC410];
	[tilespmem:s24+$0xC460] =	vst v1;
	v1 =	vadd.f32 v17, v1  }
0x15e: {  	v17 =	vld [tilespmem:s24+$0xC400];
	[tilespmem:s24+$0xC430] =	vst v7  }
0x15f: {  	v19 =	vld [tilespmem:s24+$0xC070];
	[tilespmem:s24+$0xC4D0] =	vst v2  }
0x160: {  	v13 =	vadd.f32 v29, v13;
	v14 =	vld [tilespmem:s24+$0xC0B0];
	[tilespmem:s24+$0xC4E0] =	vst v1  }
0x161: {  	v21 =	vadd.f32 v21, v6;
	v29 =	vld [tilespmem:s24+$0xC060];
	v9 =	vadd.f32 v23, v9;
	[tilespmem:s24+$0xC470] =	vst v16  }
0x162: {  	v23 =	vadd.f32 v27, v4;
	[tilespmem:s24+$0xC030] =	vst v13;
	v11 =	vadd.f32 v31, v11;
	v27 =	vld [tilespmem:s24+$0xC480]  }
0x163: {  	v6 =	vadd.f32 v15, v21;
	v10 =	vadd.f32 v17, v10;
	[tilespmem:s24+$0xC420] =	vst v9;
	v17 =	vld [tilespmem:s24+$0xC4C0]  }
.Ltmp5:
0x164: {  	v4 =	vadd.f32 v8, v23;
	v12 =	vadd.f32 v19, v12;
	[tilespmem:s24+$0xC410] =	vst v11;
	v16 =	vld [tilespmem:s24+$0xC0E0];
	(pc) =	sbr.rel @p1 .LBB2_9-.Ltmp5, $4  }
0x165: {  	v8 =	vadd.f32 v22, v24;
	v9 =	vadd.f32 v20, v9;
	[tilespmem:s24+$0xC400] =	vst v10;
	v15 =	vld [tilespmem:s24+$0xC0C0]  }
0x166: {  	v7 =	vadd.f32 v30, v7;
	[tilespmem:s24+$0xC010] =	vst v21;
	v21 =	vld [tilespmem:s24+$0xC050];
	v18 =	vadd.f32 v29, v18  }
0x167: {  	[tilespmem:s24+$0xC020] =	vst v23;
	v19 =	vld [tilespmem:s24+$0xC0D0];
	v10 =	vadd.f32 v27, v10  }
0x168: {  	s26 =	sadd.s32 $0x100, s26;
	s28 =	sadd.s32 $0x200, s28;
	v20 =	vadd.f32 v28, v25;
	v11 =	vadd.f32 v26, v11;
	v22 =	vld [tilespmem:s24+$0xC000];
	[tilespmem:s24+$0xC060] =	vst v18  }
0x169: {  	[tilespmem:s24+$0xC070] =	vst v12  }
0x16a: {  	[tilespmem:s24+$0xC4A0] =	vst v9  }
0x16b: {  	[tilespmem:s24+$0xC480] =	vst v10  }
0x16c: {  	[tilespmem:s24+$0xC4B0] =	vst v7  }
0x16d: {  	[tilespmem:s24+$0xC090] =	vst v6  }
0x16e: {  	[tilespmem:s24+$0xC0A0] =	vst v4  }
0x16f: {  	[tilespmem:s24+$0xC440] =	vst v8  }
0x170: {  	v14 =	vadd.f32 v14, v13;
	[tilespmem:s24+$0xC490] =	vst v11  }
0x171: {  	v13 =	vld [tilespmem:s24+$0xC0F0];
	v16 =	vadd.f32 v16, v18;
	[tilespmem:s24+$0xC040] =	vst v20  }
0x172: {  	v15 =	vadd.f32 v15, v20;
	[tilespmem:s24+$0xC0B0] =	vst v14  }
0x173: {  	v63 =	vld [tilespmem:s24+$0xC080];
	v3 =	vadd.f32 v21, v3;
	[tilespmem:s24+$0xC0E0] =	vst v16  }
0x174: {  	[tilespmem:s24+$0xC0C0] =	vst v15;
	v5 =	vadd.f32 v22, v5  }
0x175: {  	[tilespmem:s24+$0xC050] =	vst v3;
	v3 =	vadd.f32 v19, v3  }
0x176: {  	v13 =	vadd.f32 v13, v12;
	[tilespmem:s24+$0xC000] =	vst v5  }
0x177: {  	v12 =	vadd.f32 v17, v8;
	[tilespmem:s24+$0xC0D0] =	vst v3  }
0x178: {  	v5 =	vadd.f32 v63, v5;
	[tilespmem:s24+$0xC0F0] =	vst v13  }
0x179: {  	[tilespmem:s24+$0xC4C0] =	vst v12  }
.Ltmp6:
0x17a: {  	s23 =	sadd.s32 s3, s23;
	[tilespmem:s24+$0xC080] =	vst v5;
	(pc) =	sbr.rel @p0 .LBB2_12-.Ltmp6, $4  }
0x17b: {  	[hbm4b:s23+s14] =	stream.strided.scatter [tilespmem:s18], [sflag:$0x2], $0x4000, s15, s14, $0x38;
	[tilespmem:$0x10000] =	vst v63  }
0x17c: {  	_ =	swait.ge [sflag:s19], $0x4000  }
0x17d: {  	[sflag:s19] =	ssyncset.done $0x0  }
0x17e: {  	[sflag:s19] =	ssyncadd.s32 $0xFFFFC000  }
.Ltmp7:
0x17f: {  	(pc) =	sbr.rel .LBB2_2-.Ltmp7, $4  }
0x180: {  	s22 =	sadd.s32 s22, s12  }
0x181: {  	s22 =	sshrl.u32 s22, $0x3  }
0x182: {  	s21 =	sadd.s32 $0x1, s21;
	s22 =	sadd.s32 s2, s22  }
0x183: {  	[tilespmem:s16], [sflag:$0x1] =	stream.strided.gather [hbm4b:s22+s14], $0x4000, s15, s14, $0x38;
	[tilespmem:$0x10000] =	vst v63  }
.LBB2_13:
0x184: {  	_ =	sfence.sel $0x180000  }
0x185: {  	[bflag:$0x0] =	sbarrier.arrive $0xFFFF  }
0x186: {  	p0 =	sne.s32 s0, $0x0;
	_ =	strace $0x90000047  }
0x187: {  	s0 =	sadd.s32 @!p0 $0x100000, s1;
	[bflag:$0x2] =	sbarrier.arrive $0xFFFF  }
0x188: {  	[sflag:s0] =	ssyncadd.tile.s32 @!p0 $0x1;
	_ =	shalt  }
.Lfunc_end2:
_tile_overlayer_lowered:
.L_overlay_start_2:
0x189: {  	(tag) =	ssettag $0x2  }
0x18a: {  	s0 =	rddreg [dreg:$0x0];
	s2 =	stileid.u32  }
0x18b: {  	s1 =	rddreg [dreg:$0x1];
	p0 =	sne.s32 s2, $0x0  }
0x18c: {  	s3 =	rddreg [dreg:$0x2];
	[bflag:$0x3] =	sbarrier.arrive $0xFFFF;
	s2 =	simm.s32 @!p0 $0x1C03  }
0x18d: {  	[timem:s3], [sflag:s2] =	dma.local @!p0 [hbm:s0], s1  }
0x18e: {  	s0 =	simm.s32 @!p0 $0x3  }
0x18f: {  	_ =	swait.ge @!p0 [sflag:s0], s1  }
0x190: {  	s1 =	ssub.s32 @!p0 $0x0, s1;
	[sflag:s0] =	ssyncset.done @!p0 $0x0  }
0x191: {  	[sflag:s0] =	ssyncadd.s32 @!p0 s1  }
0x192: {  	[bflag:$0x3] =	sbarrier.arrive $0xFFFF  }
0x193: {  	_ =	shalt  }

</sc_bundles>
